<compile_context>
chip_gen: v7x
topology: tpu7x:2x2x1
jax: 0.10.2.dev20260603
libtpu: 0.0.44.dev20260713+nightly
codegen_flags: <defaults>
</compile_context>

<pallas_src>
import functools

import jax
import jax.numpy as jnp
import numpy as np
from jax import lax
from jax.experimental import pallas as pl
from jax.experimental.pallas import tpu as pltpu
from jax.experimental.pallas import tpu_sc as plsc

B, N, C, K, H, NUM_CLASSES = 4, 2048, 64, 32, 8, 13
BLK1 = 512
BLKA = 256
TD = 128
INV_SQRT_HD = float(1.0 / np.sqrt(C // H))


def _ln(x, g, b, eps=1e-5):
    m = jnp.mean(x, axis=-1, keepdims=True)
    v = jnp.mean((x - m) ** 2, axis=-1, keepdims=True)
    return (x - m) / jnp.sqrt(v + eps) * g + b


def _k1_body(xyz_blk_ref, xyzT_ref, W_emb_ref, b_emb_ref, g1_ref, b1_ref,
             Wq_ref, bq_ref, bk_ref,
             feat_ref, tab_ref, qb_ref, gidx_ref):
    x = xyz_blk_ref[0]
    xaT = xyzT_ref[0]

    features = b_emb_ref[...][None, :] + (
        x[:, 0:1] * W_emb_ref[0:1, :]
        + x[:, 1:2] * W_emb_ref[1:2, :]
        + x[:, 2:3] * W_emb_ref[2:3, :])
    fn = _ln(features, g1_ref[...], b1_ref[...])
    qb = (jnp.dot(fn, Wq_ref[...], preferred_element_type=jnp.float32)
          + bq_ref[...] - bk_ref[...])

    feat_ref[0] = features
    tab_ref[0] = jnp.concatenate(
        [fn, x, jnp.zeros((BLK1, TD - C - 3), jnp.float32)], axis=1)
    qb_ref[0] = qb

    def _rne_bf16(v):
        ui = lax.bitcast_convert_type(v, jnp.uint32)
        r = (ui + 0x7FFF + ((ui >> 16) & 1)) & jnp.uint32(0xFFFF0000)
        return lax.bitcast_convert_type(r, jnp.float32)

    xxb = jnp.sum(x * x, axis=1, keepdims=True)
    xxa = jnp.sum(xaT * xaT, axis=0, keepdims=True)
    xr = _rne_bf16(x)
    xaTr = _rne_bf16(xaT)
    psum = (xr[:, 0:1] * xaTr[0:1, :]
            + xr[:, 1:2] * xaTr[1:2, :]
            + xr[:, 2:3] * xaTr[2:3, :])
    inner = -2.0 * psum
    X = -xxb - inner - xxa

    iota = lax.broadcasted_iota(jnp.int32, (BLK1, N), 1)
    cols = []
    for _ in range(K):
        m = jnp.max(X, axis=1, keepdims=True)
        am = jnp.min(jnp.where(X == m, iota, N), axis=1, keepdims=True)
        cols.append(am)
        X = jnp.where(iota == am, -jnp.inf, X)
    gidx_ref[0] = jnp.concatenate(cols, axis=1)


def _k3_body(G_ref, xyz_ref, qb_ref, feat_ref,
                  Wk_ref, Wv_ref, Wd1_ref, bd1_ref, Wd2_ref, bd2_ref,
                  gd_ref, bd_ref,
                  Wg1_ref, bg1_ref, gg_ref, bg_ref, Wg2_ref, bg2_ref,
                  bv_ref, Wo_ref, bo_ref, g2_ref, b2_ref, Ws_ref, bs_ref,
                  o_ref):
    R = BLKA * K
    G = G_ref[...]
    fnG = G[:, :C]
    xq = xyz_ref[0]
    qb = qb_ref[0]

    kk = jnp.dot(fnG, Wk_ref[...], preferred_element_type=jnp.float32)
    vv = jnp.dot(fnG, Wv_ref[...], preferred_element_type=jnp.float32)

    t1G = (G[:, C:C + 1] * Wd1_ref[0:1, :]
           + G[:, C + 1:C + 2] * Wd1_ref[1:2, :]
           + G[:, C + 2:C + 3] * Wd1_ref[2:3, :])
    t1q = (xq[:, 0:1] * Wd1_ref[0:1, :]
           + xq[:, 1:2] * Wd1_ref[1:2, :]
           + xq[:, 2:3] * Wd1_ref[2:3, :])

    d1 = (t1q[:, None, :] - t1G.reshape(BLKA, K, C)) + bd1_ref[...]
    h = jax.nn.relu(_ln(d1, gd_ref[...], bd_ref[...]))
    pe = (jnp.dot(h.reshape(R, C), Wd2_ref[...],
                  preferred_element_type=jnp.float32)
          + bd2_ref[...]).reshape(BLKA, K, C)

    attn_in = qb[:, None, :] - kk.reshape(BLKA, K, C) + pe
    a2 = (jnp.dot(attn_in.reshape(R, C), Wg1_ref[...],
                  preferred_element_type=jnp.float32) + bg1_ref[...])
    h2 = jax.nn.relu(_ln(a2, gg_ref[...], bg_ref[...]))
    scores = (jnp.dot(h2, Wg2_ref[...], preferred_element_type=jnp.float32)
              + bg2_ref[...]).reshape(BLKA, K, C)

    s = scores * INV_SQRT_HD
    smax = jnp.max(s, axis=1, keepdims=True)
    e = jnp.exp(s - smax)
    attn = e / jnp.sum(e, axis=1, keepdims=True)

    vpe = vv.reshape(BLKA, K, C) + pe + bv_ref[...]
    weighted = jnp.sum(attn * vpe, axis=1)

    out = (jnp.dot(weighted, Wo_ref[...], preferred_element_type=jnp.float32)
           + bo_ref[...])
    res = _ln(feat_ref[0] + out, g2_ref[...], b2_ref[...])
    o_ref[0] = (jnp.dot(res, Ws_ref[...], preferred_element_type=jnp.float32)
                + bs_ref[...])


_SC_NC, _SC_NS = 2, 16
_SC_NW = _SC_NC * _SC_NS
_ROWS = N * K
_PER_W = _ROWS // _SC_NW
_CH = 128
_ITERS = _PER_W // _CH


def _sc_gather_body(tab_hbm, idx_hbm, out_hbm,
                    idx0, idx1, rows0, rows1, sem0, sem1):
    wid = lax.axis_index("s") * _SC_NC + lax.axis_index("c")
    base = wid * _PER_W
    idx_v = (idx0, idx1)
    rows_v = (rows0, rows1)
    sems = (sem0, sem1)

    def start(j, p):
        pltpu.sync_copy(idx_hbm.at[pl.ds(base + j * _CH, _CH)], idx_v[p])
        pltpu.async_copy(tab_hbm.at[idx_v[p]], rows_v[p], sems[p])

    def finish(j, p):
        pltpu.make_async_copy(tab_hbm.at[idx_v[p]], rows_v[p], sems[p]).wait()
        pltpu.sync_copy(rows_v[p], out_hbm.at[pl.ds(base + j * _CH, _CH)])

    start(0, 0)

    def body(i, carry):
        for p in range(2):
            j = 2 * i + p
            jn = j + 1

            @pl.when(jn < _ITERS)
            def _():
                start(jn, 1 - p)

            finish(j, p)
        return carry

    lax.fori_loop(0, _ITERS // 2, body, 0)


def _sc_gather(tabf, idxf):
    f = functools.partial(
        pl.kernel,
        mesh=plsc.VectorSubcoreMesh(core_axis_name="c", subcore_axis_name="s"),
        out_type=jax.ShapeDtypeStruct((_ROWS, TD), jnp.float32),
        scratch_types=[
            pltpu.VMEM((_CH,), jnp.int32),
            pltpu.VMEM((_CH,), jnp.int32),
            pltpu.VMEM((_CH, TD), jnp.float32),
            pltpu.VMEM((_CH, TD), jnp.float32),
            pltpu.SemaphoreType.DMA,
            pltpu.SemaphoreType.DMA,
        ],
    )(_sc_gather_body)
    return f(tabf, idxf)


def _full(shape):
    nd = len(shape)
    return pl.BlockSpec(shape, lambda b_, i_, _nd=nd: (0,) * _nd)


def kernel(xyz, W_emb, b_emb, Wq, bq, Wk, bk, Wv, bv, Wd1, bd1, gd, bd, Wd2,
           bd2, Wg1, bg1, gg, bg, Wg2, bg2, Wo, bo, g1, b1, g2, b2, Ws, bs):
    xyzT = jnp.swapaxes(xyz, 1, 2)

    feat, tab, qb, gidx = pl.pallas_call(
        _k1_body,
        grid=(B, N // BLK1),
        in_specs=[
            pl.BlockSpec((1, BLK1, 3), lambda b_, i_: (b_, i_, 0)),
            pl.BlockSpec((1, 3, N), lambda b_, i_: (b_, 0, 0)),
            _full((3, C)), _full((C,)), _full((C,)), _full((C,)),
            _full((C, C)), _full((C,)), _full((C,)),
        ],
        out_specs=[
            pl.BlockSpec((1, BLK1, C), lambda b_, i_: (b_, i_, 0)),
            pl.BlockSpec((1, BLK1, TD), lambda b_, i_: (b_, i_, 0)),
            pl.BlockSpec((1, BLK1, C), lambda b_, i_: (b_, i_, 0)),
            pl.BlockSpec((1, BLK1, K), lambda b_, i_: (b_, i_, 0)),
        ],
        out_shape=[
            jax.ShapeDtypeStruct((B, N, C), jnp.float32),
            jax.ShapeDtypeStruct((B, N, TD), jnp.float32),
            jax.ShapeDtypeStruct((B, N, C), jnp.float32),
            jax.ShapeDtypeStruct((B, N, K), jnp.int32),
        ],
    )(xyz, xyzT, W_emb, b_emb, g1, b1, Wq, bq, bk)

    nblk = N // BLKA
    full1 = pl.BlockSpec((1, BLKA, 3), lambda i_: (0, i_, 0))
    fullc = pl.BlockSpec((1, BLKA, C), lambda i_: (0, i_, 0))

    def _full1(shape):
        nd = len(shape)
        return pl.BlockSpec(shape, lambda i_, _nd=nd: (0,) * _nd)

    k3 = pl.pallas_call(
        _k3_body,
        grid=(nblk,),
        in_specs=[
            pl.BlockSpec((BLKA * K, TD), lambda i_: (i_, 0)),
            full1, fullc, fullc,
            _full1((C, C)), _full1((C, C)), _full1((3, C)), _full1((C,)),
            _full1((C, C)), _full1((C,)), _full1((C,)), _full1((C,)),
            _full1((C, C)), _full1((C,)), _full1((C,)), _full1((C,)),
            _full1((C, C)), _full1((C,)),
            _full1((C,)), _full1((C, C)), _full1((C,)), _full1((C,)),
            _full1((C,)), _full1((C, NUM_CLASSES)), _full1((NUM_CLASSES,)),
        ],
        out_specs=pl.BlockSpec((1, BLKA, NUM_CLASSES), lambda i_: (0, i_, 0)),
        out_shape=jax.ShapeDtypeStruct((1, N, NUM_CLASSES), jnp.float32),
    )

    outs = []
    for b in range(B):
        G_b = _sc_gather(tab[b], gidx[b].reshape(N * K))
        outs.append(k3(
            G_b, xyz[b:b + 1], qb[b:b + 1], feat[b:b + 1],
            Wk, Wv, Wd1, bd1, Wd2, bd2, gd, bd,
            Wg1, bg1, gg, bg, Wg2, bg2,
            bv, Wo, bo, g2, b2, Ws, bs))
    return jnp.concatenate(outs, axis=0)

# --- scband reference (transcript-rebuilt; emitter-appended) ---
"""Pipeline reference for scband-point-transformer-seg-68281390072572 (READ-ONLY COPY).

The authoritative reference and input builder live on the scoring server;
editing this copy changes nothing except your own understanding.
"""

import jax, jax.numpy as jnp
import numpy as np

B, N, C, K, H, NUM_CLASSES = 4, 2048, 64, 32, 8, 13

def layernorm(x, g, b, eps=1e-5):
    m = jnp.mean(x, axis=-1, keepdims=True)
    v = jnp.var(x, axis=-1, keepdims=True)
    return (x - m) / jnp.sqrt(v + eps) * g + b

def knn(x, k):
    inner = -2.0 * jnp.einsum('bnc,bmc->bnm', x, x)
    xx = jnp.sum(x ** 2, axis=2, keepdims=True)
    pd = -xx - inner - jnp.swapaxes(xx, 1, 2)
    _, idx = jax.lax.top_k(pd, k)
    return idx

def index_points(points, idx):
    # points [B,N,Cp], idx [B,N,K] -> [B,N,K,Cp]
    return jax.vmap(lambda p, i: p[i])(points, idx)

def setup_inputs(seed: int = 0):
    key = jax.random.key(seed)
    ks = jax.random.split(key, 16)
    def w(k, shape):
        return (jax.random.normal(k, shape, dtype=jnp.float32) * 0.02)
    inp = {}
    inp['xyz'] = jax.random.uniform(ks[0], (B, N, 3), dtype=jnp.float32)
    inp['W_emb'] = w(ks[1], (3, C)); inp['b_emb'] = jnp.zeros((C,), jnp.float32)
    inp['Wq'] = w(ks[2], (C, C)); inp['bq'] = jnp.zeros((C,), jnp.float32)
    inp['Wk'] = w(ks[3], (C, C)); inp['bk'] = jnp.zeros((C,), jnp.float32)
    inp['Wv'] = w(ks[4], (C, C)); inp['bv'] = jnp.zeros((C,), jnp.float32)
    inp['Wd1'] = w(ks[5], (3, C)); inp['bd1'] = jnp.zeros((C,), jnp.float32)
    inp['gd'] = jnp.ones((C,), jnp.float32); inp['bd'] = jnp.zeros((C,), jnp.float32)
    inp['Wd2'] = w(ks[6], (C, C)); inp['bd2'] = jnp.zeros((C,), jnp.float32)
    inp['Wg1'] = w(ks[7], (C, C)); inp['bg1'] = jnp.zeros((C,), jnp.float32)
    inp['gg'] = jnp.ones((C,), jnp.float32); inp['bg'] = jnp.zeros((C,), jnp.float32)
    inp['Wg2'] = w(ks[8], (C, C)); inp['bg2'] = jnp.zeros((C,), jnp.float32)
    inp['Wo'] = w(ks[9], (C, C)); inp['bo'] = jnp.zeros((C,), jnp.float32)
    inp['g1'] = jnp.ones((C,), jnp.float32); inp['b1'] = jnp.zeros((C,), jnp.float32)
    inp['g2'] = jnp.ones((C,), jnp.float32); inp['b2'] = jnp.zeros((C,), jnp.float32)
    inp['Ws'] = w(ks[10], (C, NUM_CLASSES)); inp['bs'] = jnp.zeros((NUM_CLASSES,), jnp.float32)
    return inp

def reference(xyz, W_emb, b_emb, Wq, bq, Wk, bk, Wv, bv, Wd1, bd1, gd, bd, Wd2, bd2, Wg1, bg1, gg, bg, Wg2, bg2, Wo, bo, g1, b1, g2, b2, Ws, bs):
    head_dim = C // H
    features = xyz @ W_emb + b_emb                      # [B,N,C] input embedding
    fn = layernorm(features, g1, b1)                    # norm1
    idx = knn(xyz, K)                                   # [B,N,K]
    nx = index_points(xyz, idx)                         # [B,N,K,3]
    nf = index_points(fn, idx)                          # [B,N,K,C]
    pos_diff = xyz[:, :, None, :] - nx                  # [B,N,K,3]
    h = jax.nn.relu(layernorm(pos_diff @ Wd1 + bd1, gd, bd))
    pe = h @ Wd2 + bd2                                  # fc_delta pos encoding [B,N,K,C]
    q = (fn @ Wq + bq)[:, :, None, :]                   # [B,N,1,C]
    kk = nf @ Wk + bk                                   # [B,N,K,C]
    vv = nf @ Wv + bv                                   # [B,N,K,C]
    attn_in = q - kk + pe                               # vector attention input
    h2 = jax.nn.relu(layernorm(attn_in @ Wg1 + bg1, gg, bg))
    scores = h2 @ Wg2 + bg2                             # fc_gamma [B,N,K,C]
    attn = jax.nn.softmax(scores / np.sqrt(head_dim), axis=2)
    weighted = (attn * (vv + pe)).sum(axis=2)           # [B,N,C]
    out = weighted @ Wo + bo                            # fc_out
    out = layernorm(features + out, g2, b2)             # residual + norm2
    logits = out @ Ws + bs                              # segmentation head [B,N,NUM_CLASSES]
    return logits

if __name__ == "__main__":
    import jax
    _d = setup_inputs()
    print(jax.jit(kernel)(*tuple(_d.values())))

</pallas_src>

<mosaic_0001>
#map = affine_map<(d0, d1) -> (0, 0)>
#map1 = affine_map<(d0, d1) -> (0)>
module attributes {stable_mosaic.version = 14 : i64} {
  func.func @_sc_gather_body(%arg0: i32, %arg1: i32, %arg2: memref<2048x128xf32, #tpu.memory_space<hbm>>, %arg3: memref<65536xi32, #tpu.memory_space<hbm>>, %arg4: memref<65536x128xf32, #tpu.memory_space<hbm>>, %arg5: memref<128xi32, #tpu.memory_space<vmem>>, %arg6: memref<128xi32, #tpu.memory_space<vmem>>, %arg7: memref<128x128xf32, #tpu.memory_space<vmem>>, %arg8: memref<128x128xf32, #tpu.memory_space<vmem>>, %arg9: memref<!tpu.dma_semaphore, #tpu.memory_space<semaphore_mem>>, %arg10: memref<!tpu.dma_semaphore, #tpu.memory_space<semaphore_mem>>) attributes {dimension_semantics = [#tpu.dimension_semantics<core_parallel>, #tpu.dimension_semantics<subcore_parallel>], iteration_bounds = array<i64: 2, 16>, scalar_prefetch = 0 : i64, scratch_operands = 6 : i64, tpu.core_type = #tpu.core_type<sc_vector_subcore>, window_params = [{transform_indices = #map}, {transform_indices = #map1}, {transform_indices = #map}]} {
    %mul3A = arith.constant 2 : i32
    %mul3A_0 = arith.muli %arg1, %mul3A : i32
    %add3A = arith.addi %mul3A_0, %arg0 : i32
    %mul3A_1 = arith.constant 2048 : i32
    %mul3A_2 = arith.muli %add3A, %mul3A_1 : i32
    %add3A_3 = arith.constant 0 : i32
    %add3A_4 = arith.addi %mul3A_2, %add3A_3 : i32
    "tpu.region"() ({
      %run_scoped3A = tpu.sem_alloc : memref<!tpu.dma_semaphore, #tpu.memory_space<semaphore_mem>>
      %dma_start3A_12 = tpu.memref_slice %arg3[%add3A_4] : memref<65536xi32, #tpu.memory_space<hbm>> -> memref<128xi32, #tpu.memory_space<hbm>>
      %dma_start3A_13 = tpu.memref_slice %arg3[%add3A_4] : memref<65536xi32, #tpu.memory_space<hbm>> -> memref<128xi32, #tpu.memory_space<hbm>>
      tpu.enqueue_dma source(%dma_start3A_13 : memref<128xi32, #tpu.memory_space<hbm>>) target(%arg5 : memref<128xi32, #tpu.memory_space<vmem>>) target_semaphore(%run_scoped3A : memref<!tpu.dma_semaphore, #tpu.memory_space<semaphore_mem>>)
      %dma_wait3A = tpu.memref_slice %arg3[%add3A_4] : memref<65536xi32, #tpu.memory_space<hbm>> -> memref<128xi32, #tpu.memory_space<hbm>>
      %dma_wait3A_14 = tpu.memref_slice %arg3[%add3A_4] : memref<65536xi32, #tpu.memory_space<hbm>> -> memref<128xi32, #tpu.memory_space<hbm>>
      tpu.wait_dma2 semaphore(%run_scoped3A : memref<!tpu.dma_semaphore, #tpu.memory_space<semaphore_mem>>) src(%dma_wait3A_14 : memref<128xi32, #tpu.memory_space<hbm>>) dst(%arg5 : memref<128xi32, #tpu.memory_space<vmem>>)
      tpu.yield
    }) : () -> ()
    %dma_start3A = arith.constant 0 : i32
    %dma_start3A_5 = arith.constant 0 : i32
    %dma_start3A_6 = tpu.memref_slice %arg2[%dma_start3A, %dma_start3A_5] : memref<2048x128xf32, #tpu.memory_space<hbm>> -> memref<2048x128xf32, #tpu.memory_space<hbm>>
    tpu.enqueue_indirect_dma source(%dma_start3A_6 : memref<2048x128xf32, #tpu.memory_space<hbm>>) target(%arg7 : memref<128x128xf32, #tpu.memory_space<vmem>>) offsets(%arg5 : memref<128xi32, #tpu.memory_space<vmem>>) semaphore(%arg9 : memref<!tpu.dma_semaphore, #tpu.memory_space<semaphore_mem>>)
    %scan3A = arith.constant 0 : i32
    %scan3A_7 = arith.constant 0 : i32
    %scan3A_8 = arith.constant 8 : i32
    %scan3A_9 = arith.addi %scan3A_7, %scan3A_8 : i32
    %scan3A_10 = arith.constant 1 : i32
    scf.for %scan3A_12 = %scan3A_7 to %scan3A_9 step %scan3A_10  : i32 {
      %mul3A_13 = arith.constant 2 : i32
      %mul3A_14 = arith.muli %mul3A_13, %scan3A_12 : i32
      %add3A_15 = arith.constant 0 : i32
      %add3A_16 = arith.addi %mul3A_14, %add3A_15 : i32
      %add3A_17 = arith.constant 1 : i32
      %add3A_18 = arith.addi %add3A_16, %add3A_17 : i32
      %lt3A = arith.constant 16 : i32
      %lt3A_19 = arith.cmpi slt, %add3A_18, %lt3A : i32
      %convert_element_type3A = arith.extui %lt3A_19 : i1 to i32
      %cond3A = arith.constant 0 : i32
      %cond3A_20 = arith.cmpi ne, %convert_element_type3A, %cond3A : i32
      scf.if %cond3A_20 {
        %mul3A_43 = arith.constant 128 : i32
        %mul3A_44 = arith.muli %add3A_18, %mul3A_43 : i32
        %add3A_45 = arith.addi %mul3A_2, %mul3A_44 : i32
        "tpu.region"() ({
          %run_scoped3A = tpu.sem_alloc : memref<!tpu.dma_semaphore, #tpu.memory_space<semaphore_mem>>
          %dma_start3A_49 = tpu.memref_slice %arg3[%add3A_45] : memref<65536xi32, #tpu.memory_space<hbm>> -> memref<128xi32, #tpu.memory_space<hbm>>
          %dma_start3A_50 = tpu.memref_slice %arg3[%add3A_45] : memref<65536xi32, #tpu.memory_space<hbm>> -> memref<128xi32, #tpu.memory_space<hbm>>
          tpu.enqueue_dma source(%dma_start3A_50 : memref<128xi32, #tpu.memory_space<hbm>>) target(%arg6 : memref<128xi32, #tpu.memory_space<vmem>>) target_semaphore(%run_scoped3A : memref<!tpu.dma_semaphore, #tpu.memory_space<semaphore_mem>>)
          %dma_wait3A_51 = tpu.memref_slice %arg3[%add3A_45] : memref<65536xi32, #tpu.memory_space<hbm>> -> memref<128xi32, #tpu.memory_space<hbm>>
          %dma_wait3A_52 = tpu.memref_slice %arg3[%add3A_45] : memref<65536xi32, #tpu.memory_space<hbm>> -> memref<128xi32, #tpu.memory_space<hbm>>
          tpu.wait_dma2 semaphore(%run_scoped3A : memref<!tpu.dma_semaphore, #tpu.memory_space<semaphore_mem>>) src(%dma_wait3A_52 : memref<128xi32, #tpu.memory_space<hbm>>) dst(%arg6 : memref<128xi32, #tpu.memory_space<vmem>>)
          tpu.yield
        }) : () -> ()
        %dma_start3A_46 = arith.constant 0 : i32
        %dma_start3A_47 = arith.constant 0 : i32
        %dma_start3A_48 = tpu.memref_slice %arg2[%dma_start3A_46, %dma_start3A_47] : memref<2048x128xf32, #tpu.memory_space<hbm>> -> memref<2048x128xf32, #tpu.memory_space<hbm>>
        tpu.enqueue_indirect_dma source(%dma_start3A_48 : memref<2048x128xf32, #tpu.memory_space<hbm>>) target(%arg8 : memref<128x128xf32, #tpu.memory_space<vmem>>) offsets(%arg6 : memref<128xi32, #tpu.memory_space<vmem>>) semaphore(%arg10 : memref<!tpu.dma_semaphore, #tpu.memory_space<semaphore_mem>>)
      } else {
      }
      %dma_wait3A = arith.constant 0 : i32
      %dma_wait3A_21 = arith.constant 0 : i32
      %dma_wait3A_22 = tpu.memref_slice %arg2[%dma_wait3A, %dma_wait3A_21] : memref<2048x128xf32, #tpu.memory_space<hbm>> -> memref<2048x128xf32, #tpu.memory_space<hbm>>
      tpu.wait_indirect_dma semaphore(%arg9 : memref<!tpu.dma_semaphore, #tpu.memory_space<semaphore_mem>>) src(%dma_wait3A_22 : memref<2048x128xf32, #tpu.memory_space<hbm>>) dst(%arg7 : memref<128x128xf32, #tpu.memory_space<vmem>>)
      %mul3A_23 = arith.constant 128 : i32
      %mul3A_24 = arith.muli %add3A_16, %mul3A_23 : i32
      %add3A_25 = arith.addi %mul3A_2, %mul3A_24 : i32
      "tpu.region"() ({
        %run_scoped3A = tpu.sem_alloc : memref<!tpu.dma_semaphore, #tpu.memory_space<semaphore_mem>>
        %dma_start3A_43 = arith.constant 0 : i32
        %dma_start3A_44 = tpu.memref_slice %arg4[%add3A_25, %dma_start3A_43] : memref<65536x128xf32, #tpu.memory_space<hbm>> -> memref<128x128xf32, #tpu.memory_space<hbm>>
        %dma_start3A_45 = arith.constant 0 : i32
        %dma_start3A_46 = tpu.memref_slice %arg4[%add3A_25, %dma_start3A_45] : memref<65536x128xf32, #tpu.memory_space<hbm>> -> memref<128x128xf32, #tpu.memory_space<hbm>>
        tpu.enqueue_dma source(%arg7 : memref<128x128xf32, #tpu.memory_space<vmem>>) target(%dma_start3A_46 : memref<128x128xf32, #tpu.memory_space<hbm>>) target_semaphore(%run_scoped3A : memref<!tpu.dma_semaphore, #tpu.memory_space<semaphore_mem>>)
        %dma_wait3A_47 = arith.constant 0 : i32
        %dma_wait3A_48 = tpu.memref_slice %arg4[%add3A_25, %dma_wait3A_47] : memref<65536x128xf32, #tpu.memory_space<hbm>> -> memref<128x128xf32, #tpu.memory_space<hbm>>
        %dma_wait3A_49 = arith.constant 0 : i32
        %dma_wait3A_50 = tpu.memref_slice %arg4[%add3A_25, %dma_wait3A_49] : memref<65536x128xf32, #tpu.memory_space<hbm>> -> memref<128x128xf32, #tpu.memory_space<hbm>>
        tpu.wait_dma2 semaphore(%run_scoped3A : memref<!tpu.dma_semaphore, #tpu.memory_space<semaphore_mem>>) src(%arg7 : memref<128x128xf32, #tpu.memory_space<vmem>>) dst(%dma_wait3A_50 : memref<128x128xf32, #tpu.memory_space<hbm>>)
        tpu.yield
      }) : () -> ()
      %mul3A_26 = arith.constant 2 : i32
      %mul3A_27 = arith.muli %mul3A_26, %scan3A_12 : i32
      %add3A_28 = arith.constant 1 : i32
      %add3A_29 = arith.addi %mul3A_27, %add3A_28 : i32
      %add3A_30 = arith.constant 1 : i32
      %add3A_31 = arith.addi %add3A_29, %add3A_30 : i32
      %lt3A_32 = arith.constant 16 : i32
      %lt3A_33 = arith.cmpi slt, %add3A_31, %lt3A_32 : i32
      %convert_element_type3A_34 = arith.extui %lt3A_33 : i1 to i32
      %cond3A_35 = arith.constant 0 : i32
      %cond3A_36 = arith.cmpi ne, %convert_element_type3A_34, %cond3A_35 : i32
      scf.if %cond3A_36 {
        %mul3A_43 = arith.constant 128 : i32
        %mul3A_44 = arith.muli %add3A_31, %mul3A_43 : i32
        %add3A_45 = arith.addi %mul3A_2, %mul3A_44 : i32
        "tpu.region"() ({
          %run_scoped3A = tpu.sem_alloc : memref<!tpu.dma_semaphore, #tpu.memory_space<semaphore_mem>>
          %dma_start3A_49 = tpu.memref_slice %arg3[%add3A_45] : memref<65536xi32, #tpu.memory_space<hbm>> -> memref<128xi32, #tpu.memory_space<hbm>>
          %dma_start3A_50 = tpu.memref_slice %arg3[%add3A_45] : memref<65536xi32, #tpu.memory_space<hbm>> -> memref<128xi32, #tpu.memory_space<hbm>>
          tpu.enqueue_dma source(%dma_start3A_50 : memref<128xi32, #tpu.memory_space<hbm>>) target(%arg5 : memref<128xi32, #tpu.memory_space<vmem>>) target_semaphore(%run_scoped3A : memref<!tpu.dma_semaphore, #tpu.memory_space<semaphore_mem>>)
          %dma_wait3A_51 = tpu.memref_slice %arg3[%add3A_45] : memref<65536xi32, #tpu.memory_space<hbm>> -> memref<128xi32, #tpu.memory_space<hbm>>
          %dma_wait3A_52 = tpu.memref_slice %arg3[%add3A_45] : memref<65536xi32, #tpu.memory_space<hbm>> -> memref<128xi32, #tpu.memory_space<hbm>>
          tpu.wait_dma2 semaphore(%run_scoped3A : memref<!tpu.dma_semaphore, #tpu.memory_space<semaphore_mem>>) src(%dma_wait3A_52 : memref<128xi32, #tpu.memory_space<hbm>>) dst(%arg5 : memref<128xi32, #tpu.memory_space<vmem>>)
          tpu.yield
        }) : () -> ()
        %dma_start3A_46 = arith.constant 0 : i32
        %dma_start3A_47 = arith.constant 0 : i32
        %dma_start3A_48 = tpu.memref_slice %arg2[%dma_start3A_46, %dma_start3A_47] : memref<2048x128xf32, #tpu.memory_space<hbm>> -> memref<2048x128xf32, #tpu.memory_space<hbm>>
        tpu.enqueue_indirect_dma source(%dma_start3A_48 : memref<2048x128xf32, #tpu.memory_space<hbm>>) target(%arg7 : memref<128x128xf32, #tpu.memory_space<vmem>>) offsets(%arg5 : memref<128xi32, #tpu.memory_space<vmem>>) semaphore(%arg9 : memref<!tpu.dma_semaphore, #tpu.memory_space<semaphore_mem>>)
      } else {
      }
      %dma_wait3A_37 = arith.constant 0 : i32
      %dma_wait3A_38 = arith.constant 0 : i32
      %dma_wait3A_39 = tpu.memref_slice %arg2[%dma_wait3A_37, %dma_wait3A_38] : memref<2048x128xf32, #tpu.memory_space<hbm>> -> memref<2048x128xf32, #tpu.memory_space<hbm>>
      tpu.wait_indirect_dma semaphore(%arg10 : memref<!tpu.dma_semaphore, #tpu.memory_space<semaphore_mem>>) src(%dma_wait3A_39 : memref<2048x128xf32, #tpu.memory_space<hbm>>) dst(%arg8 : memref<128x128xf32, #tpu.memory_space<vmem>>)
      %mul3A_40 = arith.constant 128 : i32
      %mul3A_41 = arith.muli %add3A_29, %mul3A_40 : i32
      %add3A_42 = arith.addi %mul3A_2, %mul3A_41 : i32
      "tpu.region"() ({
        %run_scoped3A = tpu.sem_alloc : memref<!tpu.dma_semaphore, #tpu.memory_space<semaphore_mem>>
        %dma_start3A_43 = arith.constant 0 : i32
        %dma_start3A_44 = tpu.memref_slice %arg4[%add3A_42, %dma_start3A_43] : memref<65536x128xf32, #tpu.memory_space<hbm>> -> memref<128x128xf32, #tpu.memory_space<hbm>>
        %dma_start3A_45 = arith.constant 0 : i32
        %dma_start3A_46 = tpu.memref_slice %arg4[%add3A_42, %dma_start3A_45] : memref<65536x128xf32, #tpu.memory_space<hbm>> -> memref<128x128xf32, #tpu.memory_space<hbm>>
        tpu.enqueue_dma source(%arg8 : memref<128x128xf32, #tpu.memory_space<vmem>>) target(%dma_start3A_46 : memref<128x128xf32, #tpu.memory_space<hbm>>) target_semaphore(%run_scoped3A : memref<!tpu.dma_semaphore, #tpu.memory_space<semaphore_mem>>)
        %dma_wait3A_47 = arith.constant 0 : i32
        %dma_wait3A_48 = tpu.memref_slice %arg4[%add3A_42, %dma_wait3A_47] : memref<65536x128xf32, #tpu.memory_space<hbm>> -> memref<128x128xf32, #tpu.memory_space<hbm>>
        %dma_wait3A_49 = arith.constant 0 : i32
        %dma_wait3A_50 = tpu.memref_slice %arg4[%add3A_42, %dma_wait3A_49] : memref<65536x128xf32, #tpu.memory_space<hbm>> -> memref<128x128xf32, #tpu.memory_space<hbm>>
        tpu.wait_dma2 semaphore(%run_scoped3A : memref<!tpu.dma_semaphore, #tpu.memory_space<semaphore_mem>>) src(%arg8 : memref<128x128xf32, #tpu.memory_space<vmem>>) dst(%dma_wait3A_50 : memref<128x128xf32, #tpu.memory_space<hbm>>)
        tpu.yield
      }) : () -> ()
    }
    %scan3A_11 = arith.constant 8 : i32
    return
  }
}

#map = affine_map<(d0, d1) -> (0, 0)>
#map1 = affine_map<(d0, d1) -> (0)>
module attributes {stable_mosaic.version = 14 : i64} {
  func.func @_sc_gather_body(%arg0: i32, %arg1: i32, %arg2: memref<2048x128xf32, #tpu.memory_space<hbm>>, %arg3: memref<65536xi32, #tpu.memory_space<hbm>>, %arg4: memref<65536x128xf32, #tpu.memory_space<hbm>>, %arg5: memref<128xi32, #tpu.memory_space<vmem>>, %arg6: memref<128xi32, #tpu.memory_space<vmem>>, %arg7: memref<128x128xf32, #tpu.memory_space<vmem>>, %arg8: memref<128x128xf32, #tpu.memory_space<vmem>>, %arg9: memref<!tpu.dma_semaphore, #tpu.memory_space<semaphore_mem>>, %arg10: memref<!tpu.dma_semaphore, #tpu.memory_space<semaphore_mem>>) attributes {dimension_semantics = [#tpu.dimension_semantics<core_parallel>, #tpu.dimension_semantics<subcore_parallel>], iteration_bounds = array<i64: 2, 16>, scalar_prefetch = 0 : i64, scratch_operands = 6 : i64, tpu.core_type = #tpu.core_type<sc_vector_subcore>, window_params = [{transform_indices = #map}, {transform_indices = #map1}, {transform_indices = #map}]} {
    %mul3A = arith.constant 2 : i32
    %mul3A_0 = arith.muli %arg1, %mul3A : i32
    %add3A = arith.addi %mul3A_0, %arg0 : i32
    %mul3A_1 = arith.constant 2048 : i32
    %mul3A_2 = arith.muli %add3A, %mul3A_1 : i32
    %add3A_3 = arith.constant 0 : i32
    %add3A_4 = arith.addi %mul3A_2, %add3A_3 : i32
    "tpu.region"() ({
      %run_scoped3A = tpu.sem_alloc : memref<!tpu.dma_semaphore, #tpu.memory_space<semaphore_mem>>
      %dma_start3A_12 = tpu.memref_slice %arg3[%add3A_4] : memref<65536xi32, #tpu.memory_space<hbm>> -> memref<128xi32, #tpu.memory_space<hbm>>
      %dma_start3A_13 = tpu.memref_slice %arg3[%add3A_4] : memref<65536xi32, #tpu.memory_space<hbm>> -> memref<128xi32, #tpu.memory_space<hbm>>
      tpu.enqueue_dma source(%dma_start3A_13 : memref<128xi32, #tpu.memory_space<hbm>>) target(%arg5 : memref<128xi32, #tpu.memory_space<vmem>>) target_semaphore(%run_scoped3A : memref<!tpu.dma_semaphore, #tpu.memory_space<semaphore_mem>>)
      %dma_wait3A = tpu.memref_slice %arg3[%add3A_4] : memref<65536xi32, #tpu.memory_space<hbm>> -> memref<128xi32, #tpu.memory_space<hbm>>
      %dma_wait3A_14 = tpu.memref_slice %arg3[%add3A_4] : memref<65536xi32, #tpu.memory_space<hbm>> -> memref<128xi32, #tpu.memory_space<hbm>>
      tpu.wait_dma2 semaphore(%run_scoped3A : memref<!tpu.dma_semaphore, #tpu.memory_space<semaphore_mem>>) src(%dma_wait3A_14 : memref<128xi32, #tpu.memory_space<hbm>>) dst(%arg5 : memref<128xi32, #tpu.memory_space<vmem>>)
      tpu.yield
    }) : () -> ()
    %dma_start3A = arith.constant 0 : i32
    %dma_start3A_5 = arith.constant 0 : i32
    %dma_start3A_6 = tpu.memref_slice %arg2[%dma_start3A, %dma_start3A_5] : memref<2048x128xf32, #tpu.memory_space<hbm>> -> memref<2048x128xf32, #tpu.memory_space<hbm>>
    tpu.enqueue_indirect_dma source(%dma_start3A_6 : memref<2048x128xf32, #tpu.memory_space<hbm>>) target(%arg7 : memref<128x128xf32, #tpu.memory_space<vmem>>) offsets(%arg5 : memref<128xi32, #tpu.memory_space<vmem>>) semaphore(%arg9 : memref<!tpu.dma_semaphore, #tpu.memory_space<semaphore_mem>>)
    %scan3A = arith.constant 0 : i32
    %scan3A_7 = arith.constant 0 : i32
    %scan3A_8 = arith.constant 8 : i32
    %scan3A_9 = arith.addi %scan3A_7, %scan3A_8 : i32
    %scan3A_10 = arith.constant 1 : i32
    scf.for %scan3A_12 = %scan3A_7 to %scan3A_9 step %scan3A_10  : i32 {
      %mul3A_13 = arith.constant 2 : i32
      %mul3A_14 = arith.muli %mul3A_13, %scan3A_12 : i32
      %add3A_15 = arith.constant 0 : i32
      %add3A_16 = arith.addi %mul3A_14, %add3A_15 : i32
      %add3A_17 = arith.constant 1 : i32
      %add3A_18 = arith.addi %add3A_16, %add3A_17 : i32
      %lt3A = arith.constant 16 : i32
      %lt3A_19 = arith.cmpi slt, %add3A_18, %lt3A : i32
      %convert_element_type3A = arith.extui %lt3A_19 : i1 to i32
      %cond3A = arith.constant 0 : i32
      %cond3A_20 = arith.cmpi ne, %convert_element_type3A, %cond3A : i32
      scf.if %cond3A_20 {
        %mul3A_43 = arith.constant 128 : i32
        %mul3A_44 = arith.muli %add3A_18, %mul3A_43 : i32
        %add3A_45 = arith.addi %mul3A_2, %mul3A_44 : i32
        "tpu.region"() ({
          %run_scoped3A = tpu.sem_alloc : memref<!tpu.dma_semaphore, #tpu.memory_space<semaphore_mem>>
          %dma_start3A_49 = tpu.memref_slice %arg3[%add3A_45] : memref<65536xi32, #tpu.memory_space<hbm>> -> memref<128xi32, #tpu.memory_space<hbm>>
          %dma_start3A_50 = tpu.memref_slice %arg3[%add3A_45] : memref<65536xi32, #tpu.memory_space<hbm>> -> memref<128xi32, #tpu.memory_space<hbm>>
          tpu.enqueue_dma source(%dma_start3A_50 : memref<128xi32, #tpu.memory_space<hbm>>) target(%arg6 : memref<128xi32, #tpu.memory_space<vmem>>) target_semaphore(%run_scoped3A : memref<!tpu.dma_semaphore, #tpu.memory_space<semaphore_mem>>)
          %dma_wait3A_51 = tpu.memref_slice %arg3[%add3A_45] : memref<65536xi32, #tpu.memory_space<hbm>> -> memref<128xi32, #tpu.memory_space<hbm>>
          %dma_wait3A_52 = tpu.memref_slice %arg3[%add3A_45] : memref<65536xi32, #tpu.memory_space<hbm>> -> memref<128xi32, #tpu.memory_space<hbm>>
          tpu.wait_dma2 semaphore(%run_scoped3A : memref<!tpu.dma_semaphore, #tpu.memory_space<semaphore_mem>>) src(%dma_wait3A_52 : memref<128xi32, #tpu.memory_space<hbm>>) dst(%arg6 : memref<128xi32, #tpu.memory_space<vmem>>)
          tpu.yield
        }) : () -> ()
        %dma_start3A_46 = arith.constant 0 : i32
        %dma_start3A_47 = arith.constant 0 : i32
        %dma_start3A_48 = tpu.memref_slice %arg2[%dma_start3A_46, %dma_start3A_47] : memref<2048x128xf32, #tpu.memory_space<hbm>> -> memref<2048x128xf32, #tpu.memory_space<hbm>>
        tpu.enqueue_indirect_dma source(%dma_start3A_48 : memref<2048x128xf32, #tpu.memory_space<hbm>>) target(%arg8 : memref<128x128xf32, #tpu.memory_space<vmem>>) offsets(%arg6 : memref<128xi32, #tpu.memory_space<vmem>>) semaphore(%arg10 : memref<!tpu.dma_semaphore, #tpu.memory_space<semaphore_mem>>)
      } else {
      }
      %dma_wait3A = arith.constant 0 : i32
      %dma_wait3A_21 = arith.constant 0 : i32
      %dma_wait3A_22 = tpu.memref_slice %arg2[%dma_wait3A, %dma_wait3A_21] : memref<2048x128xf32, #tpu.memory_space<hbm>> -> memref<2048x128xf32, #tpu.memory_space<hbm>>
      tpu.wait_indirect_dma semaphore(%arg9 : memref<!tpu.dma_semaphore, #tpu.memory_space<semaphore_mem>>) src(%dma_wait3A_22 : memref<2048x128xf32, #tpu.memory_space<hbm>>) dst(%arg7 : memref<128x128xf32, #tpu.memory_space<vmem>>)
      %mul3A_23 = arith.constant 128 : i32
      %mul3A_24 = arith.muli %add3A_16, %mul3A_23 : i32
      %add3A_25 = arith.addi %mul3A_2, %mul3A_24 : i32
      "tpu.region"() ({
        %run_scoped3A = tpu.sem_alloc : memref<!tpu.dma_semaphore, #tpu.memory_space<semaphore_mem>>
        %dma_start3A_43 = arith.constant 0 : i32
        %dma_start3A_44 = tpu.memref_slice %arg4[%add3A_25, %dma_start3A_43] : memref<65536x128xf32, #tpu.memory_space<hbm>> -> memref<128x128xf32, #tpu.memory_space<hbm>>
        %dma_start3A_45 = arith.constant 0 : i32
        %dma_start3A_46 = tpu.memref_slice %arg4[%add3A_25, %dma_start3A_45] : memref<65536x128xf32, #tpu.memory_space<hbm>> -> memref<128x128xf32, #tpu.memory_space<hbm>>
        tpu.enqueue_dma source(%arg7 : memref<128x128xf32, #tpu.memory_space<vmem>>) target(%dma_start3A_46 : memref<128x128xf32, #tpu.memory_space<hbm>>) target_semaphore(%run_scoped3A : memref<!tpu.dma_semaphore, #tpu.memory_space<semaphore_mem>>)
        %dma_wait3A_47 = arith.constant 0 : i32
        %dma_wait3A_48 = tpu.memref_slice %arg4[%add3A_25, %dma_wait3A_47] : memref<65536x128xf32, #tpu.memory_space<hbm>> -> memref<128x128xf32, #tpu.memory_space<hbm>>
        %dma_wait3A_49 = arith.constant 0 : i32
        %dma_wait3A_50 = tpu.memref_slice %arg4[%add3A_25, %dma_wait3A_49] : memref<65536x128xf32, #tpu.memory_space<hbm>> -> memref<128x128xf32, #tpu.memory_space<hbm>>
        tpu.wait_dma2 semaphore(%run_scoped3A : memref<!tpu.dma_semaphore, #tpu.memory_space<semaphore_mem>>) src(%arg7 : memref<128x128xf32, #tpu.memory_space<vmem>>) dst(%dma_wait3A_50 : memref<128x128xf32, #tpu.memory_space<hbm>>)
        tpu.yield
      }) : () -> ()
      %mul3A_26 = arith.constant 2 : i32
      %mul3A_27 = arith.muli %mul3A_26, %scan3A_12 : i32
      %add3A_28 = arith.constant 1 : i32
      %add3A_29 = arith.addi %mul3A_27, %add3A_28 : i32
      %add3A_30 = arith.constant 1 : i32
      %add3A_31 = arith.addi %add3A_29, %add3A_30 : i32
      %lt3A_32 = arith.constant 16 : i32
      %lt3A_33 = arith.cmpi slt, %add3A_31, %lt3A_32 : i32
      %convert_element_type3A_34 = arith.extui %lt3A_33 : i1 to i32
      %cond3A_35 = arith.constant 0 : i32
      %cond3A_36 = arith.cmpi ne, %convert_element_type3A_34, %cond3A_35 : i32
      scf.if %cond3A_36 {
        %mul3A_43 = arith.constant 128 : i32
        %mul3A_44 = arith.muli %add3A_31, %mul3A_43 : i32
        %add3A_45 = arith.addi %mul3A_2, %mul3A_44 : i32
        "tpu.region"() ({
          %run_scoped3A = tpu.sem_alloc : memref<!tpu.dma_semaphore, #tpu.memory_space<semaphore_mem>>
          %dma_start3A_49 = tpu.memref_slice %arg3[%add3A_45] : memref<65536xi32, #tpu.memory_space<hbm>> -> memref<128xi32, #tpu.memory_space<hbm>>
          %dma_start3A_50 = tpu.memref_slice %arg3[%add3A_45] : memref<65536xi32, #tpu.memory_space<hbm>> -> memref<128xi32, #tpu.memory_space<hbm>>
          tpu.enqueue_dma source(%dma_start3A_50 : memref<128xi32, #tpu.memory_space<hbm>>) target(%arg5 : memref<128xi32, #tpu.memory_space<vmem>>) target_semaphore(%run_scoped3A : memref<!tpu.dma_semaphore, #tpu.memory_space<semaphore_mem>>)
          %dma_wait3A_51 = tpu.memref_slice %arg3[%add3A_45] : memref<65536xi32, #tpu.memory_space<hbm>> -> memref<128xi32, #tpu.memory_space<hbm>>
          %dma_wait3A_52 = tpu.memref_slice %arg3[%add3A_45] : memref<65536xi32, #tpu.memory_space<hbm>> -> memref<128xi32, #tpu.memory_space<hbm>>
          tpu.wait_dma2 semaphore(%run_scoped3A : memref<!tpu.dma_semaphore, #tpu.memory_space<semaphore_mem>>) src(%dma_wait3A_52 : memref<128xi32, #tpu.memory_space<hbm>>) dst(%arg5 : memref<128xi32, #tpu.memory_space<vmem>>)
          tpu.yield
        }) : () -> ()
        %dma_start3A_46 = arith.constant 0 : i32
        %dma_start3A_47 = arith.constant 0 : i32
        %dma_start3A_48 = tpu.memref_slice %arg2[%dma_start3A_46, %dma_start3A_47] : memref<2048x128xf32, #tpu.memory_space<hbm>> -> memref<2048x128xf32, #tpu.memory_space<hbm>>
        tpu.enqueue_indirect_dma source(%dma_start3A_48 : memref<2048x128xf32, #tpu.memory_space<hbm>>) target(%arg7 : memref<128x128xf32, #tpu.memory_space<vmem>>) offsets(%arg5 : memref<128xi32, #tpu.memory_space<vmem>>) semaphore(%arg9 : memref<!tpu.dma_semaphore, #tpu.memory_space<semaphore_mem>>)
      } else {
      }
      %dma_wait3A_37 = arith.constant 0 : i32
      %dma_wait3A_38 = arith.constant 0 : i32
      %dma_wait3A_39 = tpu.memref_slice %arg2[%dma_wait3A_37, %dma_wait3A_38] : memref<2048x128xf32, #tpu.memory_space<hbm>> -> memref<2048x128xf32, #tpu.memory_space<hbm>>
      tpu.wait_indirect_dma semaphore(%arg10 : memref<!tpu.dma_semaphore, #tpu.memory_space<semaphore_mem>>) src(%dma_wait3A_39 : memref<2048x128xf32, #tpu.memory_space<hbm>>) dst(%arg8 : memref<128x128xf32, #tpu.memory_space<vmem>>)
      %mul3A_40 = arith.constant 128 : i32
      %mul3A_41 = arith.muli %add3A_29, %mul3A_40 : i32
      %add3A_42 = arith.addi %mul3A_2, %mul3A_41 : i32
      "tpu.region"() ({
        %run_scoped3A = tpu.sem_alloc : memref<!tpu.dma_semaphore, #tpu.memory_space<semaphore_mem>>
        %dma_start3A_43 = arith.constant 0 : i32
        %dma_start3A_44 = tpu.memref_slice %arg4[%add3A_42, %dma_start3A_43] : memref<65536x128xf32, #tpu.memory_space<hbm>> -> memref<128x128xf32, #tpu.memory_space<hbm>>
        %dma_start3A_45 = arith.constant 0 : i32
        %dma_start3A_46 = tpu.memref_slice %arg4[%add3A_42, %dma_start3A_45] : memref<65536x128xf32, #tpu.memory_space<hbm>> -> memref<128x128xf32, #tpu.memory_space<hbm>>
        tpu.enqueue_dma source(%arg8 : memref<128x128xf32, #tpu.memory_space<vmem>>) target(%dma_start3A_46 : memref<128x128xf32, #tpu.memory_space<hbm>>) target_semaphore(%run_scoped3A : memref<!tpu.dma_semaphore, #tpu.memory_space<semaphore_mem>>)
        %dma_wait3A_47 = arith.constant 0 : i32
        %dma_wait3A_48 = tpu.memref_slice %arg4[%add3A_42, %dma_wait3A_47] : memref<65536x128xf32, #tpu.memory_space<hbm>> -> memref<128x128xf32, #tpu.memory_space<hbm>>
        %dma_wait3A_49 = arith.constant 0 : i32
        %dma_wait3A_50 = tpu.memref_slice %arg4[%add3A_42, %dma_wait3A_49] : memref<65536x128xf32, #tpu.memory_space<hbm>> -> memref<128x128xf32, #tpu.memory_space<hbm>>
        tpu.wait_dma2 semaphore(%run_scoped3A : memref<!tpu.dma_semaphore, #tpu.memory_space<semaphore_mem>>) src(%arg8 : memref<128x128xf32, #tpu.memory_space<vmem>>) dst(%dma_wait3A_50 : memref<128x128xf32, #tpu.memory_space<hbm>>)
        tpu.yield
      }) : () -> ()
    }
    %scan3A_11 = arith.constant 8 : i32
    return
  }
}

#map = affine_map<(d0, d1) -> (0, 0)>
#map1 = affine_map<(d0, d1) -> (0)>
module attributes {stable_mosaic.version = 14 : i64} {
  func.func @_sc_gather_body(%arg0: i32, %arg1: i32, %arg2: memref<2048x128xf32, #tpu.memory_space<hbm>>, %arg3: memref<65536xi32, #tpu.memory_space<hbm>>, %arg4: memref<65536x128xf32, #tpu.memory_space<hbm>>, %arg5: memref<128xi32, #tpu.memory_space<vmem>>, %arg6: memref<128xi32, #tpu.memory_space<vmem>>, %arg7: memref<128x128xf32, #tpu.memory_space<vmem>>, %arg8: memref<128x128xf32, #tpu.memory_space<vmem>>, %arg9: memref<!tpu.dma_semaphore, #tpu.memory_space<semaphore_mem>>, %arg10: memref<!tpu.dma_semaphore, #tpu.memory_space<semaphore_mem>>) attributes {dimension_semantics = [#tpu.dimension_semantics<core_parallel>, #tpu.dimension_semantics<subcore_parallel>], iteration_bounds = array<i64: 2, 16>, scalar_prefetch = 0 : i64, scratch_operands = 6 : i64, tpu.core_type = #tpu.core_type<sc_vector_subcore>, window_params = [{transform_indices = #map}, {transform_indices = #map1}, {transform_indices = #map}]} {
    %mul3A = arith.constant 2 : i32
    %mul3A_0 = arith.muli %arg1, %mul3A : i32
    %add3A = arith.addi %mul3A_0, %arg0 : i32
    %mul3A_1 = arith.constant 2048 : i32
    %mul3A_2 = arith.muli %add3A, %mul3A_1 : i32
    %add3A_3 = arith.constant 0 : i32
    %add3A_4 = arith.addi %mul3A_2, %add3A_3 : i32
    "tpu.region"() ({
      %run_scoped3A = tpu.sem_alloc : memref<!tpu.dma_semaphore, #tpu.memory_space<semaphore_mem>>
      %dma_start3A_12 = tpu.memref_slice %arg3[%add3A_4] : memref<65536xi32, #tpu.memory_space<hbm>> -> memref<128xi32, #tpu.memory_space<hbm>>
      %dma_start3A_13 = tpu.memref_slice %arg3[%add3A_4] : memref<65536xi32, #tpu.memory_space<hbm>> -> memref<128xi32, #tpu.memory_space<hbm>>
      tpu.enqueue_dma source(%dma_start3A_13 : memref<128xi32, #tpu.memory_space<hbm>>) target(%arg5 : memref<128xi32, #tpu.memory_space<vmem>>) target_semaphore(%run_scoped3A : memref<!tpu.dma_semaphore, #tpu.memory_space<semaphore_mem>>)
      %dma_wait3A = tpu.memref_slice %arg3[%add3A_4] : memref<65536xi32, #tpu.memory_space<hbm>> -> memref<128xi32, #tpu.memory_space<hbm>>
      %dma_wait3A_14 = tpu.memref_slice %arg3[%add3A_4] : memref<65536xi32, #tpu.memory_space<hbm>> -> memref<128xi32, #tpu.memory_space<hbm>>
      tpu.wait_dma2 semaphore(%run_scoped3A : memref<!tpu.dma_semaphore, #tpu.memory_space<semaphore_mem>>) src(%dma_wait3A_14 : memref<128xi32, #tpu.memory_space<hbm>>) dst(%arg5 : memref<128xi32, #tpu.memory_space<vmem>>)
      tpu.yield
    }) : () -> ()
    %dma_start3A = arith.constant 0 : i32
    %dma_start3A_5 = arith.constant 0 : i32
    %dma_start3A_6 = tpu.memref_slice %arg2[%dma_start3A, %dma_start3A_5] : memref<2048x128xf32, #tpu.memory_space<hbm>> -> memref<2048x128xf32, #tpu.memory_space<hbm>>
    tpu.enqueue_indirect_dma source(%dma_start3A_6 : memref<2048x128xf32, #tpu.memory_space<hbm>>) target(%arg7 : memref<128x128xf32, #tpu.memory_space<vmem>>) offsets(%arg5 : memref<128xi32, #tpu.memory_space<vmem>>) semaphore(%arg9 : memref<!tpu.dma_semaphore, #tpu.memory_space<semaphore_mem>>)
    %scan3A = arith.constant 0 : i32
    %scan3A_7 = arith.constant 0 : i32
    %scan3A_8 = arith.constant 8 : i32
    %scan3A_9 = arith.addi %scan3A_7, %scan3A_8 : i32
    %scan3A_10 = arith.constant 1 : i32
    scf.for %scan3A_12 = %scan3A_7 to %scan3A_9 step %scan3A_10  : i32 {
      %mul3A_13 = arith.constant 2 : i32
      %mul3A_14 = arith.muli %mul3A_13, %scan3A_12 : i32
      %add3A_15 = arith.constant 0 : i32
      %add3A_16 = arith.addi %mul3A_14, %add3A_15 : i32
      %add3A_17 = arith.constant 1 : i32
      %add3A_18 = arith.addi %add3A_16, %add3A_17 : i32
      %lt3A = arith.constant 16 : i32
      %lt3A_19 = arith.cmpi slt, %add3A_18, %lt3A : i32
      %convert_element_type3A = arith.extui %lt3A_19 : i1 to i32
      %cond3A = arith.constant 0 : i32
      %cond3A_20 = arith.cmpi ne, %convert_element_type3A, %cond3A : i32
      scf.if %cond3A_20 {
        %mul3A_43 = arith.constant 128 : i32
        %mul3A_44 = arith.muli %add3A_18, %mul3A_43 : i32
        %add3A_45 = arith.addi %mul3A_2, %mul3A_44 : i32
        "tpu.region"() ({
          %run_scoped3A = tpu.sem_alloc : memref<!tpu.dma_semaphore, #tpu.memory_space<semaphore_mem>>
          %dma_start3A_49 = tpu.memref_slice %arg3[%add3A_45] : memref<65536xi32, #tpu.memory_space<hbm>> -> memref<128xi32, #tpu.memory_space<hbm>>
          %dma_start3A_50 = tpu.memref_slice %arg3[%add3A_45] : memref<65536xi32, #tpu.memory_space<hbm>> -> memref<128xi32, #tpu.memory_space<hbm>>
          tpu.enqueue_dma source(%dma_start3A_50 : memref<128xi32, #tpu.memory_space<hbm>>) target(%arg6 : memref<128xi32, #tpu.memory_space<vmem>>) target_semaphore(%run_scoped3A : memref<!tpu.dma_semaphore, #tpu.memory_space<semaphore_mem>>)
          %dma_wait3A_51 = tpu.memref_slice %arg3[%add3A_45] : memref<65536xi32, #tpu.memory_space<hbm>> -> memref<128xi32, #tpu.memory_space<hbm>>
          %dma_wait3A_52 = tpu.memref_slice %arg3[%add3A_45] : memref<65536xi32, #tpu.memory_space<hbm>> -> memref<128xi32, #tpu.memory_space<hbm>>
          tpu.wait_dma2 semaphore(%run_scoped3A : memref<!tpu.dma_semaphore, #tpu.memory_space<semaphore_mem>>) src(%dma_wait3A_52 : memref<128xi32, #tpu.memory_space<hbm>>) dst(%arg6 : memref<128xi32, #tpu.memory_space<vmem>>)
          tpu.yield
        }) : () -> ()
        %dma_start3A_46 = arith.constant 0 : i32
        %dma_start3A_47 = arith.constant 0 : i32
        %dma_start3A_48 = tpu.memref_slice %arg2[%dma_start3A_46, %dma_start3A_47] : memref<2048x128xf32, #tpu.memory_space<hbm>> -> memref<2048x128xf32, #tpu.memory_space<hbm>>
        tpu.enqueue_indirect_dma source(%dma_start3A_48 : memref<2048x128xf32, #tpu.memory_space<hbm>>) target(%arg8 : memref<128x128xf32, #tpu.memory_space<vmem>>) offsets(%arg6 : memref<128xi32, #tpu.memory_space<vmem>>) semaphore(%arg10 : memref<!tpu.dma_semaphore, #tpu.memory_space<semaphore_mem>>)
      } else {
      }
      %dma_wait3A = arith.constant 0 : i32
      %dma_wait3A_21 = arith.constant 0 : i32
      %dma_wait3A_22 = tpu.memref_slice %arg2[%dma_wait3A, %dma_wait3A_21] : memref<2048x128xf32, #tpu.memory_space<hbm>> -> memref<2048x128xf32, #tpu.memory_space<hbm>>
      tpu.wait_indirect_dma semaphore(%arg9 : memref<!tpu.dma_semaphore, #tpu.memory_space<semaphore_mem>>) src(%dma_wait3A_22 : memref<2048x128xf32, #tpu.memory_space<hbm>>) dst(%arg7 : memref<128x128xf32, #tpu.memory_space<vmem>>)
      %mul3A_23 = arith.constant 128 : i32
      %mul3A_24 = arith.muli %add3A_16, %mul3A_23 : i32
      %add3A_25 = arith.addi %mul3A_2, %mul3A_24 : i32
      "tpu.region"() ({
        %run_scoped3A = tpu.sem_alloc : memref<!tpu.dma_semaphore, #tpu.memory_space<semaphore_mem>>
        %dma_start3A_43 = arith.constant 0 : i32
        %dma_start3A_44 = tpu.memref_slice %arg4[%add3A_25, %dma_start3A_43] : memref<65536x128xf32, #tpu.memory_space<hbm>> -> memref<128x128xf32, #tpu.memory_space<hbm>>
        %dma_start3A_45 = arith.constant 0 : i32
        %dma_start3A_46 = tpu.memref_slice %arg4[%add3A_25, %dma_start3A_45] : memref<65536x128xf32, #tpu.memory_space<hbm>> -> memref<128x128xf32, #tpu.memory_space<hbm>>
        tpu.enqueue_dma source(%arg7 : memref<128x128xf32, #tpu.memory_space<vmem>>) target(%dma_start3A_46 : memref<128x128xf32, #tpu.memory_space<hbm>>) target_semaphore(%run_scoped3A : memref<!tpu.dma_semaphore, #tpu.memory_space<semaphore_mem>>)
        %dma_wait3A_47 = arith.constant 0 : i32
        %dma_wait3A_48 = tpu.memref_slice %arg4[%add3A_25, %dma_wait3A_47] : memref<65536x128xf32, #tpu.memory_space<hbm>> -> memref<128x128xf32, #tpu.memory_space<hbm>>
        %dma_wait3A_49 = arith.constant 0 : i32
        %dma_wait3A_50 = tpu.memref_slice %arg4[%add3A_25, %dma_wait3A_49] : memref<65536x128xf32, #tpu.memory_space<hbm>> -> memref<128x128xf32, #tpu.memory_space<hbm>>
        tpu.wait_dma2 semaphore(%run_scoped3A : memref<!tpu.dma_semaphore, #tpu.memory_space<semaphore_mem>>) src(%arg7 : memref<128x128xf32, #tpu.memory_space<vmem>>) dst(%dma_wait3A_50 : memref<128x128xf32, #tpu.memory_space<hbm>>)
        tpu.yield
      }) : () -> ()
      %mul3A_26 = arith.constant 2 : i32
      %mul3A_27 = arith.muli %mul3A_26, %scan3A_12 : i32
      %add3A_28 = arith.constant 1 : i32
      %add3A_29 = arith.addi %mul3A_27, %add3A_28 : i32
      %add3A_30 = arith.constant 1 : i32
      %add3A_31 = arith.addi %add3A_29, %add3A_30 : i32
      %lt3A_32 = arith.constant 16 : i32
      %lt3A_33 = arith.cmpi slt, %add3A_31, %lt3A_32 : i32
      %convert_element_type3A_34 = arith.extui %lt3A_33 : i1 to i32
      %cond3A_35 = arith.constant 0 : i32
      %cond3A_36 = arith.cmpi ne, %convert_element_type3A_34, %cond3A_35 : i32
      scf.if %cond3A_36 {
        %mul3A_43 = arith.constant 128 : i32
        %mul3A_44 = arith.muli %add3A_31, %mul3A_43 : i32
        %add3A_45 = arith.addi %mul3A_2, %mul3A_44 : i32
        "tpu.region"() ({
          %run_scoped3A = tpu.sem_alloc : memref<!tpu.dma_semaphore, #tpu.memory_space<semaphore_mem>>
          %dma_start3A_49 = tpu.memref_slice %arg3[%add3A_45] : memref<65536xi32, #tpu.memory_space<hbm>> -> memref<128xi32, #tpu.memory_space<hbm>>
          %dma_start3A_50 = tpu.memref_slice %arg3[%add3A_45] : memref<65536xi32, #tpu.memory_space<hbm>> -> memref<128xi32, #tpu.memory_space<hbm>>
          tpu.enqueue_dma source(%dma_start3A_50 : memref<128xi32, #tpu.memory_space<hbm>>) target(%arg5 : memref<128xi32, #tpu.memory_space<vmem>>) target_semaphore(%run_scoped3A : memref<!tpu.dma_semaphore, #tpu.memory_space<semaphore_mem>>)
          %dma_wait3A_51 = tpu.memref_slice %arg3[%add3A_45] : memref<65536xi32, #tpu.memory_space<hbm>> -> memref<128xi32, #tpu.memory_space<hbm>>
          %dma_wait3A_52 = tpu.memref_slice %arg3[%add3A_45] : memref<65536xi32, #tpu.memory_space<hbm>> -> memref<128xi32, #tpu.memory_space<hbm>>
          tpu.wait_dma2 semaphore(%run_scoped3A : memref<!tpu.dma_semaphore, #tpu.memory_space<semaphore_mem>>) src(%dma_wait3A_52 : memref<128xi32, #tpu.memory_space<hbm>>) dst(%arg5 : memref<128xi32, #tpu.memory_space<vmem>>)
          tpu.yield
        }) : () -> ()
        %dma_start3A_46 = arith.constant 0 : i32
        %dma_start3A_47 = arith.constant 0 : i32
        %dma_start3A_48 = tpu.memref_slice %arg2[%dma_start3A_46, %dma_start3A_47] : memref<2048x128xf32, #tpu.memory_space<hbm>> -> memref<2048x128xf32, #tpu.memory_space<hbm>>
        tpu.enqueue_indirect_dma source(%dma_start3A_48 : memref<2048x128xf32, #tpu.memory_space<hbm>>) target(%arg7 : memref<128x128xf32, #tpu.memory_space<vmem>>) offsets(%arg5 : memref<128xi32, #tpu.memory_space<vmem>>) semaphore(%arg9 : memref<!tpu.dma_semaphore, #tpu.memory_space<semaphore_mem>>)
      } else {
      }
      %dma_wait3A_37 = arith.constant 0 : i32
      %dma_wait3A_38 = arith.constant 0 : i32
      %dma_wait3A_39 = tpu.memref_slice %arg2[%dma_wait3A_37, %dma_wait3A_38] : memref<2048x128xf32, #tpu.memory_space<hbm>> -> memref<2048x128xf32, #tpu.memory_space<hbm>>
      tpu.wait_indirect_dma semaphore(%arg10 : memref<!tpu.dma_semaphore, #tpu.memory_space<semaphore_mem>>) src(%dma_wait3A_39 : memref<2048x128xf32, #tpu.memory_space<hbm>>) dst(%arg8 : memref<128x128xf32, #tpu.memory_space<vmem>>)
      %mul3A_40 = arith.constant 128 : i32
      %mul3A_41 = arith.muli %add3A_29, %mul3A_40 : i32
      %add3A_42 = arith.addi %mul3A_2, %mul3A_41 : i32
      "tpu.region"() ({
        %run_scoped3A = tpu.sem_alloc : memref<!tpu.dma_semaphore, #tpu.memory_space<semaphore_mem>>
        %dma_start3A_43 = arith.constant 0 : i32
        %dma_start3A_44 = tpu.memref_slice %arg4[%add3A_42, %dma_start3A_43] : memref<65536x128xf32, #tpu.memory_space<hbm>> -> memref<128x128xf32, #tpu.memory_space<hbm>>
        %dma_start3A_45 = arith.constant 0 : i32
        %dma_start3A_46 = tpu.memref_slice %arg4[%add3A_42, %dma_start3A_45] : memref<65536x128xf32, #tpu.memory_space<hbm>> -> memref<128x128xf32, #tpu.memory_space<hbm>>
        tpu.enqueue_dma source(%arg8 : memref<128x128xf32, #tpu.memory_space<vmem>>) target(%dma_start3A_46 : memref<128x128xf32, #tpu.memory_space<hbm>>) target_semaphore(%run_scoped3A : memref<!tpu.dma_semaphore, #tpu.memory_space<semaphore_mem>>)
        %dma_wait3A_47 = arith.constant 0 : i32
        %dma_wait3A_48 = tpu.memref_slice %arg4[%add3A_42, %dma_wait3A_47] : memref<65536x128xf32, #tpu.memory_space<hbm>> -> memref<128x128xf32, #tpu.memory_space<hbm>>
        %dma_wait3A_49 = arith.constant 0 : i32
        %dma_wait3A_50 = tpu.memref_slice %arg4[%add3A_42, %dma_wait3A_49] : memref<65536x128xf32, #tpu.memory_space<hbm>> -> memref<128x128xf32, #tpu.memory_space<hbm>>
        tpu.wait_dma2 semaphore(%run_scoped3A : memref<!tpu.dma_semaphore, #tpu.memory_space<semaphore_mem>>) src(%arg8 : memref<128x128xf32, #tpu.memory_space<vmem>>) dst(%dma_wait3A_50 : memref<128x128xf32, #tpu.memory_space<hbm>>)
        tpu.yield
      }) : () -> ()
    }
    %scan3A_11 = arith.constant 8 : i32
    return
  }
}

#map = affine_map<(d0, d1) -> (0, 0)>
#map1 = affine_map<(d0, d1) -> (0)>
module attributes {stable_mosaic.version = 14 : i64} {
  func.func @_sc_gather_body(%arg0: i32, %arg1: i32, %arg2: memref<2048x128xf32, #tpu.memory_space<hbm>>, %arg3: memref<65536xi32, #tpu.memory_space<hbm>>, %arg4: memref<65536x128xf32, #tpu.memory_space<hbm>>, %arg5: memref<128xi32, #tpu.memory_space<vmem>>, %arg6: memref<128xi32, #tpu.memory_space<vmem>>, %arg7: memref<128x128xf32, #tpu.memory_space<vmem>>, %arg8: memref<128x128xf32, #tpu.memory_space<vmem>>, %arg9: memref<!tpu.dma_semaphore, #tpu.memory_space<semaphore_mem>>, %arg10: memref<!tpu.dma_semaphore, #tpu.memory_space<semaphore_mem>>) attributes {dimension_semantics = [#tpu.dimension_semantics<core_parallel>, #tpu.dimension_semantics<subcore_parallel>], iteration_bounds = array<i64: 2, 16>, scalar_prefetch = 0 : i64, scratch_operands = 6 : i64, tpu.core_type = #tpu.core_type<sc_vector_subcore>, window_params = [{transform_indices = #map}, {transform_indices = #map1}, {transform_indices = #map}]} {
    %mul3A = arith.constant 2 : i32
    %mul3A_0 = arith.muli %arg1, %mul3A : i32
    %add3A = arith.addi %mul3A_0, %arg0 : i32
    %mul3A_1 = arith.constant 2048 : i32
    %mul3A_2 = arith.muli %add3A, %mul3A_1 : i32
    %add3A_3 = arith.constant 0 : i32
    %add3A_4 = arith.addi %mul3A_2, %add3A_3 : i32
    "tpu.region"() ({
      %run_scoped3A = tpu.sem_alloc : memref<!tpu.dma_semaphore, #tpu.memory_space<semaphore_mem>>
      %dma_start3A_12 = tpu.memref_slice %arg3[%add3A_4] : memref<65536xi32, #tpu.memory_space<hbm>> -> memref<128xi32, #tpu.memory_space<hbm>>
      %dma_start3A_13 = tpu.memref_slice %arg3[%add3A_4] : memref<65536xi32, #tpu.memory_space<hbm>> -> memref<128xi32, #tpu.memory_space<hbm>>
      tpu.enqueue_dma source(%dma_start3A_13 : memref<128xi32, #tpu.memory_space<hbm>>) target(%arg5 : memref<128xi32, #tpu.memory_space<vmem>>) target_semaphore(%run_scoped3A : memref<!tpu.dma_semaphore, #tpu.memory_space<semaphore_mem>>)
      %dma_wait3A = tpu.memref_slice %arg3[%add3A_4] : memref<65536xi32, #tpu.memory_space<hbm>> -> memref<128xi32, #tpu.memory_space<hbm>>
      %dma_wait3A_14 = tpu.memref_slice %arg3[%add3A_4] : memref<65536xi32, #tpu.memory_space<hbm>> -> memref<128xi32, #tpu.memory_space<hbm>>
      tpu.wait_dma2 semaphore(%run_scoped3A : memref<!tpu.dma_semaphore, #tpu.memory_space<semaphore_mem>>) src(%dma_wait3A_14 : memref<128xi32, #tpu.memory_space<hbm>>) dst(%arg5 : memref<128xi32, #tpu.memory_space<vmem>>)
      tpu.yield
    }) : () -> ()
    %dma_start3A = arith.constant 0 : i32
    %dma_start3A_5 = arith.constant 0 : i32
    %dma_start3A_6 = tpu.memref_slice %arg2[%dma_start3A, %dma_start3A_5] : memref<2048x128xf32, #tpu.memory_space<hbm>> -> memref<2048x128xf32, #tpu.memory_space<hbm>>
    tpu.enqueue_indirect_dma source(%dma_start3A_6 : memref<2048x128xf32, #tpu.memory_space<hbm>>) target(%arg7 : memref<128x128xf32, #tpu.memory_space<vmem>>) offsets(%arg5 : memref<128xi32, #tpu.memory_space<vmem>>) semaphore(%arg9 : memref<!tpu.dma_semaphore, #tpu.memory_space<semaphore_mem>>)
    %scan3A = arith.constant 0 : i32
    %scan3A_7 = arith.constant 0 : i32
    %scan3A_8 = arith.constant 8 : i32
    %scan3A_9 = arith.addi %scan3A_7, %scan3A_8 : i32
    %scan3A_10 = arith.constant 1 : i32
    scf.for %scan3A_12 = %scan3A_7 to %scan3A_9 step %scan3A_10  : i32 {
      %mul3A_13 = arith.constant 2 : i32
      %mul3A_14 = arith.muli %mul3A_13, %scan3A_12 : i32
      %add3A_15 = arith.constant 0 : i32
      %add3A_16 = arith.addi %mul3A_14, %add3A_15 : i32
      %add3A_17 = arith.constant 1 : i32
      %add3A_18 = arith.addi %add3A_16, %add3A_17 : i32
      %lt3A = arith.constant 16 : i32
      %lt3A_19 = arith.cmpi slt, %add3A_18, %lt3A : i32
      %convert_element_type3A = arith.extui %lt3A_19 : i1 to i32
      %cond3A = arith.constant 0 : i32
      %cond3A_20 = arith.cmpi ne, %convert_element_type3A, %cond3A : i32
      scf.if %cond3A_20 {
        %mul3A_43 = arith.constant 128 : i32
        %mul3A_44 = arith.muli %add3A_18, %mul3A_43 : i32
        %add3A_45 = arith.addi %mul3A_2, %mul3A_44 : i32
        "tpu.region"() ({
          %run_scoped3A = tpu.sem_alloc : memref<!tpu.dma_semaphore, #tpu.memory_space<semaphore_mem>>
          %dma_start3A_49 = tpu.memref_slice %arg3[%add3A_45] : memref<65536xi32, #tpu.memory_space<hbm>> -> memref<128xi32, #tpu.memory_space<hbm>>
          %dma_start3A_50 = tpu.memref_slice %arg3[%add3A_45] : memref<65536xi32, #tpu.memory_space<hbm>> -> memref<128xi32, #tpu.memory_space<hbm>>
          tpu.enqueue_dma source(%dma_start3A_50 : memref<128xi32, #tpu.memory_space<hbm>>) target(%arg6 : memref<128xi32, #tpu.memory_space<vmem>>) target_semaphore(%run_scoped3A : memref<!tpu.dma_semaphore, #tpu.memory_space<semaphore_mem>>)
          %dma_wait3A_51 = tpu.memref_slice %arg3[%add3A_45] : memref<65536xi32, #tpu.memory_space<hbm>> -> memref<128xi32, #tpu.memory_space<hbm>>
          %dma_wait3A_52 = tpu.memref_slice %arg3[%add3A_45] : memref<65536xi32, #tpu.memory_space<hbm>> -> memref<128xi32, #tpu.memory_space<hbm>>
          tpu.wait_dma2 semaphore(%run_scoped3A : memref<!tpu.dma_semaphore, #tpu.memory_space<semaphore_mem>>) src(%dma_wait3A_52 : memref<128xi32, #tpu.memory_space<hbm>>) dst(%arg6 : memref<128xi32, #tpu.memory_space<vmem>>)
          tpu.yield
        }) : () -> ()
        %dma_start3A_46 = arith.constant 0 : i32
        %dma_start3A_47 = arith.constant 0 : i32
        %dma_start3A_48 = tpu.memref_slice %arg2[%dma_start3A_46, %dma_start3A_47] : memref<2048x128xf32, #tpu.memory_space<hbm>> -> memref<2048x128xf32, #tpu.memory_space<hbm>>
        tpu.enqueue_indirect_dma source(%dma_start3A_48 : memref<2048x128xf32, #tpu.memory_space<hbm>>) target(%arg8 : memref<128x128xf32, #tpu.memory_space<vmem>>) offsets(%arg6 : memref<128xi32, #tpu.memory_space<vmem>>) semaphore(%arg10 : memref<!tpu.dma_semaphore, #tpu.memory_space<semaphore_mem>>)
      } else {
      }
      %dma_wait3A = arith.constant 0 : i32
      %dma_wait3A_21 = arith.constant 0 : i32
      %dma_wait3A_22 = tpu.memref_slice %arg2[%dma_wait3A, %dma_wait3A_21] : memref<2048x128xf32, #tpu.memory_space<hbm>> -> memref<2048x128xf32, #tpu.memory_space<hbm>>
      tpu.wait_indirect_dma semaphore(%arg9 : memref<!tpu.dma_semaphore, #tpu.memory_space<semaphore_mem>>) src(%dma_wait3A_22 : memref<2048x128xf32, #tpu.memory_space<hbm>>) dst(%arg7 : memref<128x128xf32, #tpu.memory_space<vmem>>)
      %mul3A_23 = arith.constant 128 : i32
      %mul3A_24 = arith.muli %add3A_16, %mul3A_23 : i32
      %add3A_25 = arith.addi %mul3A_2, %mul3A_24 : i32
      "tpu.region"() ({
        %run_scoped3A = tpu.sem_alloc : memref<!tpu.dma_semaphore, #tpu.memory_space<semaphore_mem>>
        %dma_start3A_43 = arith.constant 0 : i32
        %dma_start3A_44 = tpu.memref_slice %arg4[%add3A_25, %dma_start3A_43] : memref<65536x128xf32, #tpu.memory_space<hbm>> -> memref<128x128xf32, #tpu.memory_space<hbm>>
        %dma_start3A_45 = arith.constant 0 : i32
        %dma_start3A_46 = tpu.memref_slice %arg4[%add3A_25, %dma_start3A_45] : memref<65536x128xf32, #tpu.memory_space<hbm>> -> memref<128x128xf32, #tpu.memory_space<hbm>>
        tpu.enqueue_dma source(%arg7 : memref<128x128xf32, #tpu.memory_space<vmem>>) target(%dma_start3A_46 : memref<128x128xf32, #tpu.memory_space<hbm>>) target_semaphore(%run_scoped3A : memref<!tpu.dma_semaphore, #tpu.memory_space<semaphore_mem>>)
        %dma_wait3A_47 = arith.constant 0 : i32
        %dma_wait3A_48 = tpu.memref_slice %arg4[%add3A_25, %dma_wait3A_47] : memref<65536x128xf32, #tpu.memory_space<hbm>> -> memref<128x128xf32, #tpu.memory_space<hbm>>
        %dma_wait3A_49 = arith.constant 0 : i32
        %dma_wait3A_50 = tpu.memref_slice %arg4[%add3A_25, %dma_wait3A_49] : memref<65536x128xf32, #tpu.memory_space<hbm>> -> memref<128x128xf32, #tpu.memory_space<hbm>>
        tpu.wait_dma2 semaphore(%run_scoped3A : memref<!tpu.dma_semaphore, #tpu.memory_space<semaphore_mem>>) src(%arg7 : memref<128x128xf32, #tpu.memory_space<vmem>>) dst(%dma_wait3A_50 : memref<128x128xf32, #tpu.memory_space<hbm>>)
        tpu.yield
      }) : () -> ()
      %mul3A_26 = arith.constant 2 : i32
      %mul3A_27 = arith.muli %mul3A_26, %scan3A_12 : i32
      %add3A_28 = arith.constant 1 : i32
      %add3A_29 = arith.addi %mul3A_27, %add3A_28 : i32
      %add3A_30 = arith.constant 1 : i32
      %add3A_31 = arith.addi %add3A_29, %add3A_30 : i32
      %lt3A_32 = arith.constant 16 : i32
      %lt3A_33 = arith.cmpi slt, %add3A_31, %lt3A_32 : i32
      %convert_element_type3A_34 = arith.extui %lt3A_33 : i1 to i32
      %cond3A_35 = arith.constant 0 : i32
      %cond3A_36 = arith.cmpi ne, %convert_element_type3A_34, %cond3A_35 : i32
      scf.if %cond3A_36 {
        %mul3A_43 = arith.constant 128 : i32
        %mul3A_44 = arith.muli %add3A_31, %mul3A_43 : i32
        %add3A_45 = arith.addi %mul3A_2, %mul3A_44 : i32
        "tpu.region"() ({
          %run_scoped3A = tpu.sem_alloc : memref<!tpu.dma_semaphore, #tpu.memory_space<semaphore_mem>>
          %dma_start3A_49 = tpu.memref_slice %arg3[%add3A_45] : memref<65536xi32, #tpu.memory_space<hbm>> -> memref<128xi32, #tpu.memory_space<hbm>>
          %dma_start3A_50 = tpu.memref_slice %arg3[%add3A_45] : memref<65536xi32, #tpu.memory_space<hbm>> -> memref<128xi32, #tpu.memory_space<hbm>>
          tpu.enqueue_dma source(%dma_start3A_50 : memref<128xi32, #tpu.memory_space<hbm>>) target(%arg5 : memref<128xi32, #tpu.memory_space<vmem>>) target_semaphore(%run_scoped3A : memref<!tpu.dma_semaphore, #tpu.memory_space<semaphore_mem>>)
          %dma_wait3A_51 = tpu.memref_slice %arg3[%add3A_45] : memref<65536xi32, #tpu.memory_space<hbm>> -> memref<128xi32, #tpu.memory_space<hbm>>
          %dma_wait3A_52 = tpu.memref_slice %arg3[%add3A_45] : memref<65536xi32, #tpu.memory_space<hbm>> -> memref<128xi32, #tpu.memory_space<hbm>>
          tpu.wait_dma2 semaphore(%run_scoped3A : memref<!tpu.dma_semaphore, #tpu.memory_space<semaphore_mem>>) src(%dma_wait3A_52 : memref<128xi32, #tpu.memory_space<hbm>>) dst(%arg5 : memref<128xi32, #tpu.memory_space<vmem>>)
          tpu.yield
        }) : () -> ()
        %dma_start3A_46 = arith.constant 0 : i32
        %dma_start3A_47 = arith.constant 0 : i32
        %dma_start3A_48 = tpu.memref_slice %arg2[%dma_start3A_46, %dma_start3A_47] : memref<2048x128xf32, #tpu.memory_space<hbm>> -> memref<2048x128xf32, #tpu.memory_space<hbm>>
        tpu.enqueue_indirect_dma source(%dma_start3A_48 : memref<2048x128xf32, #tpu.memory_space<hbm>>) target(%arg7 : memref<128x128xf32, #tpu.memory_space<vmem>>) offsets(%arg5 : memref<128xi32, #tpu.memory_space<vmem>>) semaphore(%arg9 : memref<!tpu.dma_semaphore, #tpu.memory_space<semaphore_mem>>)
      } else {
      }
      %dma_wait3A_37 = arith.constant 0 : i32
      %dma_wait3A_38 = arith.constant 0 : i32
      %dma_wait3A_39 = tpu.memref_slice %arg2[%dma_wait3A_37, %dma_wait3A_38] : memref<2048x128xf32, #tpu.memory_space<hbm>> -> memref<2048x128xf32, #tpu.memory_space<hbm>>
      tpu.wait_indirect_dma semaphore(%arg10 : memref<!tpu.dma_semaphore, #tpu.memory_space<semaphore_mem>>) src(%dma_wait3A_39 : memref<2048x128xf32, #tpu.memory_space<hbm>>) dst(%arg8 : memref<128x128xf32, #tpu.memory_space<vmem>>)
      %mul3A_40 = arith.constant 128 : i32
      %mul3A_41 = arith.muli %add3A_29, %mul3A_40 : i32
      %add3A_42 = arith.addi %mul3A_2, %mul3A_41 : i32
      "tpu.region"() ({
        %run_scoped3A = tpu.sem_alloc : memref<!tpu.dma_semaphore, #tpu.memory_space<semaphore_mem>>
        %dma_start3A_43 = arith.constant 0 : i32
        %dma_start3A_44 = tpu.memref_slice %arg4[%add3A_42, %dma_start3A_43] : memref<65536x128xf32, #tpu.memory_space<hbm>> -> memref<128x128xf32, #tpu.memory_space<hbm>>
        %dma_start3A_45 = arith.constant 0 : i32
        %dma_start3A_46 = tpu.memref_slice %arg4[%add3A_42, %dma_start3A_45] : memref<65536x128xf32, #tpu.memory_space<hbm>> -> memref<128x128xf32, #tpu.memory_space<hbm>>
        tpu.enqueue_dma source(%arg8 : memref<128x128xf32, #tpu.memory_space<vmem>>) target(%dma_start3A_46 : memref<128x128xf32, #tpu.memory_space<hbm>>) target_semaphore(%run_scoped3A : memref<!tpu.dma_semaphore, #tpu.memory_space<semaphore_mem>>)
        %dma_wait3A_47 = arith.constant 0 : i32
        %dma_wait3A_48 = tpu.memref_slice %arg4[%add3A_42, %dma_wait3A_47] : memref<65536x128xf32, #tpu.memory_space<hbm>> -> memref<128x128xf32, #tpu.memory_space<hbm>>
        %dma_wait3A_49 = arith.constant 0 : i32
        %dma_wait3A_50 = tpu.memref_slice %arg4[%add3A_42, %dma_wait3A_49] : memref<65536x128xf32, #tpu.memory_space<hbm>> -> memref<128x128xf32, #tpu.memory_space<hbm>>
        tpu.wait_dma2 semaphore(%run_scoped3A : memref<!tpu.dma_semaphore, #tpu.memory_space<semaphore_mem>>) src(%arg8 : memref<128x128xf32, #tpu.memory_space<vmem>>) dst(%dma_wait3A_50 : memref<128x128xf32, #tpu.memory_space<hbm>>)
        tpu.yield
      }) : () -> ()
    }
    %scan3A_11 = arith.constant 8 : i32
    return
  }
}

module attributes {stable_mosaic.version = 14 : i64} {
  func.func @_k1_body(%arg0: i32, %arg1: i32, %arg2: memref<1x512x3xf32, #tpu.memory_space<vmem>>, %arg3: memref<1x3x2048xf32, #tpu.memory_space<vmem>>, %arg4: memref<3x64xf32, #tpu.memory_space<vmem>>, %arg5: memref<64xf32, #tpu.memory_space<vmem>>, %arg6: memref<64xf32, #tpu.memory_space<vmem>>, %arg7: memref<64xf32, #tpu.memory_space<vmem>>, %arg8: memref<64x64xf32, #tpu.memory_space<vmem>>, %arg9: memref<64xf32, #tpu.memory_space<vmem>>, %arg10: memref<64xf32, #tpu.memory_space<vmem>>, %arg11: memref<1x512x64xf32, #tpu.memory_space<vmem>>, %arg12: memref<1x512x128xf32, #tpu.memory_space<vmem>>, %arg13: memref<1x512x64xf32, #tpu.memory_space<vmem>>, %arg14: memref<1x512x32xi32, #tpu.memory_space<vmem>>) attributes {dimension_semantics = [#tpu.dimension_semantics<arbitrary>, #tpu.dimension_semantics<arbitrary>], iteration_bounds = array<i64: 4, 4>, scalar_prefetch = 0 : i64, scratch_operands = 0 : i64, tpu.core_type = #tpu.core_type<tc>, window_params = [{transform_indices = @transform_0, window_bounds = array<i64: 1, 512, 3>}, {transform_indices = @transform_1, window_bounds = array<i64: 1, 3, 2048>}, {pipeline_mode = #tpu.pipeline_mode<synchronous>, transform_indices = @transform_2, window_bounds = array<i64: 3, 64>}, {pipeline_mode = #tpu.pipeline_mode<synchronous>, transform_indices = @transform_3, window_bounds = array<i64: 64>}, {pipeline_mode = #tpu.pipeline_mode<synchronous>, transform_indices = @transform_4, window_bounds = array<i64: 64>}, {pipeline_mode = #tpu.pipeline_mode<synchronous>, transform_indices = @transform_5, window_bounds = array<i64: 64>}, {pipeline_mode = #tpu.pipeline_mode<synchronous>, transform_indices = @transform_6, window_bounds = array<i64: 64, 64>}, {pipeline_mode = #tpu.pipeline_mode<synchronous>, transform_indices = @transform_7, window_bounds = array<i64: 64>}, {pipeline_mode = #tpu.pipeline_mode<synchronous>, transform_indices = @transform_8, window_bounds = array<i64: 64>}, {transform_indices = @transform_9, window_bounds = array<i64: 1, 512, 64>}, {transform_indices = @transform_10, window_bounds = array<i64: 1, 512, 128>}, {transform_indices = @transform_11, window_bounds = array<i64: 1, 512, 64>}, {transform_indices = @transform_12, window_bounds = array<i64: 1, 512, 32>}]} {
    %get3A = arith.constant 0 : index
    %get3A_0 = arith.constant 0 : index
    %get3A_1 = arith.constant 0 : index
    %get3A_2 = vector.load %arg2[%get3A, %get3A_0, %get3A_1] : memref<1x512x3xf32, #tpu.memory_space<vmem>>, vector<1x512x3xf32>
    %get3A_3 = vector.shape_cast %get3A_2 : vector<1x512x3xf32> to vector<512x3xf32>
    %get3A_4 = arith.constant 0 : index
    %get3A_5 = arith.constant 0 : index
    %get3A_6 = arith.constant 0 : index
    %get3A_7 = vector.load %arg3[%get3A_4, %get3A_5, %get3A_6] : memref<1x3x2048xf32, #tpu.memory_space<vmem>>, vector<1x3x2048xf32>
    %get3A_8 = vector.shape_cast %get3A_7 : vector<1x3x2048xf32> to vector<3x2048xf32>
    %get3A_9 = arith.constant 0 : index
    %get3A_10 = vector.load %arg5[%get3A_9] : memref<64xf32, #tpu.memory_space<vmem>>, vector<64xf32>
    %broadcast_in_dim3A = vector.shape_cast %get3A_10 : vector<64xf32> to vector<1x64xf32>
    %slice3A = vector.extract_strided_slice %get3A_3 {offsets = [0, 0], sizes = [512, 1], strides = [1, 1]} : vector<512x3xf32> to vector<512x1xf32>
    %get3A_11 = arith.constant 0 : index
    %get3A_12 = arith.constant 0 : index
    %get3A_13 = vector.load %arg4[%get3A_11, %get3A_12] : memref<3x64xf32, #tpu.memory_space<vmem>>, vector<1x64xf32>
    %mul3A = vector.broadcast %slice3A : vector<512x1xf32> to vector<512x64xf32>
    %mul3A_14 = vector.broadcast %get3A_13 : vector<1x64xf32> to vector<512x64xf32>
    %mul3A_15 = arith.mulf %mul3A, %mul3A_14 : vector<512x64xf32>
    %slice3A_16 = vector.extract_strided_slice %get3A_3 {offsets = [0, 1], sizes = [512, 1], strides = [1, 1]} : vector<512x3xf32> to vector<512x1xf32>
    %get3A_17 = arith.constant 1 : index
    %get3A_18 = arith.constant 0 : index
    %get3A_19 = vector.load %arg4[%get3A_17, %get3A_18] : memref<3x64xf32, #tpu.memory_space<vmem>>, vector<1x64xf32>
    %mul3A_20 = vector.broadcast %slice3A_16 : vector<512x1xf32> to vector<512x64xf32>
    %mul3A_21 = vector.broadcast %get3A_19 : vector<1x64xf32> to vector<512x64xf32>
    %mul3A_22 = arith.mulf %mul3A_20, %mul3A_21 : vector<512x64xf32>
    %add3A = arith.addf %mul3A_15, %mul3A_22 : vector<512x64xf32>
    %slice3A_23 = vector.extract_strided_slice %get3A_3 {offsets = [0, 2], sizes = [512, 1], strides = [1, 1]} : vector<512x3xf32> to vector<512x1xf32>
    %get3A_24 = arith.constant 2 : index
    %get3A_25 = arith.constant 0 : index
    %get3A_26 = vector.load %arg4[%get3A_24, %get3A_25] : memref<3x64xf32, #tpu.memory_space<vmem>>, vector<1x64xf32>
    %mul3A_27 = vector.broadcast %slice3A_23 : vector<512x1xf32> to vector<512x64xf32>
    %mul3A_28 = vector.broadcast %get3A_26 : vector<1x64xf32> to vector<512x64xf32>
    %mul3A_29 = arith.mulf %mul3A_27, %mul3A_28 : vector<512x64xf32>
    %add3A_30 = arith.addf %add3A, %mul3A_29 : vector<512x64xf32>
    %add3A_31 = vector.broadcast %broadcast_in_dim3A : vector<1x64xf32> to vector<512x64xf32>
    %add3A_32 = arith.addf %add3A_31, %add3A_30 : vector<512x64xf32>
    %get3A_33 = arith.constant 0 : index
    %get3A_34 = vector.load %arg6[%get3A_33] : memref<64xf32, #tpu.memory_space<vmem>>, vector<64xf32>
    %get3A_35 = arith.constant 0 : index
    %get3A_36 = vector.load %arg7[%get3A_35] : memref<64xf32, #tpu.memory_space<vmem>>, vector<64xf32>
    %reduce_sum3A = arith.constant dense<0.000000e+00> : vector<512xf32>
    %reduce_sum3A_37 = vector.multi_reduction <add>, %add3A_32, %reduce_sum3A [1] : vector<512x64xf32> to vector<512xf32>
    %broadcast_in_dim3A_38 = vector.shape_cast %reduce_sum3A_37 : vector<512xf32> to vector<512x1xf32>
    %div3A = arith.constant 6.400000e+01 : f32
    %div3A_39 = vector.broadcast %div3A : f32 to vector<512x1xf32>
    %div3A_40 = arith.divf %broadcast_in_dim3A_38, %div3A_39 : vector<512x1xf32>
    %sub3A = vector.broadcast %div3A_40 : vector<512x1xf32> to vector<512x64xf32>
    %sub3A_41 = arith.subf %add3A_32, %sub3A : vector<512x64xf32>
    %integer_pow3A = arith.mulf %sub3A_41, %sub3A_41 : vector<512x64xf32>
    %reduce_sum3A_42 = arith.constant dense<0.000000e+00> : vector<512xf32>
    %reduce_sum3A_43 = vector.multi_reduction <add>, %integer_pow3A, %reduce_sum3A_42 [1] : vector<512x64xf32> to vector<512xf32>
    %broadcast_in_dim3A_44 = vector.shape_cast %reduce_sum3A_43 : vector<512xf32> to vector<512x1xf32>
    %div3A_45 = arith.constant 6.400000e+01 : f32
    %div3A_46 = vector.broadcast %div3A_45 : f32 to vector<512x1xf32>
    %div3A_47 = arith.divf %broadcast_in_dim3A_44, %div3A_46 : vector<512x1xf32>
    %sub3A_48 = vector.broadcast %div3A_40 : vector<512x1xf32> to vector<512x64xf32>
    %sub3A_49 = arith.subf %add3A_32, %sub3A_48 : vector<512x64xf32>
    %add3A_50 = arith.constant 9.99999974E-6 : f32
    %add3A_51 = vector.broadcast %add3A_50 : f32 to vector<512x1xf32>
    %add3A_52 = arith.addf %div3A_47, %add3A_51 : vector<512x1xf32>
    %sqrt3A = math.sqrt %add3A_52 : vector<512x1xf32>
    %div3A_53 = vector.broadcast %sqrt3A : vector<512x1xf32> to vector<512x64xf32>
    %div3A_54 = arith.divf %sub3A_49, %div3A_53 : vector<512x64xf32>
    %broadcast_in_dim3A_55 = vector.shape_cast %get3A_34 : vector<64xf32> to vector<1x64xf32>
    %mul3A_56 = vector.broadcast %broadcast_in_dim3A_55 : vector<1x64xf32> to vector<512x64xf32>
    %mul3A_57 = arith.mulf %div3A_54, %mul3A_56 : vector<512x64xf32>
    %broadcast_in_dim3A_58 = vector.shape_cast %get3A_36 : vector<64xf32> to vector<1x64xf32>
    %add3A_59 = vector.broadcast %broadcast_in_dim3A_58 : vector<1x64xf32> to vector<512x64xf32>
    %add3A_60 = arith.addf %mul3A_57, %add3A_59 : vector<512x64xf32>
    %get3A_61 = arith.constant 0 : index
    %get3A_62 = arith.constant 0 : index
    %get3A_63 = vector.load %arg8[%get3A_61, %get3A_62] : memref<64x64xf32, #tpu.memory_space<vmem>>, vector<64x64xf32>
    %dot_general3A = arith.constant dense<0.000000e+00> : vector<512x64xf32>
    %dot_general3A_64 = tpu.matmul %add3A_60, %get3A_63, %dot_general3A {dimension_numbers = #tpu.dot_dimension_numbers<[1], [0], [0], [1], [0, 0, 1, 1], [], []>, transpose_lhs_hint = false} : vector<512x64xf32>, vector<64x64xf32>, vector<512x64xf32> -> vector<512x64xf32>
    %get3A_65 = arith.constant 0 : index
    %get3A_66 = vector.load %arg9[%get3A_65] : memref<64xf32, #tpu.memory_space<vmem>>, vector<64xf32>
    %broadcast_in_dim3A_67 = vector.shape_cast %get3A_66 : vector<64xf32> to vector<1x64xf32>
    %add3A_68 = vector.broadcast %broadcast_in_dim3A_67 : vector<1x64xf32> to vector<512x64xf32>
    %add3A_69 = arith.addf %dot_general3A_64, %add3A_68 : vector<512x64xf32>
    %get3A_70 = arith.constant 0 : index
    %get3A_71 = vector.load %arg10[%get3A_70] : memref<64xf32, #tpu.memory_space<vmem>>, vector<64xf32>
    %broadcast_in_dim3A_72 = vector.shape_cast %get3A_71 : vector<64xf32> to vector<1x64xf32>
    %sub3A_73 = vector.broadcast %broadcast_in_dim3A_72 : vector<1x64xf32> to vector<512x64xf32>
    %sub3A_74 = arith.subf %add3A_69, %sub3A_73 : vector<512x64xf32>
    %swap3A = arith.constant 0 : index
    %swap3A_75 = arith.constant 0 : index
    %swap3A_76 = arith.constant 0 : index
    %swap3A_77 = vector.load %arg11[%swap3A, %swap3A_75, %swap3A_76] : memref<1x512x64xf32, #tpu.memory_space<vmem>>, vector<1x512x64xf32>
    %swap3A_78 = vector.shape_cast %swap3A_77 : vector<1x512x64xf32> to vector<512x64xf32>
    %swap3A_79 = vector.shape_cast %add3A_32 : vector<512x64xf32> to vector<1x512x64xf32>
    tpu.vector_store %arg11[%swap3A, %swap3A_75, %swap3A_76], %swap3A_79 {strides = array<i32>} : memref<1x512x64xf32, #tpu.memory_space<vmem>>, vector<1x512x64xf32>,
    %broadcast_in_dim3A_80 = arith.constant 0.000000e+00 : f32
    %broadcast_in_dim3A_81 = vector.broadcast %broadcast_in_dim3A_80 : f32 to vector<512x61xf32>
    %concatenate3A = tpu.concatenate %add3A_60, %get3A_3, %broadcast_in_dim3A_81 in 1 : vector<512x64xf32>, vector<512x3xf32>, vector<512x61xf32> -> vector<512x128xf32>
    %swap3A_82 = arith.constant 0 : index
    %swap3A_83 = arith.constant 0 : index
    %swap3A_84 = arith.constant 0 : index
    %swap3A_85 = vector.load %arg12[%swap3A_82, %swap3A_83, %swap3A_84] : memref<1x512x128xf32, #tpu.memory_space<vmem>>, vector<1x512x128xf32>
    %swap3A_86 = vector.shape_cast %swap3A_85 : vector<1x512x128xf32> to vector<512x128xf32>
    %swap3A_87 = vector.shape_cast %concatenate3A : vector<512x128xf32> to vector<1x512x128xf32>
    tpu.vector_store %arg12[%swap3A_82, %swap3A_83, %swap3A_84], %swap3A_87 {strides = array<i32>} : memref<1x512x128xf32, #tpu.memory_space<vmem>>, vector<1x512x128xf32>,
    %swap3A_88 = arith.constant 0 : index
    %swap3A_89 = arith.constant 0 : index
    %swap3A_90 = arith.constant 0 : index
    %swap3A_91 = vector.load %arg13[%swap3A_88, %swap3A_89, %swap3A_90] : memref<1x512x64xf32, #tpu.memory_space<vmem>>, vector<1x512x64xf32>
    %swap3A_92 = vector.shape_cast %swap3A_91 : vector<1x512x64xf32> to vector<512x64xf32>
    %swap3A_93 = vector.shape_cast %sub3A_74 : vector<512x64xf32> to vector<1x512x64xf32>
    tpu.vector_store %arg13[%swap3A_88, %swap3A_89, %swap3A_90], %swap3A_93 {strides = array<i32>} : memref<1x512x64xf32, #tpu.memory_space<vmem>>, vector<1x512x64xf32>,
    %mul3A_94 = arith.mulf %get3A_3, %get3A_3 : vector<512x3xf32>
    %reduce_sum3A_95 = arith.constant dense<0.000000e+00> : vector<512xf32>
    %reduce_sum3A_96 = vector.multi_reduction <add>, %mul3A_94, %reduce_sum3A_95 [1] : vector<512x3xf32> to vector<512xf32>
    %broadcast_in_dim3A_97 = vector.shape_cast %reduce_sum3A_96 : vector<512xf32> to vector<512x1xf32>
    %mul3A_98 = arith.mulf %get3A_8, %get3A_8 : vector<3x2048xf32>
    %reduce_sum3A_99 = arith.constant dense<0.000000e+00> : vector<2048xf32>
    %reduce_sum3A_100 = vector.multi_reduction <add>, %mul3A_98, %reduce_sum3A_99 [0] : vector<3x2048xf32> to vector<2048xf32>
    %broadcast_in_dim3A_101 = vector.shape_cast %reduce_sum3A_100 : vector<2048xf32> to vector<1x2048xf32>
    %bitcast_convert_type3A = tpu.bitcast %get3A_3 : vector<512x3xf32> -> vector<512x3xi32>
    %add3A_102 = arith.constant 32767 : i32
    %add3A_103 = vector.broadcast %add3A_102 : i32 to vector<512x3xi32>
    %add3A_104 = arith.addi %bitcast_convert_type3A, %add3A_103 : vector<512x3xi32>
    %shift_right_logical3A = arith.constant 16 : i32
    %shift_right_logical3A_105 = vector.broadcast %shift_right_logical3A : i32 to vector<512x3xi32>
    %shift_right_logical3A_106 = arith.shrui %bitcast_convert_type3A, %shift_right_logical3A_105 : vector<512x3xi32>
    %and3A = arith.constant 1 : i32
    %and3A_107 = vector.broadcast %and3A : i32 to vector<512x3xi32>
    %and3A_108 = arith.andi %shift_right_logical3A_106, %and3A_107 : vector<512x3xi32>
    %add3A_109 = arith.addi %add3A_104, %and3A_108 : vector<512x3xi32>
    %and3A_110 = arith.constant -65536 : i32
    %and3A_111 = vector.broadcast %and3A_110 : i32 to vector<512x3xi32>
    %and3A_112 = arith.andi %add3A_109, %and3A_111 : vector<512x3xi32>
    %bitcast_convert_type3A_113 = tpu.bitcast %and3A_112 : vector<512x3xi32> -> vector<512x3xf32>
    %bitcast_convert_type3A_114 = tpu.bitcast %get3A_8 : vector<3x2048xf32> -> vector<3x2048xi32>
    %add3A_115 = arith.constant 32767 : i32
    %add3A_116 = vector.broadcast %add3A_115 : i32 to vector<3x2048xi32>
    %add3A_117 = arith.addi %bitcast_convert_type3A_114, %add3A_116 : vector<3x2048xi32>
    %shift_right_logical3A_118 = arith.constant 16 : i32
    %shift_right_logical3A_119 = vector.broadcast %shift_right_logical3A_118 : i32 to vector<3x2048xi32>
    %shift_right_logical3A_120 = arith.shrui %bitcast_convert_type3A_114, %shift_right_logical3A_119 : vector<3x2048xi32>
    %and3A_121 = arith.constant 1 : i32
    %and3A_122 = vector.broadcast %and3A_121 : i32 to vector<3x2048xi32>
    %and3A_123 = arith.andi %shift_right_logical3A_120, %and3A_122 : vector<3x2048xi32>
    %add3A_124 = arith.addi %add3A_117, %and3A_123 : vector<3x2048xi32>
    %and3A_125 = arith.constant -65536 : i32
    %and3A_126 = vector.broadcast %and3A_125 : i32 to vector<3x2048xi32>
    %and3A_127 = arith.andi %add3A_124, %and3A_126 : vector<3x2048xi32>
    %bitcast_convert_type3A_128 = tpu.bitcast %and3A_127 : vector<3x2048xi32> -> vector<3x2048xf32>
    %slice3A_129 = vector.extract_strided_slice %bitcast_convert_type3A_113 {offsets = [0, 0], sizes = [512, 1], strides = [1, 1]} : vector<512x3xf32> to vector<512x1xf32>
    %slice3A_130 = vector.extract_strided_slice %bitcast_convert_type3A_128 {offsets = [0, 0], sizes = [1, 2048], strides = [1, 1]} : vector<3x2048xf32> to vector<1x2048xf32>
    %mul3A_131 = vector.broadcast %slice3A_129 : vector<512x1xf32> to vector<512x2048xf32>
    %mul3A_132 = vector.broadcast %slice3A_130 : vector<1x2048xf32> to vector<512x2048xf32>
    %mul3A_133 = arith.mulf %mul3A_131, %mul3A_132 : vector<512x2048xf32>
    %slice3A_134 = vector.extract_strided_slice %bitcast_convert_type3A_113 {offsets = [0, 1], sizes = [512, 1], strides = [1, 1]} : vector<512x3xf32> to vector<512x1xf32>
    %slice3A_135 = vector.extract_strided_slice %bitcast_convert_type3A_128 {offsets = [1, 0], sizes = [1, 2048], strides = [1, 1]} : vector<3x2048xf32> to vector<1x2048xf32>
    %mul3A_136 = vector.broadcast %slice3A_134 : vector<512x1xf32> to vector<512x2048xf32>
    %mul3A_137 = vector.broadcast %slice3A_135 : vector<1x2048xf32> to vector<512x2048xf32>
    %mul3A_138 = arith.mulf %mul3A_136, %mul3A_137 : vector<512x2048xf32>
    %add3A_139 = arith.addf %mul3A_133, %mul3A_138 : vector<512x2048xf32>
    %slice3A_140 = vector.extract_strided_slice %bitcast_convert_type3A_113 {offsets = [0, 2], sizes = [512, 1], strides = [1, 1]} : vector<512x3xf32> to vector<512x1xf32>
    %slice3A_141 = vector.extract_strided_slice %bitcast_convert_type3A_128 {offsets = [2, 0], sizes = [1, 2048], strides = [1, 1]} : vector<3x2048xf32> to vector<1x2048xf32>
    %mul3A_142 = vector.broadcast %slice3A_140 : vector<512x1xf32> to vector<512x2048xf32>
    %mul3A_143 = vector.broadcast %slice3A_141 : vector<1x2048xf32> to vector<512x2048xf32>
    %mul3A_144 = arith.mulf %mul3A_142, %mul3A_143 : vector<512x2048xf32>
    %add3A_145 = arith.addf %add3A_139, %mul3A_144 : vector<512x2048xf32>
    %mul3A_146 = arith.constant -2.000000e+00 : f32
    %mul3A_147 = vector.broadcast %mul3A_146 : f32 to vector<512x2048xf32>
    %mul3A_148 = arith.mulf %mul3A_147, %add3A_145 : vector<512x2048xf32>
    %neg3A = arith.constant 0.000000e+00 : f32
    %neg3A_149 = vector.broadcast %neg3A : f32 to vector<512x1xf32>
    %neg3A_150 = arith.subf %neg3A_149, %broadcast_in_dim3A_97 : vector<512x1xf32>
    %sub3A_151 = vector.broadcast %neg3A_150 : vector<512x1xf32> to vector<512x2048xf32>
    %sub3A_152 = arith.subf %sub3A_151, %mul3A_148 : vector<512x2048xf32>
    %sub3A_153 = vector.broadcast %broadcast_in_dim3A_101 : vector<1x2048xf32> to vector<512x2048xf32>
    %sub3A_154 = arith.subf %sub3A_152, %sub3A_153 : vector<512x2048xf32>
    %iota3A = tpu.iota {dimensions = array<i32: 1>} : vector<512x2048xi32>
    %reduce_max3A = arith.constant dense<0xFF800000> : vector<512xf32>
    %reduce_max3A_155 = vector.multi_reduction <maximumf>, %sub3A_154, %reduce_max3A [1] : vector<512x2048xf32> to vector<512xf32>
    %broadcast_in_dim3A_156 = vector.shape_cast %reduce_max3A_155 : vector<512xf32> to vector<512x1xf32>
    %eq3A = vector.broadcast %broadcast_in_dim3A_156 : vector<512x1xf32> to vector<512x2048xf32>
    %eq3A_157 = arith.cmpf oeq, %sub3A_154, %eq3A : vector<512x2048xf32>
    %jit3A = arith.constant 2048 : i32
    %broadcast_in_dim3A_158 = vector.broadcast %jit3A : i32 to vector<512x2048xi32>
    %select_n3A = arith.select %eq3A_157, %iota3A, %broadcast_in_dim3A_158 : vector<512x2048xi1>, vector<512x2048xi32>
    %reduce_min3A = arith.constant dense<2147483647> : vector<512xi32>
    %reduce_min3A_159 = vector.multi_reduction <minsi>, %select_n3A, %reduce_min3A [1] : vector<512x2048xi32> to vector<512xi32>
    %broadcast_in_dim3A_160 = vector.shape_cast %reduce_min3A_159 : vector<512xi32> to vector<512x1xi32>
    %eq3A_161 = vector.broadcast %broadcast_in_dim3A_160 : vector<512x1xi32> to vector<512x2048xi32>
    %eq3A_162 = arith.cmpi eq, %iota3A, %eq3A_161 : vector<512x2048xi32>
    %jit3A_163 = arith.constant 0xFF800000 : f32
    %broadcast_in_dim3A_164 = vector.broadcast %jit3A_163 : f32 to vector<512x2048xf32>
    %select_n3A_165 = arith.select %eq3A_162, %broadcast_in_dim3A_164, %sub3A_154 : vector<512x2048xi1>, vector<512x2048xf32>
    %reduce_max3A_166 = arith.constant dense<0xFF800000> : vector<512xf32>
    %reduce_max3A_167 = vector.multi_reduction <maximumf>, %select_n3A_165, %reduce_max3A_166 [1] : vector<512x2048xf32> to vector<512xf32>
    %broadcast_in_dim3A_168 = vector.shape_cast %reduce_max3A_167 : vector<512xf32> to vector<512x1xf32>
    %eq3A_169 = vector.broadcast %broadcast_in_dim3A_168 : vector<512x1xf32> to vector<512x2048xf32>
    %eq3A_170 = arith.cmpf oeq, %select_n3A_165, %eq3A_169 : vector<512x2048xf32>
    %jit3A_171 = arith.constant 2048 : i32
    %broadcast_in_dim3A_172 = vector.broadcast %jit3A_171 : i32 to vector<512x2048xi32>
    %select_n3A_173 = arith.select %eq3A_170, %iota3A, %broadcast_in_dim3A_172 : vector<512x2048xi1>, vector<512x2048xi32>
    %reduce_min3A_174 = arith.constant dense<2147483647> : vector<512xi32>
    %reduce_min3A_175 = vector.multi_reduction <minsi>, %select_n3A_173, %reduce_min3A_174 [1] : vector<512x2048xi32> to vector<512xi32>
    %broadcast_in_dim3A_176 = vector.shape_cast %reduce_min3A_175 : vector<512xi32> to vector<512x1xi32>
    %eq3A_177 = vector.broadcast %broadcast_in_dim3A_176 : vector<512x1xi32> to vector<512x2048xi32>
    %eq3A_178 = arith.cmpi eq, %iota3A, %eq3A_177 : vector<512x2048xi32>
    %jit3A_179 = arith.constant 0xFF800000 : f32
    %broadcast_in_dim3A_180 = vector.broadcast %jit3A_179 : f32 to vector<512x2048xf32>
    %select_n3A_181 = arith.select %eq3A_178, %broadcast_in_dim3A_180, %select_n3A_165 : vector<512x2048xi1>, vector<512x2048xf32>
    %reduce_max3A_182 = arith.constant dense<0xFF800000> : vector<512xf32>
    %reduce_max3A_183 = vector.multi_reduction <maximumf>, %select_n3A_181, %reduce_max3A_182 [1] : vector<512x2048xf32> to vector<512xf32>
    %broadcast_in_dim3A_184 = vector.shape_cast %reduce_max3A_183 : vector<512xf32> to vector<512x1xf32>
    %eq3A_185 = vector.broadcast %broadcast_in_dim3A_184 : vector<512x1xf32> to vector<512x2048xf32>
    %eq3A_186 = arith.cmpf oeq, %select_n3A_181, %eq3A_185 : vector<512x2048xf32>
    %jit3A_187 = arith.constant 2048 : i32
    %broadcast_in_dim3A_188 = vector.broadcast %jit3A_187 : i32 to vector<512x2048xi32>
    %select_n3A_189 = arith.select %eq3A_186, %iota3A, %broadcast_in_dim3A_188 : vector<512x2048xi1>, vector<512x2048xi32>
    %reduce_min3A_190 = arith.constant dense<2147483647> : vector<512xi32>
    %reduce_min3A_191 = vector.multi_reduction <minsi>, %select_n3A_189, %reduce_min3A_190 [1] : vector<512x2048xi32> to vector<512xi32>
    %broadcast_in_dim3A_192 = vector.shape_cast %reduce_min3A_191 : vector<512xi32> to vector<512x1xi32>
    %eq3A_193 = vector.broadcast %broadcast_in_dim3A_192 : vector<512x1xi32> to vector<512x2048xi32>
    %eq3A_194 = arith.cmpi eq, %iota3A, %eq3A_193 : vector<512x2048xi32>
    %jit3A_195 = arith.constant 0xFF800000 : f32
    %broadcast_in_dim3A_196 = vector.broadcast %jit3A_195 : f32 to vector<512x2048xf32>
    %select_n3A_197 = arith.select %eq3A_194, %broadcast_in_dim3A_196, %select_n3A_181 : vector<512x2048xi1>, vector<512x2048xf32>
    %reduce_max3A_198 = arith.constant dense<0xFF800000> : vector<512xf32>
    %reduce_max3A_199 = vector.multi_reduction <maximumf>, %select_n3A_197, %reduce_max3A_198 [1] : vector<512x2048xf32> to vector<512xf32>
    %broadcast_in_dim3A_200 = vector.shape_cast %reduce_max3A_199 : vector<512xf32> to vector<512x1xf32>
    %eq3A_201 = vector.broadcast %broadcast_in_dim3A_200 : vector<512x1xf32> to vector<512x2048xf32>
    %eq3A_202 = arith.cmpf oeq, %select_n3A_197, %eq3A_201 : vector<512x2048xf32>
    %jit3A_203 = arith.constant 2048 : i32
    %broadcast_in_dim3A_204 = vector.broadcast %jit3A_203 : i32 to vector<512x2048xi32>
    %select_n3A_205 = arith.select %eq3A_202, %iota3A, %broadcast_in_dim3A_204 : vector<512x2048xi1>, vector<512x2048xi32>
    %reduce_min3A_206 = arith.constant dense<2147483647> : vector<512xi32>
    %reduce_min3A_207 = vector.multi_reduction <minsi>, %select_n3A_205, %reduce_min3A_206 [1] : vector<512x2048xi32> to vector<512xi32>
    %broadcast_in_dim3A_208 = vector.shape_cast %reduce_min3A_207 : vector<512xi32> to vector<512x1xi32>
    %eq3A_209 = vector.broadcast %broadcast_in_dim3A_208 : vector<512x1xi32> to vector<512x2048xi32>
    %eq3A_210 = arith.cmpi eq, %iota3A, %eq3A_209 : vector<512x2048xi32>
    %jit3A_211 = arith.constant 0xFF800000 : f32
    %broadcast_in_dim3A_212 = vector.broadcast %jit3A_211 : f32 to vector<512x2048xf32>
    %select_n3A_213 = arith.select %eq3A_210, %broadcast_in_dim3A_212, %select_n3A_197 : vector<512x2048xi1>, vector<512x2048xf32>
    %reduce_max3A_214 = arith.constant dense<0xFF800000> : vector<512xf32>
    %reduce_max3A_215 = vector.multi_reduction <maximumf>, %select_n3A_213, %reduce_max3A_214 [1] : vector<512x2048xf32> to vector<512xf32>
    %broadcast_in_dim3A_216 = vector.shape_cast %reduce_max3A_215 : vector<512xf32> to vector<512x1xf32>
    %eq3A_217 = vector.broadcast %broadcast_in_dim3A_216 : vector<512x1xf32> to vector<512x2048xf32>
    %eq3A_218 = arith.cmpf oeq, %select_n3A_213, %eq3A_217 : vector<512x2048xf32>
    %jit3A_219 = arith.constant 2048 : i32
    %broadcast_in_dim3A_220 = vector.broadcast %jit3A_219 : i32 to vector<512x2048xi32>
    %select_n3A_221 = arith.select %eq3A_218, %iota3A, %broadcast_in_dim3A_220 : vector<512x2048xi1>, vector<512x2048xi32>
    %reduce_min3A_222 = arith.constant dense<2147483647> : vector<512xi32>
    %reduce_min3A_223 = vector.multi_reduction <minsi>, %select_n3A_221, %reduce_min3A_222 [1] : vector<512x2048xi32> to vector<512xi32>
    %broadcast_in_dim3A_224 = vector.shape_cast %reduce_min3A_223 : vector<512xi32> to vector<512x1xi32>
    %eq3A_225 = vector.broadcast %broadcast_in_dim3A_224 : vector<512x1xi32> to vector<512x2048xi32>
    %eq3A_226 = arith.cmpi eq, %iota3A, %eq3A_225 : vector<512x2048xi32>
    %jit3A_227 = arith.constant 0xFF800000 : f32
    %broadcast_in_dim3A_228 = vector.broadcast %jit3A_227 : f32 to vector<512x2048xf32>
    %select_n3A_229 = arith.select %eq3A_226, %broadcast_in_dim3A_228, %select_n3A_213 : vector<512x2048xi1>, vector<512x2048xf32>
    %reduce_max3A_230 = arith.constant dense<0xFF800000> : vector<512xf32>
    %reduce_max3A_231 = vector.multi_reduction <maximumf>, %select_n3A_229, %reduce_max3A_230 [1] : vector<512x2048xf32> to vector<512xf32>
    %broadcast_in_dim3A_232 = vector.shape_cast %reduce_max3A_231 : vector<512xf32> to vector<512x1xf32>
    %eq3A_233 = vector.broadcast %broadcast_in_dim3A_232 : vector<512x1xf32> to vector<512x2048xf32>
    %eq3A_234 = arith.cmpf oeq, %select_n3A_229, %eq3A_233 : vector<512x2048xf32>
    %jit3A_235 = arith.constant 2048 : i32
    %broadcast_in_dim3A_236 = vector.broadcast %jit3A_235 : i32 to vector<512x2048xi32>
    %select_n3A_237 = arith.select %eq3A_234, %iota3A, %broadcast_in_dim3A_236 : vector<512x2048xi1>, vector<512x2048xi32>
    %reduce_min3A_238 = arith.constant dense<2147483647> : vector<512xi32>
    %reduce_min3A_239 = vector.multi_reduction <minsi>, %select_n3A_237, %reduce_min3A_238 [1] : vector<512x2048xi32> to vector<512xi32>
    %broadcast_in_dim3A_240 = vector.shape_cast %reduce_min3A_239 : vector<512xi32> to vector<512x1xi32>
    %eq3A_241 = vector.broadcast %broadcast_in_dim3A_240 : vector<512x1xi32> to vector<512x2048xi32>
    %eq3A_242 = arith.cmpi eq, %iota3A, %eq3A_241 : vector<512x2048xi32>
    %jit3A_243 = arith.constant 0xFF800000 : f32
    %broadcast_in_dim3A_244 = vector.broadcast %jit3A_243 : f32 to vector<512x2048xf32>
    %select_n3A_245 = arith.select %eq3A_242, %broadcast_in_dim3A_244, %select_n3A_229 : vector<512x2048xi1>, vector<512x2048xf32>
    %reduce_max3A_246 = arith.constant dense<0xFF800000> : vector<512xf32>
    %reduce_max3A_247 = vector.multi_reduction <maximumf>, %select_n3A_245, %reduce_max3A_246 [1] : vector<512x2048xf32> to vector<512xf32>
    %broadcast_in_dim3A_248 = vector.shape_cast %reduce_max3A_247 : vector<512xf32> to vector<512x1xf32>
    %eq3A_249 = vector.broadcast %broadcast_in_dim3A_248 : vector<512x1xf32> to vector<512x2048xf32>
    %eq3A_250 = arith.cmpf oeq, %select_n3A_245, %eq3A_249 : vector<512x2048xf32>
    %jit3A_251 = arith.constant 2048 : i32
    %broadcast_in_dim3A_252 = vector.broadcast %jit3A_251 : i32 to vector<512x2048xi32>
    %select_n3A_253 = arith.select %eq3A_250, %iota3A, %broadcast_in_dim3A_252 : vector<512x2048xi1>, vector<512x2048xi32>
    %reduce_min3A_254 = arith.constant dense<2147483647> : vector<512xi32>
    %reduce_min3A_255 = vector.multi_reduction <minsi>, %select_n3A_253, %reduce_min3A_254 [1] : vector<512x2048xi32> to vector<512xi32>
    %broadcast_in_dim3A_256 = vector.shape_cast %reduce_min3A_255 : vector<512xi32> to vector<512x1xi32>
    %eq3A_257 = vector.broadcast %broadcast_in_dim3A_256 : vector<512x1xi32> to vector<512x2048xi32>
    %eq3A_258 = arith.cmpi eq, %iota3A, %eq3A_257 : vector<512x2048xi32>
    %jit3A_259 = arith.constant 0xFF800000 : f32
    %broadcast_in_dim3A_260 = vector.broadcast %jit3A_259 : f32 to vector<512x2048xf32>
    %select_n3A_261 = arith.select %eq3A_258, %broadcast_in_dim3A_260, %select_n3A_245 : vector<512x2048xi1>, vector<512x2048xf32>
    %reduce_max3A_262 = arith.constant dense<0xFF800000> : vector<512xf32>
    %reduce_max3A_263 = vector.multi_reduction <maximumf>, %select_n3A_261, %reduce_max3A_262 [1] : vector<512x2048xf32> to vector<512xf32>
    %broadcast_in_dim3A_264 = vector.shape_cast %reduce_max3A_263 : vector<512xf32> to vector<512x1xf32>
    %eq3A_265 = vector.broadcast %broadcast_in_dim3A_264 : vector<512x1xf32> to vector<512x2048xf32>
    %eq3A_266 = arith.cmpf oeq, %select_n3A_261, %eq3A_265 : vector<512x2048xf32>
    %jit3A_267 = arith.constant 2048 : i32
    %broadcast_in_dim3A_268 = vector.broadcast %jit3A_267 : i32 to vector<512x2048xi32>
    %select_n3A_269 = arith.select %eq3A_266, %iota3A, %broadcast_in_dim3A_268 : vector<512x2048xi1>, vector<512x2048xi32>
    %reduce_min3A_270 = arith.constant dense<2147483647> : vector<512xi32>
    %reduce_min3A_271 = vector.multi_reduction <minsi>, %select_n3A_269, %reduce_min3A_270 [1] : vector<512x2048xi32> to vector<512xi32>
    %broadcast_in_dim3A_272 = vector.shape_cast %reduce_min3A_271 : vector<512xi32> to vector<512x1xi32>
    %eq3A_273 = vector.broadcast %broadcast_in_dim3A_272 : vector<512x1xi32> to vector<512x2048xi32>
    %eq3A_274 = arith.cmpi eq, %iota3A, %eq3A_273 : vector<512x2048xi32>
    %jit3A_275 = arith.constant 0xFF800000 : f32
    %broadcast_in_dim3A_276 = vector.broadcast %jit3A_275 : f32 to vector<512x2048xf32>
    %select_n3A_277 = arith.select %eq3A_274, %broadcast_in_dim3A_276, %select_n3A_261 : vector<512x2048xi1>, vector<512x2048xf32>
    %reduce_max3A_278 = arith.constant dense<0xFF800000> : vector<512xf32>
    %reduce_max3A_279 = vector.multi_reduction <maximumf>, %select_n3A_277, %reduce_max3A_278 [1] : vector<512x2048xf32> to vector<512xf32>
    %broadcast_in_dim3A_280 = vector.shape_cast %reduce_max3A_279 : vector<512xf32> to vector<512x1xf32>
    %eq3A_281 = vector.broadcast %broadcast_in_dim3A_280 : vector<512x1xf32> to vector<512x2048xf32>
    %eq3A_282 = arith.cmpf oeq, %select_n3A_277, %eq3A_281 : vector<512x2048xf32>
    %jit3A_283 = arith.constant 2048 : i32
    %broadcast_in_dim3A_284 = vector.broadcast %jit3A_283 : i32 to vector<512x2048xi32>
    %select_n3A_285 = arith.select %eq3A_282, %iota3A, %broadcast_in_dim3A_284 : vector<512x2048xi1>, vector<512x2048xi32>
    %reduce_min3A_286 = arith.constant dense<2147483647> : vector<512xi32>
    %reduce_min3A_287 = vector.multi_reduction <minsi>, %select_n3A_285, %reduce_min3A_286 [1] : vector<512x2048xi32> to vector<512xi32>
    %broadcast_in_dim3A_288 = vector.shape_cast %reduce_min3A_287 : vector<512xi32> to vector<512x1xi32>
    %eq3A_289 = vector.broadcast %broadcast_in_dim3A_288 : vector<512x1xi32> to vector<512x2048xi32>
    %eq3A_290 = arith.cmpi eq, %iota3A, %eq3A_289 : vector<512x2048xi32>
    %jit3A_291 = arith.constant 0xFF800000 : f32
    %broadcast_in_dim3A_292 = vector.broadcast %jit3A_291 : f32 to vector<512x2048xf32>
    %select_n3A_293 = arith.select %eq3A_290, %broadcast_in_dim3A_292, %select_n3A_277 : vector<512x2048xi1>, vector<512x2048xf32>
    %reduce_max3A_294 = arith.constant dense<0xFF800000> : vector<512xf32>
    %reduce_max3A_295 = vector.multi_reduction <maximumf>, %select_n3A_293, %reduce_max3A_294 [1] : vector<512x2048xf32> to vector<512xf32>
    %broadcast_in_dim3A_296 = vector.shape_cast %reduce_max3A_295 : vector<512xf32> to vector<512x1xf32>
    %eq3A_297 = vector.broadcast %broadcast_in_dim3A_296 : vector<512x1xf32> to vector<512x2048xf32>
    %eq3A_298 = arith.cmpf oeq, %select_n3A_293, %eq3A_297 : vector<512x2048xf32>
    %jit3A_299 = arith.constant 2048 : i32
    %broadcast_in_dim3A_300 = vector.broadcast %jit3A_299 : i32 to vector<512x2048xi32>
    %select_n3A_301 = arith.select %eq3A_298, %iota3A, %broadcast_in_dim3A_300 : vector<512x2048xi1>, vector<512x2048xi32>
    %reduce_min3A_302 = arith.constant dense<2147483647> : vector<512xi32>
    %reduce_min3A_303 = vector.multi_reduction <minsi>, %select_n3A_301, %reduce_min3A_302 [1] : vector<512x2048xi32> to vector<512xi32>
    %broadcast_in_dim3A_304 = vector.shape_cast %reduce_min3A_303 : vector<512xi32> to vector<512x1xi32>
    %eq3A_305 = vector.broadcast %broadcast_in_dim3A_304 : vector<512x1xi32> to vector<512x2048xi32>
    %eq3A_306 = arith.cmpi eq, %iota3A, %eq3A_305 : vector<512x2048xi32>
    %jit3A_307 = arith.constant 0xFF800000 : f32
    %broadcast_in_dim3A_308 = vector.broadcast %jit3A_307 : f32 to vector<512x2048xf32>
    %select_n3A_309 = arith.select %eq3A_306, %broadcast_in_dim3A_308, %select_n3A_293 : vector<512x2048xi1>, vector<512x2048xf32>
    %reduce_max3A_310 = arith.constant dense<0xFF800000> : vector<512xf32>
    %reduce_max3A_311 = vector.multi_reduction <maximumf>, %select_n3A_309, %reduce_max3A_310 [1] : vector<512x2048xf32> to vector<512xf32>
    %broadcast_in_dim3A_312 = vector.shape_cast %reduce_max3A_311 : vector<512xf32> to vector<512x1xf32>
    %eq3A_313 = vector.broadcast %broadcast_in_dim3A_312 : vector<512x1xf32> to vector<512x2048xf32>
    %eq3A_314 = arith.cmpf oeq, %select_n3A_309, %eq3A_313 : vector<512x2048xf32>
    %jit3A_315 = arith.constant 2048 : i32
    %broadcast_in_dim3A_316 = vector.broadcast %jit3A_315 : i32 to vector<512x2048xi32>
    %select_n3A_317 = arith.select %eq3A_314, %iota3A, %broadcast_in_dim3A_316 : vector<512x2048xi1>, vector<512x2048xi32>
    %reduce_min3A_318 = arith.constant dense<2147483647> : vector<512xi32>
    %reduce_min3A_319 = vector.multi_reduction <minsi>, %select_n3A_317, %reduce_min3A_318 [1] : vector<512x2048xi32> to vector<512xi32>
    %broadcast_in_dim3A_320 = vector.shape_cast %reduce_min3A_319 : vector<512xi32> to vector<512x1xi32>
    %eq3A_321 = vector.broadcast %broadcast_in_dim3A_320 : vector<512x1xi32> to vector<512x2048xi32>
    %eq3A_322 = arith.cmpi eq, %iota3A, %eq3A_321 : vector<512x2048xi32>
    %jit3A_323 = arith.constant 0xFF800000 : f32
    %broadcast_in_dim3A_324 = vector.broadcast %jit3A_323 : f32 to vector<512x2048xf32>
    %select_n3A_325 = arith.select %eq3A_322, %broadcast_in_dim3A_324, %select_n3A_309 : vector<512x2048xi1>, vector<512x2048xf32>
    %reduce_max3A_326 = arith.constant dense<0xFF800000> : vector<512xf32>
    %reduce_max3A_327 = vector.multi_reduction <maximumf>, %select_n3A_325, %reduce_max3A_326 [1] : vector<512x2048xf32> to vector<512xf32>
    %broadcast_in_dim3A_328 = vector.shape_cast %reduce_max3A_327 : vector<512xf32> to vector<512x1xf32>
    %eq3A_329 = vector.broadcast %broadcast_in_dim3A_328 : vector<512x1xf32> to vector<512x2048xf32>
    %eq3A_330 = arith.cmpf oeq, %select_n3A_325, %eq3A_329 : vector<512x2048xf32>
    %jit3A_331 = arith.constant 2048 : i32
    %broadcast_in_dim3A_332 = vector.broadcast %jit3A_331 : i32 to vector<512x2048xi32>
    %select_n3A_333 = arith.select %eq3A_330, %iota3A, %broadcast_in_dim3A_332 : vector<512x2048xi1>, vector<512x2048xi32>
    %reduce_min3A_334 = arith.constant dense<2147483647> : vector<512xi32>
    %reduce_min3A_335 = vector.multi_reduction <minsi>, %select_n3A_333, %reduce_min3A_334 [1] : vector<512x2048xi32> to vector<512xi32>
    %broadcast_in_dim3A_336 = vector.shape_cast %reduce_min3A_335 : vector<512xi32> to vector<512x1xi32>
    %eq3A_337 = vector.broadcast %broadcast_in_dim3A_336 : vector<512x1xi32> to vector<512x2048xi32>
    %eq3A_338 = arith.cmpi eq, %iota3A, %eq3A_337 : vector<512x2048xi32>
    %jit3A_339 = arith.constant 0xFF800000 : f32
    %broadcast_in_dim3A_340 = vector.broadcast %jit3A_339 : f32 to vector<512x2048xf32>
    %select_n3A_341 = arith.select %eq3A_338, %broadcast_in_dim3A_340, %select_n3A_325 : vector<512x2048xi1>, vector<512x2048xf32>
    %reduce_max3A_342 = arith.constant dense<0xFF800000> : vector<512xf32>
    %reduce_max3A_343 = vector.multi_reduction <maximumf>, %select_n3A_341, %reduce_max3A_342 [1] : vector<512x2048xf32> to vector<512xf32>
    %broadcast_in_dim3A_344 = vector.shape_cast %reduce_max3A_343 : vector<512xf32> to vector<512x1xf32>
    %eq3A_345 = vector.broadcast %broadcast_in_dim3A_344 : vector<512x1xf32> to vector<512x2048xf32>
    %eq3A_346 = arith.cmpf oeq, %select_n3A_341, %eq3A_345 : vector<512x2048xf32>
    %jit3A_347 = arith.constant 2048 : i32
    %broadcast_in_dim3A_348 = vector.broadcast %jit3A_347 : i32 to vector<512x2048xi32>
    %select_n3A_349 = arith.select %eq3A_346, %iota3A, %broadcast_in_dim3A_348 : vector<512x2048xi1>, vector<512x2048xi32>
    %reduce_min3A_350 = arith.constant dense<2147483647> : vector<512xi32>
    %reduce_min3A_351 = vector.multi_reduction <minsi>, %select_n3A_349, %reduce_min3A_350 [1] : vector<512x2048xi32> to vector<512xi32>
    %broadcast_in_dim3A_352 = vector.shape_cast %reduce_min3A_351 : vector<512xi32> to vector<512x1xi32>
    %eq3A_353 = vector.broadcast %broadcast_in_dim3A_352 : vector<512x1xi32> to vector<512x2048xi32>
    %eq3A_354 = arith.cmpi eq, %iota3A, %eq3A_353 : vector<512x2048xi32>
    %jit3A_355 = arith.constant 0xFF800000 : f32
    %broadcast_in_dim3A_356 = vector.broadcast %jit3A_355 : f32 to vector<512x2048xf32>
    %select_n3A_357 = arith.select %eq3A_354, %broadcast_in_dim3A_356, %select_n3A_341 : vector<512x2048xi1>, vector<512x2048xf32>
    %reduce_max3A_358 = arith.constant dense<0xFF800000> : vector<512xf32>
    %reduce_max3A_359 = vector.multi_reduction <maximumf>, %select_n3A_357, %reduce_max3A_358 [1] : vector<512x2048xf32> to vector<512xf32>
    %broadcast_in_dim3A_360 = vector.shape_cast %reduce_max3A_359 : vector<512xf32> to vector<512x1xf32>
    %eq3A_361 = vector.broadcast %broadcast_in_dim3A_360 : vector<512x1xf32> to vector<512x2048xf32>
    %eq3A_362 = arith.cmpf oeq, %select_n3A_357, %eq3A_361 : vector<512x2048xf32>
    %jit3A_363 = arith.constant 2048 : i32
    %broadcast_in_dim3A_364 = vector.broadcast %jit3A_363 : i32 to vector<512x2048xi32>
    %select_n3A_365 = arith.select %eq3A_362, %iota3A, %broadcast_in_dim3A_364 : vector<512x2048xi1>, vector<512x2048xi32>
    %reduce_min3A_366 = arith.constant dense<2147483647> : vector<512xi32>
    %reduce_min3A_367 = vector.multi_reduction <minsi>, %select_n3A_365, %reduce_min3A_366 [1] : vector<512x2048xi32> to vector<512xi32>
    %broadcast_in_dim3A_368 = vector.shape_cast %reduce_min3A_367 : vector<512xi32> to vector<512x1xi32>
    %eq3A_369 = vector.broadcast %broadcast_in_dim3A_368 : vector<512x1xi32> to vector<512x2048xi32>
    %eq3A_370 = arith.cmpi eq, %iota3A, %eq3A_369 : vector<512x2048xi32>
    %jit3A_371 = arith.constant 0xFF800000 : f32
    %broadcast_in_dim3A_372 = vector.broadcast %jit3A_371 : f32 to vector<512x2048xf32>
    %select_n3A_373 = arith.select %eq3A_370, %broadcast_in_dim3A_372, %select_n3A_357 : vector<512x2048xi1>, vector<512x2048xf32>
    %reduce_max3A_374 = arith.constant dense<0xFF800000> : vector<512xf32>
    %reduce_max3A_375 = vector.multi_reduction <maximumf>, %select_n3A_373, %reduce_max3A_374 [1] : vector<512x2048xf32> to vector<512xf32>
    %broadcast_in_dim3A_376 = vector.shape_cast %reduce_max3A_375 : vector<512xf32> to vector<512x1xf32>
    %eq3A_377 = vector.broadcast %broadcast_in_dim3A_376 : vector<512x1xf32> to vector<512x2048xf32>
    %eq3A_378 = arith.cmpf oeq, %select_n3A_373, %eq3A_377 : vector<512x2048xf32>
    %jit3A_379 = arith.constant 2048 : i32
    %broadcast_in_dim3A_380 = vector.broadcast %jit3A_379 : i32 to vector<512x2048xi32>
    %select_n3A_381 = arith.select %eq3A_378, %iota3A, %broadcast_in_dim3A_380 : vector<512x2048xi1>, vector<512x2048xi32>
    %reduce_min3A_382 = arith.constant dense<2147483647> : vector<512xi32>
    %reduce_min3A_383 = vector.multi_reduction <minsi>, %select_n3A_381, %reduce_min3A_382 [1] : vector<512x2048xi32> to vector<512xi32>
    %broadcast_in_dim3A_384 = vector.shape_cast %reduce_min3A_383 : vector<512xi32> to vector<512x1xi32>
    %eq3A_385 = vector.broadcast %broadcast_in_dim3A_384 : vector<512x1xi32> to vector<512x2048xi32>
    %eq3A_386 = arith.cmpi eq, %iota3A, %eq3A_385 : vector<512x2048xi32>
    %jit3A_387 = arith.constant 0xFF800000 : f32
    %broadcast_in_dim3A_388 = vector.broadcast %jit3A_387 : f32 to vector<512x2048xf32>
    %select_n3A_389 = arith.select %eq3A_386, %broadcast_in_dim3A_388, %select_n3A_373 : vector<512x2048xi1>, vector<512x2048xf32>
    %reduce_max3A_390 = arith.constant dense<0xFF800000> : vector<512xf32>
    %reduce_max3A_391 = vector.multi_reduction <maximumf>, %select_n3A_389, %reduce_max3A_390 [1] : vector<512x2048xf32> to vector<512xf32>
    %broadcast_in_dim3A_392 = vector.shape_cast %reduce_max3A_391 : vector<512xf32> to vector<512x1xf32>
    %eq3A_393 = vector.broadcast %broadcast_in_dim3A_392 : vector<512x1xf32> to vector<512x2048xf32>
    %eq3A_394 = arith.cmpf oeq, %select_n3A_389, %eq3A_393 : vector<512x2048xf32>
    %jit3A_395 = arith.constant 2048 : i32
    %broadcast_in_dim3A_396 = vector.broadcast %jit3A_395 : i32 to vector<512x2048xi32>
    %select_n3A_397 = arith.select %eq3A_394, %iota3A, %broadcast_in_dim3A_396 : vector<512x2048xi1>, vector<512x2048xi32>
    %reduce_min3A_398 = arith.constant dense<2147483647> : vector<512xi32>
    %reduce_min3A_399 = vector.multi_reduction <minsi>, %select_n3A_397, %reduce_min3A_398 [1] : vector<512x2048xi32> to vector<512xi32>
    %broadcast_in_dim3A_400 = vector.shape_cast %reduce_min3A_399 : vector<512xi32> to vector<512x1xi32>
    %eq3A_401 = vector.broadcast %broadcast_in_dim3A_400 : vector<512x1xi32> to vector<512x2048xi32>
    %eq3A_402 = arith.cmpi eq, %iota3A, %eq3A_401 : vector<512x2048xi32>
    %jit3A_403 = arith.constant 0xFF800000 : f32
    %broadcast_in_dim3A_404 = vector.broadcast %jit3A_403 : f32 to vector<512x2048xf32>
    %select_n3A_405 = arith.select %eq3A_402, %broadcast_in_dim3A_404, %select_n3A_389 : vector<512x2048xi1>, vector<512x2048xf32>
    %reduce_max3A_406 = arith.constant dense<0xFF800000> : vector<512xf32>
    %reduce_max3A_407 = vector.multi_reduction <maximumf>, %select_n3A_405, %reduce_max3A_406 [1] : vector<512x2048xf32> to vector<512xf32>
    %broadcast_in_dim3A_408 = vector.shape_cast %reduce_max3A_407 : vector<512xf32> to vector<512x1xf32>
    %eq3A_409 = vector.broadcast %broadcast_in_dim3A_408 : vector<512x1xf32> to vector<512x2048xf32>
    %eq3A_410 = arith.cmpf oeq, %select_n3A_405, %eq3A_409 : vector<512x2048xf32>
    %jit3A_411 = arith.constant 2048 : i32
    %broadcast_in_dim3A_412 = vector.broadcast %jit3A_411 : i32 to vector<512x2048xi32>
    %select_n3A_413 = arith.select %eq3A_410, %iota3A, %broadcast_in_dim3A_412 : vector<512x2048xi1>, vector<512x2048xi32>
    %reduce_min3A_414 = arith.constant dense<2147483647> : vector<512xi32>
    %reduce_min3A_415 = vector.multi_reduction <minsi>, %select_n3A_413, %reduce_min3A_414 [1] : vector<512x2048xi32> to vector<512xi32>
    %broadcast_in_dim3A_416 = vector.shape_cast %reduce_min3A_415 : vector<512xi32> to vector<512x1xi32>
    %eq3A_417 = vector.broadcast %broadcast_in_dim3A_416 : vector<512x1xi32> to vector<512x2048xi32>
    %eq3A_418 = arith.cmpi eq, %iota3A, %eq3A_417 : vector<512x2048xi32>
    %jit3A_419 = arith.constant 0xFF800000 : f32
    %broadcast_in_dim3A_420 = vector.broadcast %jit3A_419 : f32 to vector<512x2048xf32>
    %select_n3A_421 = arith.select %eq3A_418, %broadcast_in_dim3A_420, %select_n3A_405 : vector<512x2048xi1>, vector<512x2048xf32>
    %reduce_max3A_422 = arith.constant dense<0xFF800000> : vector<512xf32>
    %reduce_max3A_423 = vector.multi_reduction <maximumf>, %select_n3A_421, %reduce_max3A_422 [1] : vector<512x2048xf32> to vector<512xf32>
    %broadcast_in_dim3A_424 = vector.shape_cast %reduce_max3A_423 : vector<512xf32> to vector<512x1xf32>
    %eq3A_425 = vector.broadcast %broadcast_in_dim3A_424 : vector<512x1xf32> to vector<512x2048xf32>
    %eq3A_426 = arith.cmpf oeq, %select_n3A_421, %eq3A_425 : vector<512x2048xf32>
    %jit3A_427 = arith.constant 2048 : i32
    %broadcast_in_dim3A_428 = vector.broadcast %jit3A_427 : i32 to vector<512x2048xi32>
    %select_n3A_429 = arith.select %eq3A_426, %iota3A, %broadcast_in_dim3A_428 : vector<512x2048xi1>, vector<512x2048xi32>
    %reduce_min3A_430 = arith.constant dense<2147483647> : vector<512xi32>
    %reduce_min3A_431 = vector.multi_reduction <minsi>, %select_n3A_429, %reduce_min3A_430 [1] : vector<512x2048xi32> to vector<512xi32>
    %broadcast_in_dim3A_432 = vector.shape_cast %reduce_min3A_431 : vector<512xi32> to vector<512x1xi32>
    %eq3A_433 = vector.broadcast %broadcast_in_dim3A_432 : vector<512x1xi32> to vector<512x2048xi32>
    %eq3A_434 = arith.cmpi eq, %iota3A, %eq3A_433 : vector<512x2048xi32>
    %jit3A_435 = arith.constant 0xFF800000 : f32
    %broadcast_in_dim3A_436 = vector.broadcast %jit3A_435 : f32 to vector<512x2048xf32>
    %select_n3A_437 = arith.select %eq3A_434, %broadcast_in_dim3A_436, %select_n3A_421 : vector<512x2048xi1>, vector<512x2048xf32>
    %reduce_max3A_438 = arith.constant dense<0xFF800000> : vector<512xf32>
    %reduce_max3A_439 = vector.multi_reduction <maximumf>, %select_n3A_437, %reduce_max3A_438 [1] : vector<512x2048xf32> to vector<512xf32>
    %broadcast_in_dim3A_440 = vector.shape_cast %reduce_max3A_439 : vector<512xf32> to vector<512x1xf32>
    %eq3A_441 = vector.broadcast %broadcast_in_dim3A_440 : vector<512x1xf32> to vector<512x2048xf32>
    %eq3A_442 = arith.cmpf oeq, %select_n3A_437, %eq3A_441 : vector<512x2048xf32>
    %jit3A_443 = arith.constant 2048 : i32
    %broadcast_in_dim3A_444 = vector.broadcast %jit3A_443 : i32 to vector<512x2048xi32>
    %select_n3A_445 = arith.select %eq3A_442, %iota3A, %broadcast_in_dim3A_444 : vector<512x2048xi1>, vector<512x2048xi32>
    %reduce_min3A_446 = arith.constant dense<2147483647> : vector<512xi32>
    %reduce_min3A_447 = vector.multi_reduction <minsi>, %select_n3A_445, %reduce_min3A_446 [1] : vector<512x2048xi32> to vector<512xi32>
    %broadcast_in_dim3A_448 = vector.shape_cast %reduce_min3A_447 : vector<512xi32> to vector<512x1xi32>
    %eq3A_449 = vector.broadcast %broadcast_in_dim3A_448 : vector<512x1xi32> to vector<512x2048xi32>
    %eq3A_450 = arith.cmpi eq, %iota3A, %eq3A_449 : vector<512x2048xi32>
    %jit3A_451 = arith.constant 0xFF800000 : f32
    %broadcast_in_dim3A_452 = vector.broadcast %jit3A_451 : f32 to vector<512x2048xf32>
    %select_n3A_453 = arith.select %eq3A_450, %broadcast_in_dim3A_452, %select_n3A_437 : vector<512x2048xi1>, vector<512x2048xf32>
    %reduce_max3A_454 = arith.constant dense<0xFF800000> : vector<512xf32>
    %reduce_max3A_455 = vector.multi_reduction <maximumf>, %select_n3A_453, %reduce_max3A_454 [1] : vector<512x2048xf32> to vector<512xf32>
    %broadcast_in_dim3A_456 = vector.shape_cast %reduce_max3A_455 : vector<512xf32> to vector<512x1xf32>
    %eq3A_457 = vector.broadcast %broadcast_in_dim3A_456 : vector<512x1xf32> to vector<512x2048xf32>
    %eq3A_458 = arith.cmpf oeq, %select_n3A_453, %eq3A_457 : vector<512x2048xf32>
    %jit3A_459 = arith.constant 2048 : i32
    %broadcast_in_dim3A_460 = vector.broadcast %jit3A_459 : i32 to vector<512x2048xi32>
    %select_n3A_461 = arith.select %eq3A_458, %iota3A, %broadcast_in_dim3A_460 : vector<512x2048xi1>, vector<512x2048xi32>
    %reduce_min3A_462 = arith.constant dense<2147483647> : vector<512xi32>
    %reduce_min3A_463 = vector.multi_reduction <minsi>, %select_n3A_461, %reduce_min3A_462 [1] : vector<512x2048xi32> to vector<512xi32>
    %broadcast_in_dim3A_464 = vector.shape_cast %reduce_min3A_463 : vector<512xi32> to vector<512x1xi32>
    %eq3A_465 = vector.broadcast %broadcast_in_dim3A_464 : vector<512x1xi32> to vector<512x2048xi32>
    %eq3A_466 = arith.cmpi eq, %iota3A, %eq3A_465 : vector<512x2048xi32>
    %jit3A_467 = arith.constant 0xFF800000 : f32
    %broadcast_in_dim3A_468 = vector.broadcast %jit3A_467 : f32 to vector<512x2048xf32>
    %select_n3A_469 = arith.select %eq3A_466, %broadcast_in_dim3A_468, %select_n3A_453 : vector<512x2048xi1>, vector<512x2048xf32>
    %reduce_max3A_470 = arith.constant dense<0xFF800000> : vector<512xf32>
    %reduce_max3A_471 = vector.multi_reduction <maximumf>, %select_n3A_469, %reduce_max3A_470 [1] : vector<512x2048xf32> to vector<512xf32>
    %broadcast_in_dim3A_472 = vector.shape_cast %reduce_max3A_471 : vector<512xf32> to vector<512x1xf32>
    %eq3A_473 = vector.broadcast %broadcast_in_dim3A_472 : vector<512x1xf32> to vector<512x2048xf32>
    %eq3A_474 = arith.cmpf oeq, %select_n3A_469, %eq3A_473 : vector<512x2048xf32>
    %jit3A_475 = arith.constant 2048 : i32
    %broadcast_in_dim3A_476 = vector.broadcast %jit3A_475 : i32 to vector<512x2048xi32>
    %select_n3A_477 = arith.select %eq3A_474, %iota3A, %broadcast_in_dim3A_476 : vector<512x2048xi1>, vector<512x2048xi32>
    %reduce_min3A_478 = arith.constant dense<2147483647> : vector<512xi32>
    %reduce_min3A_479 = vector.multi_reduction <minsi>, %select_n3A_477, %reduce_min3A_478 [1] : vector<512x2048xi32> to vector<512xi32>
    %broadcast_in_dim3A_480 = vector.shape_cast %reduce_min3A_479 : vector<512xi32> to vector<512x1xi32>
    %eq3A_481 = vector.broadcast %broadcast_in_dim3A_480 : vector<512x1xi32> to vector<512x2048xi32>
    %eq3A_482 = arith.cmpi eq, %iota3A, %eq3A_481 : vector<512x2048xi32>
    %jit3A_483 = arith.constant 0xFF800000 : f32
    %broadcast_in_dim3A_484 = vector.broadcast %jit3A_483 : f32 to vector<512x2048xf32>
    %select_n3A_485 = arith.select %eq3A_482, %broadcast_in_dim3A_484, %select_n3A_469 : vector<512x2048xi1>, vector<512x2048xf32>
    %reduce_max3A_486 = arith.constant dense<0xFF800000> : vector<512xf32>
    %reduce_max3A_487 = vector.multi_reduction <maximumf>, %select_n3A_485, %reduce_max3A_486 [1] : vector<512x2048xf32> to vector<512xf32>
    %broadcast_in_dim3A_488 = vector.shape_cast %reduce_max3A_487 : vector<512xf32> to vector<512x1xf32>
    %eq3A_489 = vector.broadcast %broadcast_in_dim3A_488 : vector<512x1xf32> to vector<512x2048xf32>
    %eq3A_490 = arith.cmpf oeq, %select_n3A_485, %eq3A_489 : vector<512x2048xf32>
    %jit3A_491 = arith.constant 2048 : i32
    %broadcast_in_dim3A_492 = vector.broadcast %jit3A_491 : i32 to vector<512x2048xi32>
    %select_n3A_493 = arith.select %eq3A_490, %iota3A, %broadcast_in_dim3A_492 : vector<512x2048xi1>, vector<512x2048xi32>
    %reduce_min3A_494 = arith.constant dense<2147483647> : vector<512xi32>
    %reduce_min3A_495 = vector.multi_reduction <minsi>, %select_n3A_493, %reduce_min3A_494 [1] : vector<512x2048xi32> to vector<512xi32>
    %broadcast_in_dim3A_496 = vector.shape_cast %reduce_min3A_495 : vector<512xi32> to vector<512x1xi32>
    %eq3A_497 = vector.broadcast %broadcast_in_dim3A_496 : vector<512x1xi32> to vector<512x2048xi32>
    %eq3A_498 = arith.cmpi eq, %iota3A, %eq3A_497 : vector<512x2048xi32>
    %jit3A_499 = arith.constant 0xFF800000 : f32
    %broadcast_in_dim3A_500 = vector.broadcast %jit3A_499 : f32 to vector<512x2048xf32>
    %select_n3A_501 = arith.select %eq3A_498, %broadcast_in_dim3A_500, %select_n3A_485 : vector<512x2048xi1>, vector<512x2048xf32>
    %reduce_max3A_502 = arith.constant dense<0xFF800000> : vector<512xf32>
    %reduce_max3A_503 = vector.multi_reduction <maximumf>, %select_n3A_501, %reduce_max3A_502 [1] : vector<512x2048xf32> to vector<512xf32>
    %broadcast_in_dim3A_504 = vector.shape_cast %reduce_max3A_503 : vector<512xf32> to vector<512x1xf32>
    %eq3A_505 = vector.broadcast %broadcast_in_dim3A_504 : vector<512x1xf32> to vector<512x2048xf32>
    %eq3A_506 = arith.cmpf oeq, %select_n3A_501, %eq3A_505 : vector<512x2048xf32>
    %jit3A_507 = arith.constant 2048 : i32
    %broadcast_in_dim3A_508 = vector.broadcast %jit3A_507 : i32 to vector<512x2048xi32>
    %select_n3A_509 = arith.select %eq3A_506, %iota3A, %broadcast_in_dim3A_508 : vector<512x2048xi1>, vector<512x2048xi32>
    %reduce_min3A_510 = arith.constant dense<2147483647> : vector<512xi32>
    %reduce_min3A_511 = vector.multi_reduction <minsi>, %select_n3A_509, %reduce_min3A_510 [1] : vector<512x2048xi32> to vector<512xi32>
    %broadcast_in_dim3A_512 = vector.shape_cast %reduce_min3A_511 : vector<512xi32> to vector<512x1xi32>
    %eq3A_513 = vector.broadcast %broadcast_in_dim3A_512 : vector<512x1xi32> to vector<512x2048xi32>
    %eq3A_514 = arith.cmpi eq, %iota3A, %eq3A_513 : vector<512x2048xi32>
    %jit3A_515 = arith.constant 0xFF800000 : f32
    %broadcast_in_dim3A_516 = vector.broadcast %jit3A_515 : f32 to vector<512x2048xf32>
    %select_n3A_517 = arith.select %eq3A_514, %broadcast_in_dim3A_516, %select_n3A_501 : vector<512x2048xi1>, vector<512x2048xf32>
    %reduce_max3A_518 = arith.constant dense<0xFF800000> : vector<512xf32>
    %reduce_max3A_519 = vector.multi_reduction <maximumf>, %select_n3A_517, %reduce_max3A_518 [1] : vector<512x2048xf32> to vector<512xf32>
    %broadcast_in_dim3A_520 = vector.shape_cast %reduce_max3A_519 : vector<512xf32> to vector<512x1xf32>
    %eq3A_521 = vector.broadcast %broadcast_in_dim3A_520 : vector<512x1xf32> to vector<512x2048xf32>
    %eq3A_522 = arith.cmpf oeq, %select_n3A_517, %eq3A_521 : vector<512x2048xf32>
    %jit3A_523 = arith.constant 2048 : i32
    %broadcast_in_dim3A_524 = vector.broadcast %jit3A_523 : i32 to vector<512x2048xi32>
    %select_n3A_525 = arith.select %eq3A_522, %iota3A, %broadcast_in_dim3A_524 : vector<512x2048xi1>, vector<512x2048xi32>
    %reduce_min3A_526 = arith.constant dense<2147483647> : vector<512xi32>
    %reduce_min3A_527 = vector.multi_reduction <minsi>, %select_n3A_525, %reduce_min3A_526 [1] : vector<512x2048xi32> to vector<512xi32>
    %broadcast_in_dim3A_528 = vector.shape_cast %reduce_min3A_527 : vector<512xi32> to vector<512x1xi32>
    %eq3A_529 = vector.broadcast %broadcast_in_dim3A_528 : vector<512x1xi32> to vector<512x2048xi32>
    %eq3A_530 = arith.cmpi eq, %iota3A, %eq3A_529 : vector<512x2048xi32>
    %jit3A_531 = arith.constant 0xFF800000 : f32
    %broadcast_in_dim3A_532 = vector.broadcast %jit3A_531 : f32 to vector<512x2048xf32>
    %select_n3A_533 = arith.select %eq3A_530, %broadcast_in_dim3A_532, %select_n3A_517 : vector<512x2048xi1>, vector<512x2048xf32>
    %reduce_max3A_534 = arith.constant dense<0xFF800000> : vector<512xf32>
    %reduce_max3A_535 = vector.multi_reduction <maximumf>, %select_n3A_533, %reduce_max3A_534 [1] : vector<512x2048xf32> to vector<512xf32>
    %broadcast_in_dim3A_536 = vector.shape_cast %reduce_max3A_535 : vector<512xf32> to vector<512x1xf32>
    %eq3A_537 = vector.broadcast %broadcast_in_dim3A_536 : vector<512x1xf32> to vector<512x2048xf32>
    %eq3A_538 = arith.cmpf oeq, %select_n3A_533, %eq3A_537 : vector<512x2048xf32>
    %jit3A_539 = arith.constant 2048 : i32
    %broadcast_in_dim3A_540 = vector.broadcast %jit3A_539 : i32 to vector<512x2048xi32>
    %select_n3A_541 = arith.select %eq3A_538, %iota3A, %broadcast_in_dim3A_540 : vector<512x2048xi1>, vector<512x2048xi32>
    %reduce_min3A_542 = arith.constant dense<2147483647> : vector<512xi32>
    %reduce_min3A_543 = vector.multi_reduction <minsi>, %select_n3A_541, %reduce_min3A_542 [1] : vector<512x2048xi32> to vector<512xi32>
    %broadcast_in_dim3A_544 = vector.shape_cast %reduce_min3A_543 : vector<512xi32> to vector<512x1xi32>
    %eq3A_545 = vector.broadcast %broadcast_in_dim3A_544 : vector<512x1xi32> to vector<512x2048xi32>
    %eq3A_546 = arith.cmpi eq, %iota3A, %eq3A_545 : vector<512x2048xi32>
    %jit3A_547 = arith.constant 0xFF800000 : f32
    %broadcast_in_dim3A_548 = vector.broadcast %jit3A_547 : f32 to vector<512x2048xf32>
    %select_n3A_549 = arith.select %eq3A_546, %broadcast_in_dim3A_548, %select_n3A_533 : vector<512x2048xi1>, vector<512x2048xf32>
    %reduce_max3A_550 = arith.constant dense<0xFF800000> : vector<512xf32>
    %reduce_max3A_551 = vector.multi_reduction <maximumf>, %select_n3A_549, %reduce_max3A_550 [1] : vector<512x2048xf32> to vector<512xf32>
    %broadcast_in_dim3A_552 = vector.shape_cast %reduce_max3A_551 : vector<512xf32> to vector<512x1xf32>
    %eq3A_553 = vector.broadcast %broadcast_in_dim3A_552 : vector<512x1xf32> to vector<512x2048xf32>
    %eq3A_554 = arith.cmpf oeq, %select_n3A_549, %eq3A_553 : vector<512x2048xf32>
    %jit3A_555 = arith.constant 2048 : i32
    %broadcast_in_dim3A_556 = vector.broadcast %jit3A_555 : i32 to vector<512x2048xi32>
    %select_n3A_557 = arith.select %eq3A_554, %iota3A, %broadcast_in_dim3A_556 : vector<512x2048xi1>, vector<512x2048xi32>
    %reduce_min3A_558 = arith.constant dense<2147483647> : vector<512xi32>
    %reduce_min3A_559 = vector.multi_reduction <minsi>, %select_n3A_557, %reduce_min3A_558 [1] : vector<512x2048xi32> to vector<512xi32>
    %broadcast_in_dim3A_560 = vector.shape_cast %reduce_min3A_559 : vector<512xi32> to vector<512x1xi32>
    %eq3A_561 = vector.broadcast %broadcast_in_dim3A_560 : vector<512x1xi32> to vector<512x2048xi32>
    %eq3A_562 = arith.cmpi eq, %iota3A, %eq3A_561 : vector<512x2048xi32>
    %jit3A_563 = arith.constant 0xFF800000 : f32
    %broadcast_in_dim3A_564 = vector.broadcast %jit3A_563 : f32 to vector<512x2048xf32>
    %select_n3A_565 = arith.select %eq3A_562, %broadcast_in_dim3A_564, %select_n3A_549 : vector<512x2048xi1>, vector<512x2048xf32>
    %reduce_max3A_566 = arith.constant dense<0xFF800000> : vector<512xf32>
    %reduce_max3A_567 = vector.multi_reduction <maximumf>, %select_n3A_565, %reduce_max3A_566 [1] : vector<512x2048xf32> to vector<512xf32>
    %broadcast_in_dim3A_568 = vector.shape_cast %reduce_max3A_567 : vector<512xf32> to vector<512x1xf32>
    %eq3A_569 = vector.broadcast %broadcast_in_dim3A_568 : vector<512x1xf32> to vector<512x2048xf32>
    %eq3A_570 = arith.cmpf oeq, %select_n3A_565, %eq3A_569 : vector<512x2048xf32>
    %jit3A_571 = arith.constant 2048 : i32
    %broadcast_in_dim3A_572 = vector.broadcast %jit3A_571 : i32 to vector<512x2048xi32>
    %select_n3A_573 = arith.select %eq3A_570, %iota3A, %broadcast_in_dim3A_572 : vector<512x2048xi1>, vector<512x2048xi32>
    %reduce_min3A_574 = arith.constant dense<2147483647> : vector<512xi32>
    %reduce_min3A_575 = vector.multi_reduction <minsi>, %select_n3A_573, %reduce_min3A_574 [1] : vector<512x2048xi32> to vector<512xi32>
    %broadcast_in_dim3A_576 = vector.shape_cast %reduce_min3A_575 : vector<512xi32> to vector<512x1xi32>
    %eq3A_577 = vector.broadcast %broadcast_in_dim3A_576 : vector<512x1xi32> to vector<512x2048xi32>
    %eq3A_578 = arith.cmpi eq, %iota3A, %eq3A_577 : vector<512x2048xi32>
    %jit3A_579 = arith.constant 0xFF800000 : f32
    %broadcast_in_dim3A_580 = vector.broadcast %jit3A_579 : f32 to vector<512x2048xf32>
    %select_n3A_581 = arith.select %eq3A_578, %broadcast_in_dim3A_580, %select_n3A_565 : vector<512x2048xi1>, vector<512x2048xf32>
    %reduce_max3A_582 = arith.constant dense<0xFF800000> : vector<512xf32>
    %reduce_max3A_583 = vector.multi_reduction <maximumf>, %select_n3A_581, %reduce_max3A_582 [1] : vector<512x2048xf32> to vector<512xf32>
    %broadcast_in_dim3A_584 = vector.shape_cast %reduce_max3A_583 : vector<512xf32> to vector<512x1xf32>
    %eq3A_585 = vector.broadcast %broadcast_in_dim3A_584 : vector<512x1xf32> to vector<512x2048xf32>
    %eq3A_586 = arith.cmpf oeq, %select_n3A_581, %eq3A_585 : vector<512x2048xf32>
    %jit3A_587 = arith.constant 2048 : i32
    %broadcast_in_dim3A_588 = vector.broadcast %jit3A_587 : i32 to vector<512x2048xi32>
    %select_n3A_589 = arith.select %eq3A_586, %iota3A, %broadcast_in_dim3A_588 : vector<512x2048xi1>, vector<512x2048xi32>
    %reduce_min3A_590 = arith.constant dense<2147483647> : vector<512xi32>
    %reduce_min3A_591 = vector.multi_reduction <minsi>, %select_n3A_589, %reduce_min3A_590 [1] : vector<512x2048xi32> to vector<512xi32>
    %broadcast_in_dim3A_592 = vector.shape_cast %reduce_min3A_591 : vector<512xi32> to vector<512x1xi32>
    %eq3A_593 = vector.broadcast %broadcast_in_dim3A_592 : vector<512x1xi32> to vector<512x2048xi32>
    %eq3A_594 = arith.cmpi eq, %iota3A, %eq3A_593 : vector<512x2048xi32>
    %jit3A_595 = arith.constant 0xFF800000 : f32
    %broadcast_in_dim3A_596 = vector.broadcast %jit3A_595 : f32 to vector<512x2048xf32>
    %select_n3A_597 = arith.select %eq3A_594, %broadcast_in_dim3A_596, %select_n3A_581 : vector<512x2048xi1>, vector<512x2048xf32>
    %reduce_max3A_598 = arith.constant dense<0xFF800000> : vector<512xf32>
    %reduce_max3A_599 = vector.multi_reduction <maximumf>, %select_n3A_597, %reduce_max3A_598 [1] : vector<512x2048xf32> to vector<512xf32>
    %broadcast_in_dim3A_600 = vector.shape_cast %reduce_max3A_599 : vector<512xf32> to vector<512x1xf32>
    %eq3A_601 = vector.broadcast %broadcast_in_dim3A_600 : vector<512x1xf32> to vector<512x2048xf32>
    %eq3A_602 = arith.cmpf oeq, %select_n3A_597, %eq3A_601 : vector<512x2048xf32>
    %jit3A_603 = arith.constant 2048 : i32
    %broadcast_in_dim3A_604 = vector.broadcast %jit3A_603 : i32 to vector<512x2048xi32>
    %select_n3A_605 = arith.select %eq3A_602, %iota3A, %broadcast_in_dim3A_604 : vector<512x2048xi1>, vector<512x2048xi32>
    %reduce_min3A_606 = arith.constant dense<2147483647> : vector<512xi32>
    %reduce_min3A_607 = vector.multi_reduction <minsi>, %select_n3A_605, %reduce_min3A_606 [1] : vector<512x2048xi32> to vector<512xi32>
    %broadcast_in_dim3A_608 = vector.shape_cast %reduce_min3A_607 : vector<512xi32> to vector<512x1xi32>
    %eq3A_609 = vector.broadcast %broadcast_in_dim3A_608 : vector<512x1xi32> to vector<512x2048xi32>
    %eq3A_610 = arith.cmpi eq, %iota3A, %eq3A_609 : vector<512x2048xi32>
    %jit3A_611 = arith.constant 0xFF800000 : f32
    %broadcast_in_dim3A_612 = vector.broadcast %jit3A_611 : f32 to vector<512x2048xf32>
    %select_n3A_613 = arith.select %eq3A_610, %broadcast_in_dim3A_612, %select_n3A_597 : vector<512x2048xi1>, vector<512x2048xf32>
    %reduce_max3A_614 = arith.constant dense<0xFF800000> : vector<512xf32>
    %reduce_max3A_615 = vector.multi_reduction <maximumf>, %select_n3A_613, %reduce_max3A_614 [1] : vector<512x2048xf32> to vector<512xf32>
    %broadcast_in_dim3A_616 = vector.shape_cast %reduce_max3A_615 : vector<512xf32> to vector<512x1xf32>
    %eq3A_617 = vector.broadcast %broadcast_in_dim3A_616 : vector<512x1xf32> to vector<512x2048xf32>
    %eq3A_618 = arith.cmpf oeq, %select_n3A_613, %eq3A_617 : vector<512x2048xf32>
    %jit3A_619 = arith.constant 2048 : i32
    %broadcast_in_dim3A_620 = vector.broadcast %jit3A_619 : i32 to vector<512x2048xi32>
    %select_n3A_621 = arith.select %eq3A_618, %iota3A, %broadcast_in_dim3A_620 : vector<512x2048xi1>, vector<512x2048xi32>
    %reduce_min3A_622 = arith.constant dense<2147483647> : vector<512xi32>
    %reduce_min3A_623 = vector.multi_reduction <minsi>, %select_n3A_621, %reduce_min3A_622 [1] : vector<512x2048xi32> to vector<512xi32>
    %broadcast_in_dim3A_624 = vector.shape_cast %reduce_min3A_623 : vector<512xi32> to vector<512x1xi32>
    %eq3A_625 = vector.broadcast %broadcast_in_dim3A_624 : vector<512x1xi32> to vector<512x2048xi32>
    %eq3A_626 = arith.cmpi eq, %iota3A, %eq3A_625 : vector<512x2048xi32>
    %jit3A_627 = arith.constant 0xFF800000 : f32
    %broadcast_in_dim3A_628 = vector.broadcast %jit3A_627 : f32 to vector<512x2048xf32>
    %select_n3A_629 = arith.select %eq3A_626, %broadcast_in_dim3A_628, %select_n3A_613 : vector<512x2048xi1>, vector<512x2048xf32>
    %reduce_max3A_630 = arith.constant dense<0xFF800000> : vector<512xf32>
    %reduce_max3A_631 = vector.multi_reduction <maximumf>, %select_n3A_629, %reduce_max3A_630 [1] : vector<512x2048xf32> to vector<512xf32>
    %broadcast_in_dim3A_632 = vector.shape_cast %reduce_max3A_631 : vector<512xf32> to vector<512x1xf32>
    %eq3A_633 = vector.broadcast %broadcast_in_dim3A_632 : vector<512x1xf32> to vector<512x2048xf32>
    %eq3A_634 = arith.cmpf oeq, %select_n3A_629, %eq3A_633 : vector<512x2048xf32>
    %jit3A_635 = arith.constant 2048 : i32
    %broadcast_in_dim3A_636 = vector.broadcast %jit3A_635 : i32 to vector<512x2048xi32>
    %select_n3A_637 = arith.select %eq3A_634, %iota3A, %broadcast_in_dim3A_636 : vector<512x2048xi1>, vector<512x2048xi32>
    %reduce_min3A_638 = arith.constant dense<2147483647> : vector<512xi32>
    %reduce_min3A_639 = vector.multi_reduction <minsi>, %select_n3A_637, %reduce_min3A_638 [1] : vector<512x2048xi32> to vector<512xi32>
    %broadcast_in_dim3A_640 = vector.shape_cast %reduce_min3A_639 : vector<512xi32> to vector<512x1xi32>
    %eq3A_641 = vector.broadcast %broadcast_in_dim3A_640 : vector<512x1xi32> to vector<512x2048xi32>
    %eq3A_642 = arith.cmpi eq, %iota3A, %eq3A_641 : vector<512x2048xi32>
    %jit3A_643 = arith.constant 0xFF800000 : f32
    %broadcast_in_dim3A_644 = vector.broadcast %jit3A_643 : f32 to vector<512x2048xf32>
    %select_n3A_645 = arith.select %eq3A_642, %broadcast_in_dim3A_644, %select_n3A_629 : vector<512x2048xi1>, vector<512x2048xf32>
    %reduce_max3A_646 = arith.constant dense<0xFF800000> : vector<512xf32>
    %reduce_max3A_647 = vector.multi_reduction <maximumf>, %select_n3A_645, %reduce_max3A_646 [1] : vector<512x2048xf32> to vector<512xf32>
    %broadcast_in_dim3A_648 = vector.shape_cast %reduce_max3A_647 : vector<512xf32> to vector<512x1xf32>
    %eq3A_649 = vector.broadcast %broadcast_in_dim3A_648 : vector<512x1xf32> to vector<512x2048xf32>
    %eq3A_650 = arith.cmpf oeq, %select_n3A_645, %eq3A_649 : vector<512x2048xf32>
    %jit3A_651 = arith.constant 2048 : i32
    %broadcast_in_dim3A_652 = vector.broadcast %jit3A_651 : i32 to vector<512x2048xi32>
    %select_n3A_653 = arith.select %eq3A_650, %iota3A, %broadcast_in_dim3A_652 : vector<512x2048xi1>, vector<512x2048xi32>
    %reduce_min3A_654 = arith.constant dense<2147483647> : vector<512xi32>
    %reduce_min3A_655 = vector.multi_reduction <minsi>, %select_n3A_653, %reduce_min3A_654 [1] : vector<512x2048xi32> to vector<512xi32>
    %broadcast_in_dim3A_656 = vector.shape_cast %reduce_min3A_655 : vector<512xi32> to vector<512x1xi32>
    %concatenate3A_657 = tpu.concatenate %broadcast_in_dim3A_160, %broadcast_in_dim3A_176, %broadcast_in_dim3A_192, %broadcast_in_dim3A_208, %broadcast_in_dim3A_224, %broadcast_in_dim3A_240, %broadcast_in_dim3A_256, %broadcast_in_dim3A_272, %broadcast_in_dim3A_288, %broadcast_in_dim3A_304, %broadcast_in_dim3A_320, %broadcast_in_dim3A_336, %broadcast_in_dim3A_352, %broadcast_in_dim3A_368, %broadcast_in_dim3A_384, %broadcast_in_dim3A_400, %broadcast_in_dim3A_416, %broadcast_in_dim3A_432, %broadcast_in_dim3A_448, %broadcast_in_dim3A_464, %broadcast_in_dim3A_480, %broadcast_in_dim3A_496, %broadcast_in_dim3A_512, %broadcast_in_dim3A_528, %broadcast_in_dim3A_544, %broadcast_in_dim3A_560, %broadcast_in_dim3A_576, %broadcast_in_dim3A_592, %broadcast_in_dim3A_608, %broadcast_in_dim3A_624, %broadcast_in_dim3A_640, %broadcast_in_dim3A_656 in 1 : vector<512x1xi32>, vector<512x1xi32>, vector<512x1xi32>, vector<512x1xi32>, vector<512x1xi32>, vector<512x1xi32>, vector<512x1xi32>, vector<512x1xi32>, vector<512x1xi32>, vector<512x1xi32>, vector<512x1xi32>, vector<512x1xi32>, vector<512x1xi32>, vector<512x1xi32>, vector<512x1xi32>, vector<512x1xi32>, vector<512x1xi32>, vector<512x1xi32>, vector<512x1xi32>, vector<512x1xi32>, vector<512x1xi32>, vector<512x1xi32>, vector<512x1xi32>, vector<512x1xi32>, vector<512x1xi32>, vector<512x1xi32>, vector<512x1xi32>, vector<512x1xi32>, vector<512x1xi32>, vector<512x1xi32>, vector<512x1xi32>, vector<512x1xi32> -> vector<512x32xi32>
    %swap3A_658 = arith.constant 0 : index
    %swap3A_659 = arith.constant 0 : index
    %swap3A_660 = arith.constant 0 : index
    %swap3A_661 = vector.load %arg14[%swap3A_658, %swap3A_659, %swap3A_660] : memref<1x512x32xi32, #tpu.memory_space<vmem>>, vector<1x512x32xi32>
    %swap3A_662 = vector.shape_cast %swap3A_661 : vector<1x512x32xi32> to vector<512x32xi32>
    %swap3A_663 = vector.shape_cast %concatenate3A_657 : vector<512x32xi32> to vector<1x512x32xi32>
    tpu.vector_store %arg14[%swap3A_658, %swap3A_659, %swap3A_660], %swap3A_663 {strides = array<i32>} : memref<1x512x32xi32, #tpu.memory_space<vmem>>, vector<1x512x32xi32>,
    return
  }
  func.func @transform_0(%arg0: i32, %arg1: i32) -> (i32, i32, i32) {
    %c0_i32 = arith.constant 0 : i32
    %c0_i32_0 = arith.constant 0 : i32
    return %arg0, %arg1, %c0_i32 : i32, i32, i32
  }
  func.func @transform_1(%arg0: i32, %arg1: i32) -> (i32, i32, i32) {
    %c0_i32 = arith.constant 0 : i32
    %c0_i32_0 = arith.constant 0 : i32
    %c0_i32_1 = arith.constant 0 : i32
    return %arg0, %c0_i32, %c0_i32_0 : i32, i32, i32
  }
  func.func @transform_2(%arg0: i32, %arg1: i32) -> (i32, i32) {
    %c0_i32 = arith.constant 0 : i32
    %c0_i32_0 = arith.constant 0 : i32
    %c0_i32_1 = arith.constant 0 : i32
    return %c0_i32, %c0_i32_0 : i32, i32
  }
  func.func @transform_3(%arg0: i32, %arg1: i32) -> i32 {
    %c0_i32 = arith.constant 0 : i32
    %c0_i32_0 = arith.constant 0 : i32
    return %c0_i32 : i32
  }
  func.func @transform_4(%arg0: i32, %arg1: i32) -> i32 {
    %c0_i32 = arith.constant 0 : i32
    %c0_i32_0 = arith.constant 0 : i32
    return %c0_i32 : i32
  }
  func.func @transform_5(%arg0: i32, %arg1: i32) -> i32 {
    %c0_i32 = arith.constant 0 : i32
    %c0_i32_0 = arith.constant 0 : i32
    return %c0_i32 : i32
  }
  func.func @transform_6(%arg0: i32, %arg1: i32) -> (i32, i32) {
    %c0_i32 = arith.constant 0 : i32
    %c0_i32_0 = arith.constant 0 : i32
    %c0_i32_1 = arith.constant 0 : i32
    return %c0_i32, %c0_i32_0 : i32, i32
  }
  func.func @transform_7(%arg0: i32, %arg1: i32) -> i32 {
    %c0_i32 = arith.constant 0 : i32
    %c0_i32_0 = arith.constant 0 : i32
    return %c0_i32 : i32
  }
  func.func @transform_8(%arg0: i32, %arg1: i32) -> i32 {
    %c0_i32 = arith.constant 0 : i32
    %c0_i32_0 = arith.constant 0 : i32
    return %c0_i32 : i32
  }
  func.func @transform_9(%arg0: i32, %arg1: i32) -> (i32, i32, i32) {
    %c0_i32 = arith.constant 0 : i32
    %c0_i32_0 = arith.constant 0 : i32
    return %arg0, %arg1, %c0_i32 : i32, i32, i32
  }
  func.func @transform_10(%arg0: i32, %arg1: i32) -> (i32, i32, i32) {
    %c0_i32 = arith.constant 0 : i32
    %c0_i32_0 = arith.constant 0 : i32
    return %arg0, %arg1, %c0_i32 : i32, i32, i32
  }
  func.func @transform_11(%arg0: i32, %arg1: i32) -> (i32, i32, i32) {
    %c0_i32 = arith.constant 0 : i32
    %c0_i32_0 = arith.constant 0 : i32
    return %arg0, %arg1, %c0_i32 : i32, i32, i32
  }
  func.func @transform_12(%arg0: i32, %arg1: i32) -> (i32, i32, i32) {
    %c0_i32 = arith.constant 0 : i32
    %c0_i32_0 = arith.constant 0 : i32
    return %arg0, %arg1, %c0_i32 : i32, i32, i32
  }
}

module attributes {stable_mosaic.version = 14 : i64} {
  func.func @_k3_body(%arg0: i32, %arg1: memref<8192x128xf32, #tpu.memory_space<vmem>>, %arg2: memref<1x256x3xf32, #tpu.memory_space<vmem>>, %arg3: memref<1x256x64xf32, #tpu.memory_space<vmem>>, %arg4: memref<1x256x64xf32, #tpu.memory_space<vmem>>, %arg5: memref<64x64xf32, #tpu.memory_space<vmem>>, %arg6: memref<64x64xf32, #tpu.memory_space<vmem>>, %arg7: memref<3x64xf32, #tpu.memory_space<vmem>>, %arg8: memref<64xf32, #tpu.memory_space<vmem>>, %arg9: memref<64x64xf32, #tpu.memory_space<vmem>>, %arg10: memref<64xf32, #tpu.memory_space<vmem>>, %arg11: memref<64xf32, #tpu.memory_space<vmem>>, %arg12: memref<64xf32, #tpu.memory_space<vmem>>, %arg13: memref<64x64xf32, #tpu.memory_space<vmem>>, %arg14: memref<64xf32, #tpu.memory_space<vmem>>, %arg15: memref<64xf32, #tpu.memory_space<vmem>>, %arg16: memref<64xf32, #tpu.memory_space<vmem>>, %arg17: memref<64x64xf32, #tpu.memory_space<vmem>>, %arg18: memref<64xf32, #tpu.memory_space<vmem>>, %arg19: memref<64xf32, #tpu.memory_space<vmem>>, %arg20: memref<64x64xf32, #tpu.memory_space<vmem>>, %arg21: memref<64xf32, #tpu.memory_space<vmem>>, %arg22: memref<64xf32, #tpu.memory_space<vmem>>, %arg23: memref<64xf32, #tpu.memory_space<vmem>>, %arg24: memref<64x13xf32, #tpu.memory_space<vmem>>, %arg25: memref<13xf32, #tpu.memory_space<vmem>>, %arg26: memref<1x256x13xf32, #tpu.memory_space<vmem>>) attributes {dimension_semantics = [#tpu.dimension_semantics<arbitrary>], iteration_bounds = array<i64: 8>, scalar_prefetch = 0 : i64, scratch_operands = 0 : i64, tpu.core_type = #tpu.core_type<tc>, window_params = [{transform_indices = @transform_0, window_bounds = array<i64: 8192, 128>}, {transform_indices = @transform_1, window_bounds = array<i64: 1, 256, 3>}, {transform_indices = @transform_2, window_bounds = array<i64: 1, 256, 64>}, {transform_indices = @transform_3, window_bounds = array<i64: 1, 256, 64>}, {pipeline_mode = #tpu.pipeline_mode<synchronous>, transform_indices = @transform_4, window_bounds = array<i64: 64, 64>}, {pipeline_mode = #tpu.pipeline_mode<synchronous>, transform_indices = @transform_5, window_bounds = array<i64: 64, 64>}, {pipeline_mode = #tpu.pipeline_mode<synchronous>, transform_indices = @transform_6, window_bounds = array<i64: 3, 64>}, {pipeline_mode = #tpu.pipeline_mode<synchronous>, transform_indices = @transform_7, window_bounds = array<i64: 64>}, {pipeline_mode = #tpu.pipeline_mode<synchronous>, transform_indices = @transform_8, window_bounds = array<i64: 64, 64>}, {pipeline_mode = #tpu.pipeline_mode<synchronous>, transform_indices = @transform_9, window_bounds = array<i64: 64>}, {pipeline_mode = #tpu.pipeline_mode<synchronous>, transform_indices = @transform_10, window_bounds = array<i64: 64>}, {pipeline_mode = #tpu.pipeline_mode<synchronous>, transform_indices = @transform_11, window_bounds = array<i64: 64>}, {pipeline_mode = #tpu.pipeline_mode<synchronous>, transform_indices = @transform_12, window_bounds = array<i64: 64, 64>}, {pipeline_mode = #tpu.pipeline_mode<synchronous>, transform_indices = @transform_13, window_bounds = array<i64: 64>}, {pipeline_mode = #tpu.pipeline_mode<synchronous>, transform_indices = @transform_14, window_bounds = array<i64: 64>}, {pipeline_mode = #tpu.pipeline_mode<synchronous>, transform_indices = @transform_15, window_bounds = array<i64: 64>}, {pipeline_mode = #tpu.pipeline_mode<synchronous>, transform_indices = @transform_16, window_bounds = array<i64: 64, 64>}, {pipeline_mode = #tpu.pipeline_mode<synchronous>, transform_indices = @transform_17, window_bounds = array<i64: 64>}, {pipeline_mode = #tpu.pipeline_mode<synchronous>, transform_indices = @transform_18, window_bounds = array<i64: 64>}, {pipeline_mode = #tpu.pipeline_mode<synchronous>, transform_indices = @transform_19, window_bounds = array<i64: 64, 64>}, {pipeline_mode = #tpu.pipeline_mode<synchronous>, transform_indices = @transform_20, window_bounds = array<i64: 64>}, {pipeline_mode = #tpu.pipeline_mode<synchronous>, transform_indices = @transform_21, window_bounds = array<i64: 64>}, {pipeline_mode = #tpu.pipeline_mode<synchronous>, transform_indices = @transform_22, window_bounds = array<i64: 64>}, {pipeline_mode = #tpu.pipeline_mode<synchronous>, transform_indices = @transform_23, window_bounds = array<i64: 64, 13>}, {pipeline_mode = #tpu.pipeline_mode<synchronous>, transform_indices = @transform_24, window_bounds = array<i64: 13>}, {transform_indices = @transform_25, window_bounds = array<i64: 1, 256, 13>}]} {
    %get3A = arith.constant 0 : index
    %get3A_0 = arith.constant 0 : index
    %get3A_1 = vector.load %arg1[%get3A, %get3A_0] : memref<8192x128xf32, #tpu.memory_space<vmem>>, vector<8192x128xf32>
    %slice3A = vector.extract_strided_slice %get3A_1 {offsets = [0, 0], sizes = [8192, 64], strides = [1, 1]} : vector<8192x128xf32> to vector<8192x64xf32>
    %get3A_2 = arith.constant 0 : index
    %get3A_3 = arith.constant 0 : index
    %get3A_4 = arith.constant 0 : index
    %get3A_5 = vector.load %arg2[%get3A_2, %get3A_3, %get3A_4] : memref<1x256x3xf32, #tpu.memory_space<vmem>>, vector<1x256x3xf32>
    %get3A_6 = vector.shape_cast %get3A_5 : vector<1x256x3xf32> to vector<256x3xf32>
    %get3A_7 = arith.constant 0 : index
    %get3A_8 = arith.constant 0 : index
    %get3A_9 = arith.constant 0 : index
    %get3A_10 = vector.load %arg3[%get3A_7, %get3A_8, %get3A_9] : memref<1x256x64xf32, #tpu.memory_space<vmem>>, vector<1x256x64xf32>
    %get3A_11 = vector.shape_cast %get3A_10 : vector<1x256x64xf32> to vector<256x64xf32>
    %get3A_12 = arith.constant 0 : index
    %get3A_13 = arith.constant 0 : index
    %get3A_14 = vector.load %arg5[%get3A_12, %get3A_13] : memref<64x64xf32, #tpu.memory_space<vmem>>, vector<64x64xf32>
    %dot_general3A = arith.constant dense<0.000000e+00> : vector<8192x64xf32>
    %dot_general3A_15 = tpu.matmul %slice3A, %get3A_14, %dot_general3A {dimension_numbers = #tpu.dot_dimension_numbers<[1], [0], [0], [1], [0, 0, 1, 1], [], []>, transpose_lhs_hint = false} : vector<8192x64xf32>, vector<64x64xf32>, vector<8192x64xf32> -> vector<8192x64xf32>
    %get3A_16 = arith.constant 0 : index
    %get3A_17 = arith.constant 0 : index
    %get3A_18 = vector.load %arg6[%get3A_16, %get3A_17] : memref<64x64xf32, #tpu.memory_space<vmem>>, vector<64x64xf32>
    %dot_general3A_19 = arith.constant dense<0.000000e+00> : vector<8192x64xf32>
    %dot_general3A_20 = tpu.matmul %slice3A, %get3A_18, %dot_general3A_19 {dimension_numbers = #tpu.dot_dimension_numbers<[1], [0], [0], [1], [0, 0, 1, 1], [], []>, transpose_lhs_hint = false} : vector<8192x64xf32>, vector<64x64xf32>, vector<8192x64xf32> -> vector<8192x64xf32>
    %slice3A_21 = vector.extract_strided_slice %get3A_1 {offsets = [0, 64], sizes = [8192, 1], strides = [1, 1]} : vector<8192x128xf32> to vector<8192x1xf32>
    %get3A_22 = arith.constant 0 : index
    %get3A_23 = arith.constant 0 : index
    %get3A_24 = vector.load %arg7[%get3A_22, %get3A_23] : memref<3x64xf32, #tpu.memory_space<vmem>>, vector<1x64xf32>
    %mul3A = vector.broadcast %slice3A_21 : vector<8192x1xf32> to vector<8192x64xf32>
    %mul3A_25 = vector.broadcast %get3A_24 : vector<1x64xf32> to vector<8192x64xf32>
    %mul3A_26 = arith.mulf %mul3A, %mul3A_25 : vector<8192x64xf32>
    %slice3A_27 = vector.extract_strided_slice %get3A_1 {offsets = [0, 65], sizes = [8192, 1], strides = [1, 1]} : vector<8192x128xf32> to vector<8192x1xf32>
    %get3A_28 = arith.constant 1 : index
    %get3A_29 = arith.constant 0 : index
    %get3A_30 = vector.load %arg7[%get3A_28, %get3A_29] : memref<3x64xf32, #tpu.memory_space<vmem>>, vector<1x64xf32>
    %mul3A_31 = vector.broadcast %slice3A_27 : vector<8192x1xf32> to vector<8192x64xf32>
    %mul3A_32 = vector.broadcast %get3A_30 : vector<1x64xf32> to vector<8192x64xf32>
    %mul3A_33 = arith.mulf %mul3A_31, %mul3A_32 : vector<8192x64xf32>
    %add3A = arith.addf %mul3A_26, %mul3A_33 : vector<8192x64xf32>
    %slice3A_34 = vector.extract_strided_slice %get3A_1 {offsets = [0, 66], sizes = [8192, 1], strides = [1, 1]} : vector<8192x128xf32> to vector<8192x1xf32>
    %get3A_35 = arith.constant 2 : index
    %get3A_36 = arith.constant 0 : index
    %get3A_37 = vector.load %arg7[%get3A_35, %get3A_36] : memref<3x64xf32, #tpu.memory_space<vmem>>, vector<1x64xf32>
    %mul3A_38 = vector.broadcast %slice3A_34 : vector<8192x1xf32> to vector<8192x64xf32>
    %mul3A_39 = vector.broadcast %get3A_37 : vector<1x64xf32> to vector<8192x64xf32>
    %mul3A_40 = arith.mulf %mul3A_38, %mul3A_39 : vector<8192x64xf32>
    %add3A_41 = arith.addf %add3A, %mul3A_40 : vector<8192x64xf32>
    %slice3A_42 = vector.extract_strided_slice %get3A_6 {offsets = [0, 0], sizes = [256, 1], strides = [1, 1]} : vector<256x3xf32> to vector<256x1xf32>
    %get3A_43 = arith.constant 0 : index
    %get3A_44 = arith.constant 0 : index
    %get3A_45 = vector.load %arg7[%get3A_43, %get3A_44] : memref<3x64xf32, #tpu.memory_space<vmem>>, vector<1x64xf32>
    %mul3A_46 = vector.broadcast %slice3A_42 : vector<256x1xf32> to vector<256x64xf32>
    %mul3A_47 = vector.broadcast %get3A_45 : vector<1x64xf32> to vector<256x64xf32>
    %mul3A_48 = arith.mulf %mul3A_46, %mul3A_47 : vector<256x64xf32>
    %slice3A_49 = vector.extract_strided_slice %get3A_6 {offsets = [0, 1], sizes = [256, 1], strides = [1, 1]} : vector<256x3xf32> to vector<256x1xf32>
    %get3A_50 = arith.constant 1 : index
    %get3A_51 = arith.constant 0 : index
    %get3A_52 = vector.load %arg7[%get3A_50, %get3A_51] : memref<3x64xf32, #tpu.memory_space<vmem>>, vector<1x64xf32>
    %mul3A_53 = vector.broadcast %slice3A_49 : vector<256x1xf32> to vector<256x64xf32>
    %mul3A_54 = vector.broadcast %get3A_52 : vector<1x64xf32> to vector<256x64xf32>
    %mul3A_55 = arith.mulf %mul3A_53, %mul3A_54 : vector<256x64xf32>
    %add3A_56 = arith.addf %mul3A_48, %mul3A_55 : vector<256x64xf32>
    %slice3A_57 = vector.extract_strided_slice %get3A_6 {offsets = [0, 2], sizes = [256, 1], strides = [1, 1]} : vector<256x3xf32> to vector<256x1xf32>
    %get3A_58 = arith.constant 2 : index
    %get3A_59 = arith.constant 0 : index
    %get3A_60 = vector.load %arg7[%get3A_58, %get3A_59] : memref<3x64xf32, #tpu.memory_space<vmem>>, vector<1x64xf32>
    %mul3A_61 = vector.broadcast %slice3A_57 : vector<256x1xf32> to vector<256x64xf32>
    %mul3A_62 = vector.broadcast %get3A_60 : vector<1x64xf32> to vector<256x64xf32>
    %mul3A_63 = arith.mulf %mul3A_61, %mul3A_62 : vector<256x64xf32>
    %add3A_64 = arith.addf %add3A_56, %mul3A_63 : vector<256x64xf32>
    %broadcast_in_dim3A = vector.shape_cast %add3A_64 : vector<256x64xf32> to vector<256x1x64xf32>
    %reshape3A = vector.shape_cast %add3A_41 : vector<8192x64xf32> to vector<256x32x64xf32>
    %sub3A = vector.broadcast %broadcast_in_dim3A : vector<256x1x64xf32> to vector<256x32x64xf32>
    %sub3A_65 = arith.subf %sub3A, %reshape3A : vector<256x32x64xf32>
    %get3A_66 = arith.constant 0 : index
    %get3A_67 = vector.load %arg8[%get3A_66] : memref<64xf32, #tpu.memory_space<vmem>>, vector<64xf32>
    %broadcast_in_dim3A_68 = vector.shape_cast %get3A_67 : vector<64xf32> to vector<1x1x64xf32>
    %add3A_69 = vector.broadcast %broadcast_in_dim3A_68 : vector<1x1x64xf32> to vector<256x32x64xf32>
    %add3A_70 = arith.addf %sub3A_65, %add3A_69 : vector<256x32x64xf32>
    %get3A_71 = arith.constant 0 : index
    %get3A_72 = vector.load %arg11[%get3A_71] : memref<64xf32, #tpu.memory_space<vmem>>, vector<64xf32>
    %get3A_73 = arith.constant 0 : index
    %get3A_74 = vector.load %arg12[%get3A_73] : memref<64xf32, #tpu.memory_space<vmem>>, vector<64xf32>
    %reduce_sum3A = arith.constant dense<0.000000e+00> : vector<256x32xf32>
    %reduce_sum3A_75 = vector.multi_reduction <add>, %add3A_70, %reduce_sum3A [2] : vector<256x32x64xf32> to vector<256x32xf32>
    %broadcast_in_dim3A_76 = vector.shape_cast %reduce_sum3A_75 : vector<256x32xf32> to vector<256x32x1xf32>
    %div3A = arith.constant 6.400000e+01 : f32
    %div3A_77 = vector.broadcast %div3A : f32 to vector<256x32x1xf32>
    %div3A_78 = arith.divf %broadcast_in_dim3A_76, %div3A_77 : vector<256x32x1xf32>
    %sub3A_79 = vector.broadcast %div3A_78 : vector<256x32x1xf32> to vector<256x32x64xf32>
    %sub3A_80 = arith.subf %add3A_70, %sub3A_79 : vector<256x32x64xf32>
    %integer_pow3A = arith.mulf %sub3A_80, %sub3A_80 : vector<256x32x64xf32>
    %reduce_sum3A_81 = arith.constant dense<0.000000e+00> : vector<256x32xf32>
    %reduce_sum3A_82 = vector.multi_reduction <add>, %integer_pow3A, %reduce_sum3A_81 [2] : vector<256x32x64xf32> to vector<256x32xf32>
    %broadcast_in_dim3A_83 = vector.shape_cast %reduce_sum3A_82 : vector<256x32xf32> to vector<256x32x1xf32>
    %div3A_84 = arith.constant 6.400000e+01 : f32
    %div3A_85 = vector.broadcast %div3A_84 : f32 to vector<256x32x1xf32>
    %div3A_86 = arith.divf %broadcast_in_dim3A_83, %div3A_85 : vector<256x32x1xf32>
    %sub3A_87 = vector.broadcast %div3A_78 : vector<256x32x1xf32> to vector<256x32x64xf32>
    %sub3A_88 = arith.subf %add3A_70, %sub3A_87 : vector<256x32x64xf32>
    %add3A_89 = arith.constant 9.99999974E-6 : f32
    %add3A_90 = vector.broadcast %add3A_89 : f32 to vector<256x32x1xf32>
    %add3A_91 = arith.addf %div3A_86, %add3A_90 : vector<256x32x1xf32>
    %sqrt3A = math.sqrt %add3A_91 : vector<256x32x1xf32>
    %div3A_92 = vector.broadcast %sqrt3A : vector<256x32x1xf32> to vector<256x32x64xf32>
    %div3A_93 = arith.divf %sub3A_88, %div3A_92 : vector<256x32x64xf32>
    %broadcast_in_dim3A_94 = vector.shape_cast %get3A_72 : vector<64xf32> to vector<1x1x64xf32>
    %mul3A_95 = vector.broadcast %broadcast_in_dim3A_94 : vector<1x1x64xf32> to vector<256x32x64xf32>
    %mul3A_96 = arith.mulf %div3A_93, %mul3A_95 : vector<256x32x64xf32>
    %broadcast_in_dim3A_97 = vector.shape_cast %get3A_74 : vector<64xf32> to vector<1x1x64xf32>
    %add3A_98 = vector.broadcast %broadcast_in_dim3A_97 : vector<1x1x64xf32> to vector<256x32x64xf32>
    %add3A_99 = arith.addf %mul3A_96, %add3A_98 : vector<256x32x64xf32>
    %max3A = arith.constant 0.000000e+00 : f32
    %max3A_100 = vector.broadcast %max3A : f32 to vector<256x32x64xf32>
    %max3A_101 = arith.maximumf %add3A_99, %max3A_100 : vector<256x32x64xf32>
    %reshape3A_102 = vector.shape_cast %max3A_101 : vector<256x32x64xf32> to vector<8192x64xf32>
    %get3A_103 = arith.constant 0 : index
    %get3A_104 = arith.constant 0 : index
    %get3A_105 = vector.load %arg9[%get3A_103, %get3A_104] : memref<64x64xf32, #tpu.memory_space<vmem>>, vector<64x64xf32>
    %dot_general3A_106 = arith.constant dense<0.000000e+00> : vector<8192x64xf32>
    %dot_general3A_107 = tpu.matmul %reshape3A_102, %get3A_105, %dot_general3A_106 {dimension_numbers = #tpu.dot_dimension_numbers<[1], [0], [0], [1], [0, 0, 1, 1], [], []>, transpose_lhs_hint = false} : vector<8192x64xf32>, vector<64x64xf32>, vector<8192x64xf32> -> vector<8192x64xf32>
    %get3A_108 = arith.constant 0 : index
    %get3A_109 = vector.load %arg10[%get3A_108] : memref<64xf32, #tpu.memory_space<vmem>>, vector<64xf32>
    %broadcast_in_dim3A_110 = vector.shape_cast %get3A_109 : vector<64xf32> to vector<1x64xf32>
    %add3A_111 = vector.broadcast %broadcast_in_dim3A_110 : vector<1x64xf32> to vector<8192x64xf32>
    %add3A_112 = arith.addf %dot_general3A_107, %add3A_111 : vector<8192x64xf32>
    %reshape3A_113 = vector.shape_cast %add3A_112 : vector<8192x64xf32> to vector<256x32x64xf32>
    %broadcast_in_dim3A_114 = vector.shape_cast %get3A_11 : vector<256x64xf32> to vector<256x1x64xf32>
    %reshape3A_115 = vector.shape_cast %dot_general3A_15 : vector<8192x64xf32> to vector<256x32x64xf32>
    %sub3A_116 = vector.broadcast %broadcast_in_dim3A_114 : vector<256x1x64xf32> to vector<256x32x64xf32>
    %sub3A_117 = arith.subf %sub3A_116, %reshape3A_115 : vector<256x32x64xf32>
    %add3A_118 = arith.addf %sub3A_117, %reshape3A_113 : vector<256x32x64xf32>
    %reshape3A_119 = vector.shape_cast %add3A_118 : vector<256x32x64xf32> to vector<8192x64xf32>
    %get3A_120 = arith.constant 0 : index
    %get3A_121 = arith.constant 0 : index
    %get3A_122 = vector.load %arg13[%get3A_120, %get3A_121] : memref<64x64xf32, #tpu.memory_space<vmem>>, vector<64x64xf32>
    %dot_general3A_123 = arith.constant dense<0.000000e+00> : vector<8192x64xf32>
    %dot_general3A_124 = tpu.matmul %reshape3A_119, %get3A_122, %dot_general3A_123 {dimension_numbers = #tpu.dot_dimension_numbers<[1], [0], [0], [1], [0, 0, 1, 1], [], []>, transpose_lhs_hint = false} : vector<8192x64xf32>, vector<64x64xf32>, vector<8192x64xf32> -> vector<8192x64xf32>
    %get3A_125 = arith.constant 0 : index
    %get3A_126 = vector.load %arg14[%get3A_125] : memref<64xf32, #tpu.memory_space<vmem>>, vector<64xf32>
    %broadcast_in_dim3A_127 = vector.shape_cast %get3A_126 : vector<64xf32> to vector<1x64xf32>
    %add3A_128 = vector.broadcast %broadcast_in_dim3A_127 : vector<1x64xf32> to vector<8192x64xf32>
    %add3A_129 = arith.addf %dot_general3A_124, %add3A_128 : vector<8192x64xf32>
    %get3A_130 = arith.constant 0 : index
    %get3A_131 = vector.load %arg15[%get3A_130] : memref<64xf32, #tpu.memory_space<vmem>>, vector<64xf32>
    %get3A_132 = arith.constant 0 : index
    %get3A_133 = vector.load %arg16[%get3A_132] : memref<64xf32, #tpu.memory_space<vmem>>, vector<64xf32>
    %reduce_sum3A_134 = arith.constant dense<0.000000e+00> : vector<8192xf32>
    %reduce_sum3A_135 = vector.multi_reduction <add>, %add3A_129, %reduce_sum3A_134 [1] : vector<8192x64xf32> to vector<8192xf32>
    %broadcast_in_dim3A_136 = vector.shape_cast %reduce_sum3A_135 : vector<8192xf32> to vector<8192x1xf32>
    %div3A_137 = arith.constant 6.400000e+01 : f32
    %div3A_138 = vector.broadcast %div3A_137 : f32 to vector<8192x1xf32>
    %div3A_139 = arith.divf %broadcast_in_dim3A_136, %div3A_138 : vector<8192x1xf32>
    %sub3A_140 = vector.broadcast %div3A_139 : vector<8192x1xf32> to vector<8192x64xf32>
    %sub3A_141 = arith.subf %add3A_129, %sub3A_140 : vector<8192x64xf32>
    %integer_pow3A_142 = arith.mulf %sub3A_141, %sub3A_141 : vector<8192x64xf32>
    %reduce_sum3A_143 = arith.constant dense<0.000000e+00> : vector<8192xf32>
    %reduce_sum3A_144 = vector.multi_reduction <add>, %integer_pow3A_142, %reduce_sum3A_143 [1] : vector<8192x64xf32> to vector<8192xf32>
    %broadcast_in_dim3A_145 = vector.shape_cast %reduce_sum3A_144 : vector<8192xf32> to vector<8192x1xf32>
    %div3A_146 = arith.constant 6.400000e+01 : f32
    %div3A_147 = vector.broadcast %div3A_146 : f32 to vector<8192x1xf32>
    %div3A_148 = arith.divf %broadcast_in_dim3A_145, %div3A_147 : vector<8192x1xf32>
    %sub3A_149 = vector.broadcast %div3A_139 : vector<8192x1xf32> to vector<8192x64xf32>
    %sub3A_150 = arith.subf %add3A_129, %sub3A_149 : vector<8192x64xf32>
    %add3A_151 = arith.constant 9.99999974E-6 : f32
    %add3A_152 = vector.broadcast %add3A_151 : f32 to vector<8192x1xf32>
    %add3A_153 = arith.addf %div3A_148, %add3A_152 : vector<8192x1xf32>
    %sqrt3A_154 = math.sqrt %add3A_153 : vector<8192x1xf32>
    %div3A_155 = vector.broadcast %sqrt3A_154 : vector<8192x1xf32> to vector<8192x64xf32>
    %div3A_156 = arith.divf %sub3A_150, %div3A_155 : vector<8192x64xf32>
    %broadcast_in_dim3A_157 = vector.shape_cast %get3A_131 : vector<64xf32> to vector<1x64xf32>
    %mul3A_158 = vector.broadcast %broadcast_in_dim3A_157 : vector<1x64xf32> to vector<8192x64xf32>
    %mul3A_159 = arith.mulf %div3A_156, %mul3A_158 : vector<8192x64xf32>
    %broadcast_in_dim3A_160 = vector.shape_cast %get3A_133 : vector<64xf32> to vector<1x64xf32>
    %add3A_161 = vector.broadcast %broadcast_in_dim3A_160 : vector<1x64xf32> to vector<8192x64xf32>
    %add3A_162 = arith.addf %mul3A_159, %add3A_161 : vector<8192x64xf32>
    %max3A_163 = arith.constant 0.000000e+00 : f32
    %max3A_164 = vector.broadcast %max3A_163 : f32 to vector<8192x64xf32>
    %max3A_165 = arith.maximumf %add3A_162, %max3A_164 : vector<8192x64xf32>
    %get3A_166 = arith.constant 0 : index
    %get3A_167 = arith.constant 0 : index
    %get3A_168 = vector.load %arg17[%get3A_166, %get3A_167] : memref<64x64xf32, #tpu.memory_space<vmem>>, vector<64x64xf32>
    %dot_general3A_169 = arith.constant dense<0.000000e+00> : vector<8192x64xf32>
    %dot_general3A_170 = tpu.matmul %max3A_165, %get3A_168, %dot_general3A_169 {dimension_numbers = #tpu.dot_dimension_numbers<[1], [0], [0], [1], [0, 0, 1, 1], [], []>, transpose_lhs_hint = false} : vector<8192x64xf32>, vector<64x64xf32>, vector<8192x64xf32> -> vector<8192x64xf32>
    %get3A_171 = arith.constant 0 : index
    %get3A_172 = vector.load %arg18[%get3A_171] : memref<64xf32, #tpu.memory_space<vmem>>, vector<64xf32>
    %broadcast_in_dim3A_173 = vector.shape_cast %get3A_172 : vector<64xf32> to vector<1x64xf32>
    %add3A_174 = vector.broadcast %broadcast_in_dim3A_173 : vector<1x64xf32> to vector<8192x64xf32>
    %add3A_175 = arith.addf %dot_general3A_170, %add3A_174 : vector<8192x64xf32>
    %reshape3A_176 = vector.shape_cast %add3A_175 : vector<8192x64xf32> to vector<256x32x64xf32>
    %mul3A_177 = arith.constant 0.353553385 : f32
    %mul3A_178 = vector.broadcast %mul3A_177 : f32 to vector<256x32x64xf32>
    %mul3A_179 = arith.mulf %reshape3A_176, %mul3A_178 : vector<256x32x64xf32>
    %reduce_max3A = arith.constant dense<0xFF800000> : vector<256x64xf32>
    %reduce_max3A_180 = vector.multi_reduction <maximumf>, %mul3A_179, %reduce_max3A [1] : vector<256x32x64xf32> to vector<256x64xf32>
    %broadcast_in_dim3A_181 = vector.shape_cast %reduce_max3A_180 : vector<256x64xf32> to vector<256x1x64xf32>
    %sub3A_182 = vector.broadcast %broadcast_in_dim3A_181 : vector<256x1x64xf32> to vector<256x32x64xf32>
    %sub3A_183 = arith.subf %mul3A_179, %sub3A_182 : vector<256x32x64xf32>
    %exp3A = math.exp %sub3A_183 : vector<256x32x64xf32>
    %reduce_sum3A_184 = arith.constant dense<0.000000e+00> : vector<256x64xf32>
    %reduce_sum3A_185 = vector.multi_reduction <add>, %exp3A, %reduce_sum3A_184 [1] : vector<256x32x64xf32> to vector<256x64xf32>
    %broadcast_in_dim3A_186 = vector.shape_cast %reduce_sum3A_185 : vector<256x64xf32> to vector<256x1x64xf32>
    %div3A_187 = vector.broadcast %broadcast_in_dim3A_186 : vector<256x1x64xf32> to vector<256x32x64xf32>
    %div3A_188 = arith.divf %exp3A, %div3A_187 : vector<256x32x64xf32>
    %reshape3A_189 = vector.shape_cast %dot_general3A_20 : vector<8192x64xf32> to vector<256x32x64xf32>
    %add3A_190 = arith.addf %reshape3A_189, %reshape3A_113 : vector<256x32x64xf32>
    %get3A_191 = arith.constant 0 : index
    %get3A_192 = vector.load %arg19[%get3A_191] : memref<64xf32, #tpu.memory_space<vmem>>, vector<64xf32>
    %broadcast_in_dim3A_193 = vector.shape_cast %get3A_192 : vector<64xf32> to vector<1x1x64xf32>
    %add3A_194 = vector.broadcast %broadcast_in_dim3A_193 : vector<1x1x64xf32> to vector<256x32x64xf32>
    %add3A_195 = arith.addf %add3A_190, %add3A_194 : vector<256x32x64xf32>
    %mul3A_196 = arith.mulf %div3A_188, %add3A_195 : vector<256x32x64xf32>
    %reduce_sum3A_197 = arith.constant dense<0.000000e+00> : vector<256x64xf32>
    %reduce_sum3A_198 = vector.multi_reduction <add>, %mul3A_196, %reduce_sum3A_197 [1] : vector<256x32x64xf32> to vector<256x64xf32>
    %get3A_199 = arith.constant 0 : index
    %get3A_200 = arith.constant 0 : index
    %get3A_201 = vector.load %arg20[%get3A_199, %get3A_200] : memref<64x64xf32, #tpu.memory_space<vmem>>, vector<64x64xf32>
    %dot_general3A_202 = arith.constant dense<0.000000e+00> : vector<256x64xf32>
    %dot_general3A_203 = tpu.matmul %reduce_sum3A_198, %get3A_201, %dot_general3A_202 {dimension_numbers = #tpu.dot_dimension_numbers<[1], [0], [0], [1], [0, 0, 1, 1], [], []>, transpose_lhs_hint = false} : vector<256x64xf32>, vector<64x64xf32>, vector<256x64xf32> -> vector<256x64xf32>
    %get3A_204 = arith.constant 0 : index
    %get3A_205 = vector.load %arg21[%get3A_204] : memref<64xf32, #tpu.memory_space<vmem>>, vector<64xf32>
    %broadcast_in_dim3A_206 = vector.shape_cast %get3A_205 : vector<64xf32> to vector<1x64xf32>
    %add3A_207 = vector.broadcast %broadcast_in_dim3A_206 : vector<1x64xf32> to vector<256x64xf32>
    %add3A_208 = arith.addf %dot_general3A_203, %add3A_207 : vector<256x64xf32>
    %get3A_209 = arith.constant 0 : index
    %get3A_210 = arith.constant 0 : index
    %get3A_211 = arith.constant 0 : index
    %get3A_212 = vector.load %arg4[%get3A_209, %get3A_210, %get3A_211] : memref<1x256x64xf32, #tpu.memory_space<vmem>>, vector<1x256x64xf32>
    %get3A_213 = vector.shape_cast %get3A_212 : vector<1x256x64xf32> to vector<256x64xf32>
    %add3A_214 = arith.addf %get3A_213, %add3A_208 : vector<256x64xf32>
    %get3A_215 = arith.constant 0 : index
    %get3A_216 = vector.load %arg22[%get3A_215] : memref<64xf32, #tpu.memory_space<vmem>>, vector<64xf32>
    %get3A_217 = arith.constant 0 : index
    %get3A_218 = vector.load %arg23[%get3A_217] : memref<64xf32, #tpu.memory_space<vmem>>, vector<64xf32>
    %reduce_sum3A_219 = arith.constant dense<0.000000e+00> : vector<256xf32>
    %reduce_sum3A_220 = vector.multi_reduction <add>, %add3A_214, %reduce_sum3A_219 [1] : vector<256x64xf32> to vector<256xf32>
    %broadcast_in_dim3A_221 = vector.shape_cast %reduce_sum3A_220 : vector<256xf32> to vector<256x1xf32>
    %div3A_222 = arith.constant 6.400000e+01 : f32
    %div3A_223 = vector.broadcast %div3A_222 : f32 to vector<256x1xf32>
    %div3A_224 = arith.divf %broadcast_in_dim3A_221, %div3A_223 : vector<256x1xf32>
    %sub3A_225 = vector.broadcast %div3A_224 : vector<256x1xf32> to vector<256x64xf32>
    %sub3A_226 = arith.subf %add3A_214, %sub3A_225 : vector<256x64xf32>
    %integer_pow3A_227 = arith.mulf %sub3A_226, %sub3A_226 : vector<256x64xf32>
    %reduce_sum3A_228 = arith.constant dense<0.000000e+00> : vector<256xf32>
    %reduce_sum3A_229 = vector.multi_reduction <add>, %integer_pow3A_227, %reduce_sum3A_228 [1] : vector<256x64xf32> to vector<256xf32>
    %broadcast_in_dim3A_230 = vector.shape_cast %reduce_sum3A_229 : vector<256xf32> to vector<256x1xf32>
    %div3A_231 = arith.constant 6.400000e+01 : f32
    %div3A_232 = vector.broadcast %div3A_231 : f32 to vector<256x1xf32>
    %div3A_233 = arith.divf %broadcast_in_dim3A_230, %div3A_232 : vector<256x1xf32>
    %sub3A_234 = vector.broadcast %div3A_224 : vector<256x1xf32> to vector<256x64xf32>
    %sub3A_235 = arith.subf %add3A_214, %sub3A_234 : vector<256x64xf32>
    %add3A_236 = arith.constant 9.99999974E-6 : f32
    %add3A_237 = vector.broadcast %add3A_236 : f32 to vector<256x1xf32>
    %add3A_238 = arith.addf %div3A_233, %add3A_237 : vector<256x1xf32>
    %sqrt3A_239 = math.sqrt %add3A_238 : vector<256x1xf32>
    %div3A_240 = vector.broadcast %sqrt3A_239 : vector<256x1xf32> to vector<256x64xf32>
    %div3A_241 = arith.divf %sub3A_235, %div3A_240 : vector<256x64xf32>
    %broadcast_in_dim3A_242 = vector.shape_cast %get3A_216 : vector<64xf32> to vector<1x64xf32>
    %mul3A_243 = vector.broadcast %broadcast_in_dim3A_242 : vector<1x64xf32> to vector<256x64xf32>
    %mul3A_244 = arith.mulf %div3A_241, %mul3A_243 : vector<256x64xf32>
    %broadcast_in_dim3A_245 = vector.shape_cast %get3A_218 : vector<64xf32> to vector<1x64xf32>
    %add3A_246 = vector.broadcast %broadcast_in_dim3A_245 : vector<1x64xf32> to vector<256x64xf32>
    %add3A_247 = arith.addf %mul3A_244, %add3A_246 : vector<256x64xf32>
    %get3A_248 = arith.constant 0 : index
    %get3A_249 = arith.constant 0 : index
    %get3A_250 = vector.load %arg24[%get3A_248, %get3A_249] : memref<64x13xf32, #tpu.memory_space<vmem>>, vector<64x13xf32>
    %dot_general3A_251 = arith.constant dense<0.000000e+00> : vector<256x13xf32>
    %dot_general3A_252 = tpu.matmul %add3A_247, %get3A_250, %dot_general3A_251 {dimension_numbers = #tpu.dot_dimension_numbers<[1], [0], [0], [1], [0, 0, 1, 1], [], []>, transpose_lhs_hint = false} : vector<256x64xf32>, vector<64x13xf32>, vector<256x13xf32> -> vector<256x13xf32>
    %get3A_253 = arith.constant 0 : index
    %get3A_254 = vector.load %arg25[%get3A_253] : memref<13xf32, #tpu.memory_space<vmem>>, vector<13xf32>
    %broadcast_in_dim3A_255 = vector.shape_cast %get3A_254 : vector<13xf32> to vector<1x13xf32>
    %add3A_256 = vector.broadcast %broadcast_in_dim3A_255 : vector<1x13xf32> to vector<256x13xf32>
    %add3A_257 = arith.addf %dot_general3A_252, %add3A_256 : vector<256x13xf32>
    %swap3A = arith.constant 0 : index
    %swap3A_258 = arith.constant 0 : index
    %swap3A_259 = arith.constant 0 : index
    %swap3A_260 = vector.load %arg26[%swap3A, %swap3A_258, %swap3A_259] : memref<1x256x13xf32, #tpu.memory_space<vmem>>, vector<1x256x13xf32>
    %swap3A_261 = vector.shape_cast %swap3A_260 : vector<1x256x13xf32> to vector<256x13xf32>
    %swap3A_262 = vector.shape_cast %add3A_257 : vector<256x13xf32> to vector<1x256x13xf32>
    tpu.vector_store %arg26[%swap3A, %swap3A_258, %swap3A_259], %swap3A_262 {strides = array<i32>} : memref<1x256x13xf32, #tpu.memory_space<vmem>>, vector<1x256x13xf32>,
    return
  }
  func.func @transform_0(%arg0: i32) -> (i32, i32) {
    %c0_i32 = arith.constant 0 : i32
    %c0_i32_0 = arith.constant 0 : i32
    return %arg0, %c0_i32 : i32, i32
  }
  func.func @transform_1(%arg0: i32) -> (i32, i32, i32) {
    %c0_i32 = arith.constant 0 : i32
    %c0_i32_0 = arith.constant 0 : i32
    %c0_i32_1 = arith.constant 0 : i32
    return %c0_i32, %arg0, %c0_i32_0 : i32, i32, i32
  }
  func.func @transform_2(%arg0: i32) -> (i32, i32, i32) {
    %c0_i32 = arith.constant 0 : i32
    %c0_i32_0 = arith.constant 0 : i32
    %c0_i32_1 = arith.constant 0 : i32
    return %c0_i32, %arg0, %c0_i32_0 : i32, i32, i32
  }
  func.func @transform_3(%arg0: i32) -> (i32, i32, i32) {
    %c0_i32 = arith.constant 0 : i32
    %c0_i32_0 = arith.constant 0 : i32
    %c0_i32_1 = arith.constant 0 : i32
    return %c0_i32, %arg0, %c0_i32_0 : i32, i32, i32
  }
  func.func @transform_4(%arg0: i32) -> (i32, i32) {
    %c0_i32 = arith.constant 0 : i32
    %c0_i32_0 = arith.constant 0 : i32
    %c0_i32_1 = arith.constant 0 : i32
    return %c0_i32, %c0_i32_0 : i32, i32
  }
  func.func @transform_5(%arg0: i32) -> (i32, i32) {
    %c0_i32 = arith.constant 0 : i32
    %c0_i32_0 = arith.constant 0 : i32
    %c0_i32_1 = arith.constant 0 : i32
    return %c0_i32, %c0_i32_0 : i32, i32
  }
  func.func @transform_6(%arg0: i32) -> (i32, i32) {
    %c0_i32 = arith.constant 0 : i32
    %c0_i32_0 = arith.constant 0 : i32
    %c0_i32_1 = arith.constant 0 : i32
    return %c0_i32, %c0_i32_0 : i32, i32
  }
  func.func @transform_7(%arg0: i32) -> i32 {
    %c0_i32 = arith.constant 0 : i32
    %c0_i32_0 = arith.constant 0 : i32
    return %c0_i32 : i32
  }
  func.func @transform_8(%arg0: i32) -> (i32, i32) {
    %c0_i32 = arith.constant 0 : i32
    %c0_i32_0 = arith.constant 0 : i32
    %c0_i32_1 = arith.constant 0 : i32
    return %c0_i32, %c0_i32_0 : i32, i32
  }
  func.func @transform_9(%arg0: i32) -> i32 {
    %c0_i32 = arith.constant 0 : i32
    %c0_i32_0 = arith.constant 0 : i32
    return %c0_i32 : i32
  }
  func.func @transform_10(%arg0: i32) -> i32 {
    %c0_i32 = arith.constant 0 : i32
    %c0_i32_0 = arith.constant 0 : i32
    return %c0_i32 : i32
  }
  func.func @transform_11(%arg0: i32) -> i32 {
    %c0_i32 = arith.constant 0 : i32
    %c0_i32_0 = arith.constant 0 : i32
    return %c0_i32 : i32
  }
  func.func @transform_12(%arg0: i32) -> (i32, i32) {
    %c0_i32 = arith.constant 0 : i32
    %c0_i32_0 = arith.constant 0 : i32
    %c0_i32_1 = arith.constant 0 : i32
    return %c0_i32, %c0_i32_0 : i32, i32
  }
  func.func @transform_13(%arg0: i32) -> i32 {
    %c0_i32 = arith.constant 0 : i32
    %c0_i32_0 = arith.constant 0 : i32
    return %c0_i32 : i32
  }
  func.func @transform_14(%arg0: i32) -> i32 {
    %c0_i32 = arith.constant 0 : i32
    %c0_i32_0 = arith.constant 0 : i32
    return %c0_i32 : i32
  }
  func.func @transform_15(%arg0: i32) -> i32 {
    %c0_i32 = arith.constant 0 : i32
    %c0_i32_0 = arith.constant 0 : i32
    return %c0_i32 : i32
  }
  func.func @transform_16(%arg0: i32) -> (i32, i32) {
    %c0_i32 = arith.constant 0 : i32
    %c0_i32_0 = arith.constant 0 : i32
    %c0_i32_1 = arith.constant 0 : i32
    return %c0_i32, %c0_i32_0 : i32, i32
  }
  func.func @transform_17(%arg0: i32) -> i32 {
    %c0_i32 = arith.constant 0 : i32
    %c0_i32_0 = arith.constant 0 : i32
    return %c0_i32 : i32
  }
  func.func @transform_18(%arg0: i32) -> i32 {
    %c0_i32 = arith.constant 0 : i32
    %c0_i32_0 = arith.constant 0 : i32
    return %c0_i32 : i32
  }
  func.func @transform_19(%arg0: i32) -> (i32, i32) {
    %c0_i32 = arith.constant 0 : i32
    %c0_i32_0 = arith.constant 0 : i32
    %c0_i32_1 = arith.constant 0 : i32
    return %c0_i32, %c0_i32_0 : i32, i32
  }
  func.func @transform_20(%arg0: i32) -> i32 {
    %c0_i32 = arith.constant 0 : i32
    %c0_i32_0 = arith.constant 0 : i32
    return %c0_i32 : i32
  }
  func.func @transform_21(%arg0: i32) -> i32 {
    %c0_i32 = arith.constant 0 : i32
    %c0_i32_0 = arith.constant 0 : i32
    return %c0_i32 : i32
  }
  func.func @transform_22(%arg0: i32) -> i32 {
    %c0_i32 = arith.constant 0 : i32
    %c0_i32_0 = arith.constant 0 : i32
    return %c0_i32 : i32
  }
  func.func @transform_23(%arg0: i32) -> (i32, i32) {
    %c0_i32 = arith.constant 0 : i32
    %c0_i32_0 = arith.constant 0 : i32
    %c0_i32_1 = arith.constant 0 : i32
    return %c0_i32, %c0_i32_0 : i32, i32
  }
  func.func @transform_24(%arg0: i32) -> i32 {
    %c0_i32 = arith.constant 0 : i32
    %c0_i32_0 = arith.constant 0 : i32
    return %c0_i32 : i32
  }
  func.func @transform_25(%arg0: i32) -> (i32, i32, i32) {
    %c0_i32 = arith.constant 0 : i32
    %c0_i32_0 = arith.constant 0 : i32
    %c0_i32_1 = arith.constant 0 : i32
    return %c0_i32, %arg0, %c0_i32_0 : i32, i32, i32
  }
}

</mosaic_0001>

<sc_bundles>
// kernel: kernel.11.cloned.1.call-start
scs
__scs_entry_jumppad:
0x0: {  	(pc) =	sbr.rel $0x88, $3  }
0x1: {  	(tag) =	ssettag $0x0;
	lr =	simm.s32 $0x1  }
0x2: {  	[smem:$0x3F84] =	sst lr;
	_ =	strace $0xD0000000  }
0x3: {  	_ = 	snop  }
0x4: {  	_ = 	snop  }
0x5: {  	_ = 	snop  }
0x6: {  	_ = 	snop  }
0x7: {  	_ = 	snop  }
__scs_overlays_trampoline_lowered:
0x8: {  	[smem:$0x3F93] =	sst s0  }
0x9: {  	[smem:$0x3F94] =	sst s1  }
0xa: {  	[smem:$0x3F95] =	sst s2  }
0xb: {  	[smem:$0x3F96] =	sst s3  }
0xc: {  	[smem:$0x3F97] =	sst s4  }
0xd: {  	[smem:$0x3F98] =	sst s5  }
0xe: {  	[smem:$0x3F99] =	sst s6  }
0xf: {  	[smem:$0x3F9A] =	sst s7  }
0x10: {  	[smem:$0x3F9B] =	sst s8  }
0x11: {  	[smem:$0x3F9C] =	sst s9;
	s0 =	simm.s32 @!p0 $0x0  }
0x12: {  	s1 =	sld [smem:$0x3F82];
	s0 =	simm.s32 @p0 $0x1  }
0x13: {  	[smem:$0x3F9D] =	sst s0;
	s0 =	simm.s32 @!p1 $0x0  }
0x14: {  	s2 =	sld [smem:$0x3F81];
	s0 =	simm.s32 @p1 $0x1  }
0x15: {  	[smem:$0x3F9E] =	sst s0;
	s0 =	simm.s32 @!p2 $0x0  }
0x16: {  	s3 =	sld [smem:$0x3FDB];
	s0 =	simm.s32 @p2 $0x1  }
0x17: {  	s4 =	simm.s32 $0x1BF5;
	[smem:$0x3FA0] =	sst s0  }
0x18: {  	s0 =	sld [smem:$0x3F83];
	_ =	swait.ge [sflag:s4], $0x0  }
0x19: {  	s7 =	sld [smem:$0x3F84]  }
0x1a: {  	s8 =	sadd.s32 $0xFFFFE003, lr  }
0x1b: {  	s9 =	sadd.s32 $0xFFFFFEF7, lr;
	s5 =	simm.s32 $0xFFFFFFFF;
	p2 =	slt.u32 s8, $0xFFFFF086  }
0x1c: {  	p1 =	slt.u32 s9, $0xF7A;
	s5 =	simm.s32 @!p2 $0x0  }
0x1d: {  	s5 =	simm.s32 @p1 $0x1;
	p0 =	seq.s32 s7, s2  }
0x1e: {  	s7 =	smul.u32 @!p0 $0xF7A, s2;
	p2 =	seq.s32 @!p0 s5, $0x0  }
0x1f: {  	s9 =	smul.u32 $0xF7A, s1;
	s8 =	simm.s32 @!p0 $0x1BF5;
	p2 =	por !p2, p0  }
0x20: {  	[sflag:s8] =	ssyncset.s32 @!p0 $0xFFFFF086;
	s6 =	sadd.s32 @!p0 s3, s7;
	s7 =	simm.s32 @!p0 $0x108  }
0x21: {  	s3 =	sadd.s32 s3, s9;
	s6 =	sadd.s32 @!p0 $0x88, s6;
	s7 =	simm.s32 @p2 $0x1082  }
0x22: {  	[simem:s7], [sflag:s8] =	dma.local @!p0 [hbm:s6], $0xF7A  }
0x23: {  	s9 =	sor.u32 $0xD0000000, s2;
	s6 =	simm.s32 $0x108;
	_ =	swait.ge @!p0 [sflag:s8], $0x0  }
0x24: {  	s3 =	sadd.s32 $0x88, s3;
	s6 =	simm.s32 @!p1 $0x1082;
	[sflag:s4] =	ssyncset.s32 $0xFFFFF086  }
0x25: {  	[simem:s6], [sflag:s4] =	dma.local [hbm:s3], $0xF7A  }
0x26: {  	[smem:$0x3F84] =	sst s1;
	(tag) =	ssettag s2;
	_ =	strace s9  }
0x27: {  	s1 =	sld [smem:$0x3F94]  }
0x28: {  	s2 =	sld [smem:$0x3F95]  }
0x29: {  	s4 =	sld [smem:$0x3F97]  }
0x2a: {  	p0 =	seq.s32 s5, $0x0;
	s5 =	sld [smem:$0x3F98]  }
0x2b: {  	s6 =	sld [smem:$0x3F99]  }
0x2c: {  	s7 =	sld [smem:$0x3F9A]  }
0x2d: {  	s3 =	simm.s32 $0x108;
	s8 =	sld [smem:$0x3F9B]  }
0x2e: {  	s3 =	simm.s32 @!p0 $0x1082;
	s9 =	sld [smem:$0x3F9C]  }
0x2f: {  	lr =	sadd.s32 s0, s3;
	s0 =	sld [smem:$0x3F93]  }
0x30: {  	s3 =	sld [smem:$0x3F96]  }
0x31: {  	[smem:$0x3F9F] =	sst s10  }
0x32: {  	s10 =	sld [smem:$0x3F9D];
	_ =	sdelay $0x3  }
0x33: {  	p0 =	seq.s32 s10, $0x1;
	s10 =	sld [smem:$0x3F9F];
	_ =	sdelay $0x3  }
0x34: {  	[smem:$0x3F9F] =	sst s10  }
0x35: {  	s10 =	sld [smem:$0x3F9E];
	_ =	sdelay $0x3  }
0x36: {  	p1 =	seq.s32 s10, $0x1;
	s10 =	sld [smem:$0x3F9F];
	_ =	sdelay $0x3  }
0x37: {  	[smem:$0x3F9F] =	sst s10  }
0x38: {  	s10 =	sld [smem:$0x3FA0]  }
0x39: {  	_ = 	snop;
	(pc) =	sbr.ind lr, $3  }
0x3a: {  	_ = 	snop  }
0x3b: {  	_ = 	snop  }
0x3c: {  	p2 =	seq.s32 s10, $0x1;
	s10 =	sld [smem:$0x3F9F]  }
0x3d: {  	_ =	shalt  }
0x3e: {  	_ =	shalt  }
0x3f: {  	_ =	shalt  }
0x40: {  	_ =	shalt  }
0x41: {  	_ =	shalt  }
0x42: {  	_ =	shalt  }
0x43: {  	_ =	shalt  }
0x44: {  	_ =	shalt  }
0x45: {  	_ =	shalt  }
0x46: {  	_ =	shalt  }
0x47: {  	_ =	shalt  }
0x48: {  	_ =	shalt  }
0x49: {  	_ =	shalt  }
0x4a: {  	_ =	shalt  }
0x4b: {  	_ =	shalt  }
0x4c: {  	_ =	shalt  }
0x4d: {  	_ =	shalt  }
0x4e: {  	_ =	shalt  }
0x4f: {  	_ =	shalt  }
0x50: {  	_ =	shalt  }
0x51: {  	_ =	shalt  }
0x52: {  	_ =	shalt  }
0x53: {  	_ =	shalt  }
0x54: {  	_ =	shalt  }
0x55: {  	_ =	shalt  }
0x56: {  	_ =	shalt  }
0x57: {  	_ =	shalt  }
0x58: {  	_ =	shalt  }
0x59: {  	_ =	shalt  }
0x5a: {  	_ =	shalt  }
0x5b: {  	_ =	shalt  }
0x5c: {  	_ =	shalt  }
0x5d: {  	_ =	shalt  }
0x5e: {  	_ =	shalt  }
0x5f: {  	_ =	shalt  }
0x60: {  	_ =	shalt  }
0x61: {  	_ =	shalt  }
0x62: {  	_ =	shalt  }
0x63: {  	_ =	shalt  }
0x64: {  	_ =	shalt  }
0x65: {  	_ =	shalt  }
0x66: {  	_ =	shalt  }
0x67: {  	_ =	shalt  }
0x68: {  	_ =	shalt  }
0x69: {  	_ =	shalt  }
0x6a: {  	_ =	shalt  }
0x6b: {  	_ =	shalt  }
0x6c: {  	_ =	shalt  }
0x6d: {  	_ =	shalt  }
0x6e: {  	_ =	shalt  }
0x6f: {  	_ =	shalt  }
0x70: {  	_ =	shalt  }
0x71: {  	_ =	shalt  }
0x72: {  	_ =	shalt  }
0x73: {  	_ =	shalt  }
0x74: {  	_ =	shalt  }
0x75: {  	_ =	shalt  }
0x76: {  	_ =	shalt  }
0x77: {  	_ =	shalt  }
0x78: {  	_ =	shalt  }
0x79: {  	_ =	shalt  }
0x7a: {  	_ =	shalt  }
0x7b: {  	_ =	shalt  }
0x7c: {  	_ =	shalt  }
0x7d: {  	_ =	shalt  }
0x7e: {  	_ =	shalt  }
0x7f: {  	_ =	shalt  }
0x80: {  	_ =	shalt  }
0x81: {  	_ =	shalt  }
0x82: {  	_ =	shalt  }
0x83: {  	_ =	shalt  }
0x84: {  	_ =	shalt  }
0x85: {  	_ =	shalt  }
0x86: {  	_ =	shalt  }
0x87: {  	_ =	shalt  }
.Lfunc_end0:
.L_simem_size_0:
called_computation_lowered:
.L_overlay_start_0:
0x88: {  	s2 =	sld [smem:$0x3FD9]  }
0x89: {  	s3 =	sld [smem:$0x3FFE];
	_ =	sdelay $0x1  }
0x8a: {  	s1 =	srdreg.scid  }
0x8b: {  	s0 =	sand.u32 $0x1, s1  }
0x8c: {  	s17 =	sshll.u32 s0, $0xA;
	s2 =	sadd.s32 s3, s2  }
0x8d: {  	s2 =	sadd.s32 s2, s17  }
0x8e: {  	[smem:$0x3FAB] =	sst s2  }
0x8f: {  	_ = 	snop  }
0x90: {  	(tm) =	ssettm $0x1  }
0x91: {  	s18 =	sld [smem:$0x3FFB];
	_ =	sdelay $0x3  }
0x92: {  	_ =	strace s18  }
0x93: {  	s2 =	sld [smem:$0x3FFC];
	_ =	sdelay $0x3  }
0x94: {  	_ =	strace s2  }
0x95: {  	s2 =	sld [smem:$0x3FFD];
	_ =	sdelay $0x3  }
0x96: {  	_ =	strace s2  }
0x97: {  	_ =	strace $0x8FFFFFFF  }
0x98: {  	s19 =	sld [smem:$0x3FDB];
	_ =	sdelay $0x1  }
0x99: {  	s20 =	simm.s32 $_scs_section_size  }
0x9a: {  	s4 =	simm.s32 $_size__tile_overlayer_lowered;
	s5 =	simm.s32 $_tile_overlayer_lowered  }
0x9b: {  	s6 =	simm.s32 $0x1BFF;
	s21 =	sshll.u32 s5, $0x1;
	s3 =	sadd.s32 s20, s19  }
0x9c: {  	s22 =	simm.s32 $0x0;
	s4 =	sshll.u32 s4, $0x1;
	s5 =	sadd.s32 s21, s3  }
0x9d: {  	[timem:s22], [sflag:s6] =	dma.local [hbm:s5], s4  }
0x9e: {  	_ =	swait.ge [sflag:s6], s4  }
0x9f: {  	s4 =	ssub.s32 $0x0, s4;
	[sflag:s6] =	ssyncset.done $0x0  }
0xa0: {  	[sflag:s6] =	ssyncadd.s32 s4;
	_ =	sdelay $0x1  }
0xa1: {  	s23 =	simm.s32 $0x1B8B  }
0xa2: {  	_ =	swait.ge [sflag:s23], $0x1  }
0xa3: {  	[sflag:s23] =	ssyncset.done $0x0  }
0xa4: {  	[sflag:s23] =	ssyncadd.s32 $0xFFFFFFFF  }
0xa5: {  	s4 =	sld [smem:$0x0]  }
0xa6: {  	s5 =	sand.u32 $0xFFFFFFFE, s1  }
0xa7: {  	p0 =	sne.s32 s1, s5  }
0xa8: {  	s5 =	sshll.u32 @p0 s5, $0xE  }
0xa9: {  	s5 =	sadd.s32 @p0 $0x11B8D, s5;
	s6 =	sshll.u32 @p0 s4, $0x11  }
0xaa: {  	s5 =	sor.u32 @p0 s6, s5  }
0xab: {  	[sflag:s5] =	ssyncadd.remote.s32 @p0 $0x1;
	_ =	sdelay $0x1  }
0xac: {  	s5 =	simm.s32 @p0 $0x1B8D  }
0xad: {  	_ =	swait.eq @p0 [sflag:s5], $0x1  }
0xae: {  	[sflag:s5] =	ssyncadd.s32 @p0 $0xFFFFFFFF  }
0xaf: {  	s6 =	sshll.u32 @!p0 s1, $0xE  }
0xb0: {  	s6 =	sor.u32 @!p0 $0x4000, s6;
	s5 =	simm.s32 @!p0 $0x1B8D  }
0xb1: {  	s4 =	sshll.u32 @!p0 s4, $0x11;
	s6 =	sadd.s32 @!p0 $0x11B8D, s6;
	_ =	swait.eq @!p0 [sflag:s5], $0x1  }
0xb2: {  	s4 =	sor.u32 @!p0 s4, s6;
	[sflag:s5] =	ssyncadd.s32 @!p0 $0xFFFFFFFF  }
0xb3: {  	s25 =	simm.s32 $0x1B8E;
	s24 =	sld [smem:$0x3FFE];
	[sflag:s4] =	ssyncadd.remote.s32 @!p0 $0x1  }
0xb4: {  	s26 =	simm.s32 $execute0_lowered;
	[smem:$0x3FD2] =	sst s25  }
0xb5: {  	s5 =	sshll.u32 s26, $0x1;
	_ =	strace $0x8000004F;
	[dreg:$0x1] =	wrdreg $0xFFFFFFFF  }
0xb6: {  	s28 =	simm.s32 $_size_execute0_lowered;
	s3 =	sadd.s32 s3, s5;
	[dreg:$0x0] =	wrdreg $0x0  }
0xb7: {  	s5 =	sshll.u32 s28, $0x1;
	[dreg:$0x2] =	wrdreg s3  }
0xb8: {  	[dreg:$0x3] =	wrdreg s5  }
0xb9: {  	[dreg:$0x4] =	wrdreg $0xC0  }
0xba: {  	_ =	task [dreg:s22], $0x5FFFF  }
0xbb: {  	[dreg:$0x1] =	wrdreg $0xFFFFFFFF  }
0xbc: {  	[dreg:$0x0] =	wrdreg $0x60  }
0xbd: {  	[dreg:$0x2] =	wrdreg s24  }
0xbe: {  	[dreg:$0x3] =	wrdreg $0x9  }
0xbf: {  	_ =	task.clear_ibuf [dreg:s22], $0x4FFFF;
	_ =	strace $0x9000004F  }
0xc0: {  	s29 =	simm.s32 $0x9;
	_ =	strace $0x80000051  }
0xc1: {  	_ =	swait.ge [sflag:s29], $0x1  }
0xc2: {  	[sflag:s29] =	ssyncadd.s32 $0xFFFFFFFF  }
0xc3: {  	_ =	strace $0x90000051  }
0xc4: {  	_ =	sfence  }
0xc5: {  	s30 =	sld [smem:$0x0];
	_ =	sdelay $0x2  }
0xc6: {  	s31 =	sshll.u32 s1, $0xD;
	s1 =	sshrl.u32 s1, $0x2  }
0xc7: {  	s4 =	sand.u32 $0x4000, s31;
	s1 =	sadd.s32 s1, s30  }
0xc8: {  	s0 =	sor.u32 s4, s0;
	s1 =	sshll.u32 s1, $0x11  }
0xc9: {  	s0 =	sor.u32 s1, s0  }
0xca: {  	s0 =	sadd.s32 $0x8F2B, s0  }
0xcb: {  	[sflag:s0] =	ssyncadd.remote.s32 $0x1  }
0xcc: {  	_ =	sfence.sel $0xFFFF  }
0xcd: {  	[dreg:$0x0] =	wrdreg $0xFFFFFFFF;
	(pc) =	sbr.abs _section_cstart, $3  }
0xce: {  	[dreg:$0x1] =	wrdreg $0xFFFFFFFF  }
0xcf: {  	_ =	task.clear_ibuf [dreg:s22], $0x2FFFF;
	_ =	strace $0x9FFFFFFF  }
0xd0: {  	(tm) =	ssettm $0x7FFFFFFF  }
0xd1: {  	_ =	shalt  }
tec
execute0_lowered:
.L_overlay_start_1:
0x0: {  	(tag) =	ssettag $0x1  }
0x1: {  	s4 =	rddreg [dreg:$0x0]  }
0x2: {  	s0 =	rddreg [dreg:$0x1];
	s1 =	simm.s32 $0x0  }
0x3: {  	s5 =	srdreg.scid;
	s2 =	stileid.u32;
	s15 =	simm.s32 $0x4100  }
0x4: {  	s16 =	simm.s32 $0x1;
	s17 =	simm.s32 $0x2;
	s18 =	simm.s32 $0x0  }
0x5: {  	[smem:$0x7FF] =	sst s1;
	s3 =	sadd.s32 $0x7DE00, s4;
	s11 =	sadd.s32 $0x389E00, s4  }
0x6: {  	s10 =	sand.u32 $0x1, s5;
	s29 =	sshll.u32 s2, $0xC;
	s12 =	sadd.s32 $0x38BE00, s4  }
0x7: {  	s14 =	sshll.u32 s2, $0x10;
	_ =	strace $0x80000050;
	s6 =	sshll.u32 s10, $0xB  }
0x8: {  	s30 =	ssub.s32 $0x2, s10;
	s10 =	sshll.u32 s10, $0xF;
	s13 =	sor.u32 s6, s29  }
0x9: {  	s31 =	sshrl.u32 s30, $0x1;
	s6 =	sshrl.u32 s13, $0x3;
	s7 =	sshll.u32 s13, $0x4  }
0xa: {  	s5 =	ssub.s32 s30, s31;
	s9 =	sor.u32 $0x100, s13;
	s13 =	sor.u32 $0x80, s13  }
0xb: {  	s4 =	sadd.s32 s11, s6;
	s8 =	sadd.s32 s12, s7;
	s5 =	smax.u32 s5, $0x1  }
0xc: {  	s9 =	sshrl.u32 s9, $0x3;
	s12 =	sadd.s32 s14, s12;
	s13 =	sshrl.u32 s13, $0x3  }
0xd: {  	s14 =	simm.s32 $0x100;
	s6 =	sadd.s32 $0xF0, s4;
	s7 =	sadd.s32 $0x7000, s8  }
0xe: {  	s8 =	sadd.s32 $0x7800, s8;
	s9 =	sadd.s32 s9, s11;
	s10 =	sadd.s32 s10, s12  }
0xf: {  	s11 =	sadd.s32 s13, s11;
	s12 =	simm.s32 $0x3;
	s13 =	simm.s32 $0x80  }
.LBB2_1:
0x10: {  	[tilespmem:s1], [sflag:$0x3] =	stream.linear.gather [hbm4b:s4+s1], $0x80, $0x38;
	[tilespmem:$0x8100] =	vst v63  }
0x11: {  	_ =	swait.ge [sflag:s12], $0x80  }
0x12: {  	[sflag:s12] =	ssyncset.done $0x0  }
0x13: {  	[sflag:s12] =	ssyncadd.s32 $0xFFFFFF80  }
0x14: {  	[tilespmem:s14], [sflag:$0x1] =	stream.indirect.gather [hbm4b:s3+s13], $0x80, s1, s13, $0xb8;
	[tilespmem:$0x8100] =	vst v63  }
0x15: {  	s19 =	sadd.s32 $0x0, s11  }
0x16: {  	[tilespmem:s13], [sflag:$0x3] =	stream.linear.gather [hbm4b:s19+s1], $0x80, $0x38;
	[tilespmem:$0x8100] =	vst v63  }
0x17: {  	_ =	swait.ge [sflag:s12], $0x80  }
0x18: {  	[sflag:s12] =	ssyncset.done $0x0  }
0x19: {  	[sflag:s12] =	ssyncadd.s32 $0xFFFFFF80  }
0x1a: {  	[tilespmem:s15], [sflag:$0x2] =	stream.indirect.gather [hbm4b:s3+s13], $0x80, s13, s13, $0xb8;
	[tilespmem:$0x8100] =	vst v63  }
0x1b: {  	_ =	swait.ge [sflag:s16], $0x4000  }
0x1c: {  	[sflag:s16] =	ssyncset.done $0x0  }
0x1d: {  	[sflag:s16] =	ssyncadd.s32 $0xFFFFC000  }
0x1e: {  	[hbm4b:s10+s1] =	stream.linear.scatter [tilespmem:s14], [sflag:$0x3], $0x4000, $0x38;
	[tilespmem:$0x8100] =	vst v63  }
0x1f: {  	_ =	swait.ge [sflag:s12], $0x4000  }
0x20: {  	[sflag:s12] =	ssyncset.done $0x0  }
0x21: {  	s30 =	sadd.s32 $0x0, s9;
	[sflag:s12] =	ssyncadd.s32 $0xFFFFC000  }
0x22: {  	[tilespmem:s1], [sflag:$0x3] =	stream.linear.gather [hbm4b:s30+s1], $0x80, $0x38;
	[tilespmem:$0x8100] =	vst v63  }
0x23: {  	_ =	swait.ge [sflag:s12], $0x80  }
0x24: {  	[sflag:s12] =	ssyncset.done $0x0  }
0x25: {  	[sflag:s12] =	ssyncadd.s32 $0xFFFFFF80  }
0x26: {  	[tilespmem:s14], [sflag:$0x1] =	stream.indirect.gather [hbm4b:s3+s13], $0x80, s1, s13, $0xb8;
	[tilespmem:$0x8100] =	vst v63  }
0x27: {  	_ =	swait.ge [sflag:s17], $0x4000  }
0x28: {  	[sflag:s17] =	ssyncset.done $0x0  }
0x29: {  	s31 =	sadd.s32 $0x800, s10;
	[sflag:s17] =	ssyncadd.s32 $0xFFFFC000  }
0x2a: {  	[hbm4b:s31+s1] =	stream.linear.scatter [tilespmem:s15], [sflag:$0x3], $0x4000, $0x38;
	[tilespmem:$0x8100] =	vst v63  }
0x2b: {  	s20 =	simm.s32 $0x20;
	_ =	swait.ge [sflag:s12], $0x4000  }
0x2c: {  	s21 =	simm.s32 $0x40;
	s19 =	sadd.s32 $0x1000, s10;
	[sflag:s12] =	ssyncset.done $0x0  }
.LBB2_2:
0x2d: {  	s22 =	sadd.s32 s20, s11  }
0x2e: {  	[sflag:s12] =	ssyncadd.s32 $0xFFFFC000;
	s23 =	smov.u32 s21;
	s24 =	sadd.s32 $0x20, s21  }
0x2f: {  	[tilespmem:s13], [sflag:$0x3] =	stream.linear.gather [hbm4b:s22+s1], $0x80, $0x38;
	[tilespmem:$0x8100] =	vst v63  }
0x30: {  	p0 =	sne.s32 s21, $0xC0;
	_ =	swait.ge [sflag:s12], $0x80  }
0x31: {  	[sflag:s12] =	ssyncset.done $0x0  }
0x32: {  	[sflag:s12] =	ssyncadd.s32 $0xFFFFFF80  }
0x33: {  	[tilespmem:s15], [sflag:$0x2] =	stream.indirect.gather [hbm4b:s3+s13], $0x80, s13, s13, $0xb8;
	[tilespmem:$0x8100] =	vst v63  }
0x34: {  	_ =	swait.ge [sflag:s16], $0x4000  }
0x35: {  	[sflag:s16] =	ssyncset.done $0x0  }
0x36: {  	[sflag:s16] =	ssyncadd.s32 $0xFFFFC000  }
0x37: {  	[hbm4b:s19+s1] =	stream.linear.scatter [tilespmem:s14], [sflag:$0x3], $0x4000, $0x38;
	[tilespmem:$0x8100] =	vst v63  }
0x38: {  	_ =	swait.ge [sflag:s12], $0x4000  }
0x39: {  	[sflag:s12] =	ssyncset.done $0x0  }
0x3a: {  	s21 =	sadd.s32 s20, s9;
	s20 =	smov.u32 s23;
	[sflag:s12] =	ssyncadd.s32 $0xFFFFC000  }
0x3b: {  	[tilespmem:s1], [sflag:$0x3] =	stream.linear.gather [hbm4b:s21+s1], $0x80, $0x38;
	[tilespmem:$0x8100] =	vst v63  }
0x3c: {  	_ =	swait.ge [sflag:s12], $0x80  }
0x3d: {  	[sflag:s12] =	ssyncset.done $0x0  }
0x3e: {  	[sflag:s12] =	ssyncadd.s32 $0xFFFFFF80  }
0x3f: {  	[tilespmem:s14], [sflag:$0x1] =	stream.indirect.gather [hbm4b:s3+s13], $0x80, s1, s13, $0xb8;
	[tilespmem:$0x8100] =	vst v63  }
0x40: {  	_ =	swait.ge [sflag:s17], $0x4000  }
.Ltmp0:
0x41: {  	[sflag:s17] =	ssyncset.done $0x0;
	(pc) =	sbr.rel @p0 .LBB2_2-.Ltmp0, $4  }
0x42: {  	s21 =	sadd.s32 $0x800, s19;
	[sflag:s17] =	ssyncadd.s32 $0xFFFFC000  }
0x43: {  	[hbm4b:s21+s1] =	stream.linear.scatter [tilespmem:s15], [sflag:$0x3], $0x4000, $0x38;
	[tilespmem:$0x8100] =	vst v63  }
0x44: {  	_ =	swait.ge [sflag:s12], $0x4000  }
0x45: {  	s19 =	sadd.s32 $0x1000, s19;
	s21 =	smov.u32 s24;
	[sflag:s12] =	ssyncset.done $0x0  }
0x46: {  	s21 =	sadd.s32 s20, s11;
	[sflag:s12] =	ssyncadd.s32 $0xFFFFC000  }
0x47: {  	[tilespmem:s13], [sflag:$0x3] =	stream.linear.gather [hbm4b:s21+s1], $0x80, $0x38;
	[tilespmem:$0x8100] =	vst v63  }
0x48: {  	_ =	swait.ge [sflag:s12], $0x80  }
0x49: {  	[sflag:s12] =	ssyncset.done $0x0  }
0x4a: {  	[sflag:s12] =	ssyncadd.s32 $0xFFFFFF80  }
0x4b: {  	[tilespmem:s15], [sflag:$0x2] =	stream.indirect.gather [hbm4b:s3+s13], $0x80, s13, s13, $0xb8;
	[tilespmem:$0x8100] =	vst v63  }
0x4c: {  	_ =	swait.ge [sflag:s16], $0x4000  }
0x4d: {  	[sflag:s16] =	ssyncset.done $0x0  }
0x4e: {  	[sflag:s16] =	ssyncadd.s32 $0xFFFFC000  }
0x4f: {  	[hbm4b:s19+s1] =	stream.linear.scatter [tilespmem:s14], [sflag:$0x3], $0x4000, $0x38;
	[tilespmem:$0x8100] =	vst v63  }
0x50: {  	_ =	swait.ge [sflag:s12], $0x4000  }
0x51: {  	[sflag:s12] =	ssyncset.done $0x0  }
0x52: {  	s30 =	sadd.s32 s20, s9;
	[sflag:s12] =	ssyncadd.s32 $0xFFFFC000  }
0x53: {  	[tilespmem:s1], [sflag:$0x3] =	stream.linear.gather [hbm4b:s30+s1], $0x80, $0x38;
	[tilespmem:$0x8100] =	vst v63  }
0x54: {  	_ =	swait.ge [sflag:s12], $0x80  }
0x55: {  	[sflag:s12] =	ssyncset.done $0x0  }
0x56: {  	[sflag:s12] =	ssyncadd.s32 $0xFFFFFF80  }
0x57: {  	[tilespmem:s14], [sflag:$0x1] =	stream.indirect.gather [hbm4b:s3+s13], $0x80, s1, s13, $0xb8;
	[tilespmem:$0x8100] =	vst v63  }
0x58: {  	_ =	swait.ge [sflag:s17], $0x4000  }
0x59: {  	[sflag:s17] =	ssyncset.done $0x0  }
0x5a: {  	s31 =	sadd.s32 $0x800, s19;
	[sflag:s17] =	ssyncadd.s32 $0xFFFFC000  }
0x5b: {  	[hbm4b:s31+s1] =	stream.linear.scatter [tilespmem:s15], [sflag:$0x3], $0x4000, $0x38;
	[tilespmem:$0x8100] =	vst v63  }
0x5c: {  	_ =	swait.ge [sflag:s12], $0x4000  }
0x5d: {  	[sflag:s12] =	ssyncset.done $0x0  }
0x5e: {  	[sflag:s12] =	ssyncadd.s32 $0xFFFFC000  }
0x5f: {  	[tilespmem:s13], [sflag:$0x3] =	stream.linear.gather [hbm4b:s6+s1], $0x80, $0x38;
	[tilespmem:$0x8100] =	vst v63  }
0x60: {  	_ =	swait.ge [sflag:s12], $0x80  }
0x61: {  	[sflag:s12] =	ssyncset.done $0x0  }
0x62: {  	[sflag:s12] =	ssyncadd.s32 $0xFFFFFF80  }
0x63: {  	[tilespmem:s15], [sflag:$0x2] =	stream.indirect.gather [hbm4b:s3+s13], $0x80, s13, s13, $0xb8;
	[tilespmem:$0x8100] =	vst v63  }
0x64: {  	_ =	swait.ge [sflag:s16], $0x4000  }
0x65: {  	[sflag:s16] =	ssyncset.done $0x0  }
0x66: {  	[sflag:s16] =	ssyncadd.s32 $0xFFFFC000  }
0x67: {  	[hbm4b:s7+s1] =	stream.linear.scatter [tilespmem:s14], [sflag:$0x3], $0x4000, $0x38;
	[tilespmem:$0x8100] =	vst v63  }
0x68: {  	_ =	swait.ge [sflag:s12], $0x4000  }
0x69: {  	[sflag:s12] =	ssyncset.done $0x0  }
0x6a: {  	[sflag:s12] =	ssyncadd.s32 $0xFFFFC000  }
0x6b: {  	s18 =	sadd.s32 $0x1, s18;
	_ =	swait.ge [sflag:s17], $0x4000  }
0x6c: {  	p0 =	sne.s32 s18, s5;
	[sflag:s17] =	ssyncset.done $0x0  }
.Ltmp1:
0x6d: {  	[sflag:s17] =	ssyncadd.s32 $0xFFFFC000;
	(pc) =	sbr.rel @p0 .LBB2_1-.Ltmp1, $4  }
0x6e: {  	[hbm4b:s8+s1] =	stream.linear.scatter [tilespmem:s15], [sflag:$0x3], $0x4000, $0x38;
	[tilespmem:$0x8100] =	vst v63  }
0x6f: {  	_ =	swait.ge [sflag:s12], $0x4000  }
0x70: {  	[sflag:s12] =	ssyncset.done $0x0  }
0x71: {  	[sflag:s12] =	ssyncadd.s32 $0xFFFFC000  }
0x72: {  	_ =	sfence.sel $0x180000  }
0x73: {  	[bflag:$0x0] =	sbarrier.arrive $0xFFFF  }
0x74: {  	p0 =	sne.s32 s2, $0x0;
	_ =	strace $0x90000050  }
0x75: {  	s0 =	sadd.s32 @!p0 $0x100000, s0;
	[bflag:$0x2] =	sbarrier.arrive $0xFFFF  }
0x76: {  	[sflag:s0] =	ssyncadd.tile.s32 @!p0 $0x1;
	_ =	shalt  }
.Lfunc_end2:
_tile_overlayer_lowered:
.L_overlay_start_2:
0x77: {  	(tag) =	ssettag $0x2  }
0x78: {  	s0 =	rddreg [dreg:$0x0];
	s2 =	stileid.u32  }
0x79: {  	s1 =	rddreg [dreg:$0x1];
	p0 =	sne.s32 s2, $0x0  }
0x7a: {  	s3 =	rddreg [dreg:$0x2];
	[bflag:$0x3] =	sbarrier.arrive $0xFFFF;
	s2 =	simm.s32 @!p0 $0x1C03  }
0x7b: {  	[timem:s3], [sflag:s2] =	dma.local @!p0 [hbm:s0], s1  }
0x7c: {  	s0 =	simm.s32 @!p0 $0x3  }
0x7d: {  	_ =	swait.ge @!p0 [sflag:s0], s1  }
0x7e: {  	s1 =	ssub.s32 @!p0 $0x0, s1;
	[sflag:s0] =	ssyncset.done @!p0 $0x0  }
0x7f: {  	[sflag:s0] =	ssyncadd.s32 @!p0 s1  }
0x80: {  	[bflag:$0x3] =	sbarrier.arrive $0xFFFF  }
0x81: {  	_ =	shalt  }

// kernel: kernel.14.cloned.1.call-start
scs
__scs_entry_jumppad:
0x0: {  	(pc) =	sbr.rel $0x88, $3  }
0x1: {  	(tag) =	ssettag $0x0;
	lr =	simm.s32 $0x1  }
0x2: {  	[smem:$0x3F84] =	sst lr;
	_ =	strace $0xD0000000  }
0x3: {  	_ = 	snop  }
0x4: {  	_ = 	snop  }
0x5: {  	_ = 	snop  }
0x6: {  	_ = 	snop  }
0x7: {  	_ = 	snop  }
__scs_overlays_trampoline_lowered:
0x8: {  	[smem:$0x3F93] =	sst s0  }
0x9: {  	[smem:$0x3F94] =	sst s1  }
0xa: {  	[smem:$0x3F95] =	sst s2  }
0xb: {  	[smem:$0x3F96] =	sst s3  }
0xc: {  	[smem:$0x3F97] =	sst s4  }
0xd: {  	[smem:$0x3F98] =	sst s5  }
0xe: {  	[smem:$0x3F99] =	sst s6  }
0xf: {  	[smem:$0x3F9A] =	sst s7  }
0x10: {  	[smem:$0x3F9B] =	sst s8  }
0x11: {  	[smem:$0x3F9C] =	sst s9;
	s0 =	simm.s32 @!p0 $0x0  }
0x12: {  	s1 =	sld [smem:$0x3F82];
	s0 =	simm.s32 @p0 $0x1  }
0x13: {  	[smem:$0x3F9D] =	sst s0;
	s0 =	simm.s32 @!p1 $0x0  }
0x14: {  	s2 =	sld [smem:$0x3F81];
	s0 =	simm.s32 @p1 $0x1  }
0x15: {  	[smem:$0x3F9E] =	sst s0;
	s0 =	simm.s32 @!p2 $0x0  }
0x16: {  	s3 =	sld [smem:$0x3FDB];
	s0 =	simm.s32 @p2 $0x1  }
0x17: {  	s4 =	simm.s32 $0x1BF5;
	[smem:$0x3FA0] =	sst s0  }
0x18: {  	s0 =	sld [smem:$0x3F83];
	_ =	swait.ge [sflag:s4], $0x0  }
0x19: {  	s7 =	sld [smem:$0x3F84]  }
0x1a: {  	s8 =	sadd.s32 $0xFFFFE003, lr  }
0x1b: {  	s9 =	sadd.s32 $0xFFFFFEF7, lr;
	s5 =	simm.s32 $0xFFFFFFFF;
	p2 =	slt.u32 s8, $0xFFFFF086  }
0x1c: {  	p1 =	slt.u32 s9, $0xF7A;
	s5 =	simm.s32 @!p2 $0x0  }
0x1d: {  	s5 =	simm.s32 @p1 $0x1;
	p0 =	seq.s32 s7, s2  }
0x1e: {  	s7 =	smul.u32 @!p0 $0xF7A, s2;
	p2 =	seq.s32 @!p0 s5, $0x0  }
0x1f: {  	s9 =	smul.u32 $0xF7A, s1;
	s8 =	simm.s32 @!p0 $0x1BF5;
	p2 =	por !p2, p0  }
0x20: {  	[sflag:s8] =	ssyncset.s32 @!p0 $0xFFFFF086;
	s6 =	sadd.s32 @!p0 s3, s7;
	s7 =	simm.s32 @!p0 $0x108  }
0x21: {  	s3 =	sadd.s32 s3, s9;
	s6 =	sadd.s32 @!p0 $0x88, s6;
	s7 =	simm.s32 @p2 $0x1082  }
0x22: {  	[simem:s7], [sflag:s8] =	dma.local @!p0 [hbm:s6], $0xF7A  }
0x23: {  	s9 =	sor.u32 $0xD0000000, s2;
	s6 =	simm.s32 $0x108;
	_ =	swait.ge @!p0 [sflag:s8], $0x0  }
0x24: {  	s3 =	sadd.s32 $0x88, s3;
	s6 =	simm.s32 @!p1 $0x1082;
	[sflag:s4] =	ssyncset.s32 $0xFFFFF086  }
0x25: {  	[simem:s6], [sflag:s4] =	dma.local [hbm:s3], $0xF7A  }
0x26: {  	[smem:$0x3F84] =	sst s1;
	(tag) =	ssettag s2;
	_ =	strace s9  }
0x27: {  	s1 =	sld [smem:$0x3F94]  }
0x28: {  	s2 =	sld [smem:$0x3F95]  }
0x29: {  	s4 =	sld [smem:$0x3F97]  }
0x2a: {  	p0 =	seq.s32 s5, $0x0;
	s5 =	sld [smem:$0x3F98]  }
0x2b: {  	s6 =	sld [smem:$0x3F99]  }
0x2c: {  	s7 =	sld [smem:$0x3F9A]  }
0x2d: {  	s3 =	simm.s32 $0x108;
	s8 =	sld [smem:$0x3F9B]  }
0x2e: {  	s3 =	simm.s32 @!p0 $0x1082;
	s9 =	sld [smem:$0x3F9C]  }
0x2f: {  	lr =	sadd.s32 s0, s3;
	s0 =	sld [smem:$0x3F93]  }
0x30: {  	s3 =	sld [smem:$0x3F96]  }
0x31: {  	[smem:$0x3F9F] =	sst s10  }
0x32: {  	s10 =	sld [smem:$0x3F9D];
	_ =	sdelay $0x3  }
0x33: {  	p0 =	seq.s32 s10, $0x1;
	s10 =	sld [smem:$0x3F9F];
	_ =	sdelay $0x3  }
0x34: {  	[smem:$0x3F9F] =	sst s10  }
0x35: {  	s10 =	sld [smem:$0x3F9E];
	_ =	sdelay $0x3  }
0x36: {  	p1 =	seq.s32 s10, $0x1;
	s10 =	sld [smem:$0x3F9F];
	_ =	sdelay $0x3  }
0x37: {  	[smem:$0x3F9F] =	sst s10  }
0x38: {  	s10 =	sld [smem:$0x3FA0]  }
0x39: {  	_ = 	snop;
	(pc) =	sbr.ind lr, $3  }
0x3a: {  	_ = 	snop  }
0x3b: {  	_ = 	snop  }
0x3c: {  	p2 =	seq.s32 s10, $0x1;
	s10 =	sld [smem:$0x3F9F]  }
0x3d: {  	_ =	shalt  }
0x3e: {  	_ =	shalt  }
0x3f: {  	_ =	shalt  }
0x40: {  	_ =	shalt  }
0x41: {  	_ =	shalt  }
0x42: {  	_ =	shalt  }
0x43: {  	_ =	shalt  }
0x44: {  	_ =	shalt  }
0x45: {  	_ =	shalt  }
0x46: {  	_ =	shalt  }
0x47: {  	_ =	shalt  }
0x48: {  	_ =	shalt  }
0x49: {  	_ =	shalt  }
0x4a: {  	_ =	shalt  }
0x4b: {  	_ =	shalt  }
0x4c: {  	_ =	shalt  }
0x4d: {  	_ =	shalt  }
0x4e: {  	_ =	shalt  }
0x4f: {  	_ =	shalt  }
0x50: {  	_ =	shalt  }
0x51: {  	_ =	shalt  }
0x52: {  	_ =	shalt  }
0x53: {  	_ =	shalt  }
0x54: {  	_ =	shalt  }
0x55: {  	_ =	shalt  }
0x56: {  	_ =	shalt  }
0x57: {  	_ =	shalt  }
0x58: {  	_ =	shalt  }
0x59: {  	_ =	shalt  }
0x5a: {  	_ =	shalt  }
0x5b: {  	_ =	shalt  }
0x5c: {  	_ =	shalt  }
0x5d: {  	_ =	shalt  }
0x5e: {  	_ =	shalt  }
0x5f: {  	_ =	shalt  }
0x60: {  	_ =	shalt  }
0x61: {  	_ =	shalt  }
0x62: {  	_ =	shalt  }
0x63: {  	_ =	shalt  }
0x64: {  	_ =	shalt  }
0x65: {  	_ =	shalt  }
0x66: {  	_ =	shalt  }
0x67: {  	_ =	shalt  }
0x68: {  	_ =	shalt  }
0x69: {  	_ =	shalt  }
0x6a: {  	_ =	shalt  }
0x6b: {  	_ =	shalt  }
0x6c: {  	_ =	shalt  }
0x6d: {  	_ =	shalt  }
0x6e: {  	_ =	shalt  }
0x6f: {  	_ =	shalt  }
0x70: {  	_ =	shalt  }
0x71: {  	_ =	shalt  }
0x72: {  	_ =	shalt  }
0x73: {  	_ =	shalt  }
0x74: {  	_ =	shalt  }
0x75: {  	_ =	shalt  }
0x76: {  	_ =	shalt  }
0x77: {  	_ =	shalt  }
0x78: {  	_ =	shalt  }
0x79: {  	_ =	shalt  }
0x7a: {  	_ =	shalt  }
0x7b: {  	_ =	shalt  }
0x7c: {  	_ =	shalt  }
0x7d: {  	_ =	shalt  }
0x7e: {  	_ =	shalt  }
0x7f: {  	_ =	shalt  }
0x80: {  	_ =	shalt  }
0x81: {  	_ =	shalt  }
0x82: {  	_ =	shalt  }
0x83: {  	_ =	shalt  }
0x84: {  	_ =	shalt  }
0x85: {  	_ =	shalt  }
0x86: {  	_ =	shalt  }
0x87: {  	_ =	shalt  }
.Lfunc_end0:
.L_simem_size_0:
called_computation.1_lowered:
.L_overlay_start_0:
0x88: {  	s2 =	sld [smem:$0x3FD9]  }
0x89: {  	s3 =	sld [smem:$0x3FFE];
	_ =	sdelay $0x1  }
0x8a: {  	s1 =	srdreg.scid  }
0x8b: {  	s0 =	sand.u32 $0x1, s1  }
0x8c: {  	s16 =	sshll.u32 s0, $0xA;
	s2 =	sadd.s32 s3, s2  }
0x8d: {  	s2 =	sadd.s32 s2, s16  }
0x8e: {  	[smem:$0x3FAB] =	sst s2  }
0x8f: {  	_ = 	snop  }
0x90: {  	(tm) =	ssettm $0x1  }
0x91: {  	s17 =	sld [smem:$0x3FFB];
	_ =	sdelay $0x3  }
0x92: {  	_ =	strace s17  }
0x93: {  	s2 =	sld [smem:$0x3FFC];
	_ =	sdelay $0x3  }
0x94: {  	_ =	strace s2  }
0x95: {  	s2 =	sld [smem:$0x3FFD];
	_ =	sdelay $0x3  }
0x96: {  	_ =	strace s2  }
0x97: {  	_ =	strace $0x8FFFFFFF  }
0x98: {  	s18 =	sld [smem:$0x3FDB];
	_ =	sdelay $0x1  }
0x99: {  	s19 =	simm.s32 $_scs_section_size  }
0x9a: {  	s4 =	simm.s32 $_size__tile_overlayer_lowered;
	s5 =	simm.s32 $_tile_overlayer_lowered  }
0x9b: {  	s22 =	simm.s32 $0x1BFF;
	s21 =	sshll.u32 s5, $0x1;
	s2 =	sadd.s32 s19, s18  }
0x9c: {  	s6 =	simm.s32 $0x0;
	s20 =	sshll.u32 s4, $0x1;
	s4 =	sadd.s32 s21, s2  }
0x9d: {  	[timem:s6], [sflag:s22] =	dma.local [hbm:s4], s20  }
0x9e: {  	_ =	swait.ge [sflag:s22], s20  }
0x9f: {  	s3 =	ssub.s32 $0x0, s20;
	[sflag:s22] =	ssyncset.done $0x0  }
0xa0: {  	[sflag:s22] =	ssyncadd.s32 s3;
	_ =	sdelay $0x1  }
0xa1: {  	s23 =	simm.s32 $0x1B8B  }
0xa2: {  	_ =	swait.ge [sflag:s23], $0x1  }
0xa3: {  	[sflag:s23] =	ssyncset.done $0x0  }
0xa4: {  	s25 =	simm.s32 $0x1B8E;
	s24 =	sld [smem:$0x3FFE];
	[sflag:s23] =	ssyncadd.s32 $0xFFFFFFFF  }
0xa5: {  	s26 =	simm.s32 $execute0_lowered;
	[smem:$0x3FD2] =	sst s25  }
0xa6: {  	s4 =	sshll.u32 s26, $0x1;
	_ =	strace $0x80000046;
	[dreg:$0x1] =	wrdreg $0xFFFFFFFF  }
0xa7: {  	s28 =	simm.s32 $_size_execute0_lowered;
	s2 =	sadd.s32 s2, s4;
	[dreg:$0x0] =	wrdreg $0x0  }
0xa8: {  	s4 =	sshll.u32 s28, $0x1;
	[dreg:$0x2] =	wrdreg s2  }
0xa9: {  	[dreg:$0x3] =	wrdreg s4  }
0xaa: {  	[dreg:$0x4] =	wrdreg $0xC0  }
0xab: {  	_ =	task [dreg:s6], $0x5FFFF  }
0xac: {  	[dreg:$0x1] =	wrdreg $0xFFFFFFFF  }
0xad: {  	[dreg:$0x0] =	wrdreg $0x60  }
0xae: {  	[dreg:$0x2] =	wrdreg s24  }
0xaf: {  	[dreg:$0x3] =	wrdreg $0xA  }
0xb0: {  	_ =	task.clear_ibuf [dreg:s6], $0x4FFFF;
	_ =	strace $0x90000046  }
0xb1: {  	s29 =	simm.s32 $0xA;
	_ =	strace $0x80000048  }
0xb2: {  	_ =	swait.ge [sflag:s29], $0x1  }
0xb3: {  	[sflag:s29] =	ssyncadd.s32 $0xFFFFFFFF  }
0xb4: {  	_ =	strace $0x90000048  }
0xb5: {  	_ =	sfence  }
0xb6: {  	s30 =	sld [smem:$0x0];
	_ =	sdelay $0x2  }
0xb7: {  	s31 =	sshll.u32 s1, $0xD;
	s1 =	sshrl.u32 s1, $0x2  }
0xb8: {  	s3 =	sand.u32 $0x4000, s31;
	s1 =	sadd.s32 s1, s30  }
0xb9: {  	s0 =	sor.u32 s3, s0;
	s1 =	sshll.u32 s1, $0x11  }
0xba: {  	s0 =	sor.u32 s1, s0  }
0xbb: {  	s0 =	sadd.s32 $0x8F2B, s0  }
0xbc: {  	[sflag:s0] =	ssyncadd.remote.s32 $0x1  }
0xbd: {  	_ =	sfence.sel $0xFFFF  }
0xbe: {  	[dreg:$0x0] =	wrdreg $0xFFFFFFFF;
	(pc) =	sbr.abs _section_cstart, $3  }
0xbf: {  	[dreg:$0x1] =	wrdreg $0xFFFFFFFF  }
0xc0: {  	_ =	task.clear_ibuf [dreg:s6], $0x2FFFF;
	_ =	strace $0x9FFFFFFF  }
0xc1: {  	(tm) =	ssettm $0x7FFFFFFF  }
tec
execute0_lowered:
.L_overlay_start_1:
0x0: {  	(tag) =	ssettag $0x1  }
0x1: {  	s4 =	rddreg [dreg:$0x0]  }
0x2: {  	s0 =	rddreg [dreg:$0x1];
	s1 =	simm.s32 $0x0  }
0x3: {  	s5 =	srdreg.scid;
	s2 =	stileid.u32;
	s15 =	simm.s32 $0x4100  }
0x4: {  	s16 =	simm.s32 $0x1;
	s17 =	simm.s32 $0x2;
	s18 =	simm.s32 $0x0  }
0x5: {  	[smem:$0x7FF] =	sst s1;
	s3 =	sadd.s32 $0x65E00, s4;
	s10 =	sand.u32 $0x1, s5  }
0x6: {  	s11 =	sadd.s32 $0x85E00, s4;
	s29 =	sshll.u32 s2, $0xC;
	s12 =	sadd.s32 $0x87E00, s4  }
0x7: {  	s14 =	sshll.u32 s2, $0x10;
	_ =	strace $0x80000047;
	s6 =	sshll.u32 s10, $0xB  }
0x8: {  	s30 =	ssub.s32 $0x2, s10;
	s10 =	sshll.u32 s10, $0xF;
	s13 =	sor.u32 s6, s29  }
0x9: {  	s31 =	sshrl.u32 s30, $0x1;
	s6 =	sshrl.u32 s13, $0x3;
	s7 =	sshll.u32 s13, $0x4  }
0xa: {  	s5 =	ssub.s32 s30, s31;
	s9 =	sor.u32 $0x100, s13;
	s13 =	sor.u32 $0x80, s13  }
0xb: {  	s4 =	sadd.s32 s11, s6;
	s8 =	sadd.s32 s12, s7;
	s5 =	smax.u32 s5, $0x1  }
0xc: {  	s9 =	sshrl.u32 s9, $0x3;
	s12 =	sadd.s32 s14, s12;
	s13 =	sshrl.u32 s13, $0x3  }
0xd: {  	s14 =	simm.s32 $0x100;
	s6 =	sadd.s32 $0xF0, s4;
	s7 =	sadd.s32 $0x7000, s8  }
0xe: {  	s8 =	sadd.s32 $0x7800, s8;
	s9 =	sadd.s32 s9, s11;
	s10 =	sadd.s32 s10, s12  }
0xf: {  	s11 =	sadd.s32 s13, s11;
	s12 =	simm.s32 $0x3;
	s13 =	simm.s32 $0x80  }
.LBB2_1:
0x10: {  	[tilespmem:s1], [sflag:$0x3] =	stream.linear.gather [hbm4b:s4+s1], $0x80, $0x38;
	[tilespmem:$0x8100] =	vst v63  }
0x11: {  	_ =	swait.ge [sflag:s12], $0x80  }
0x12: {  	[sflag:s12] =	ssyncset.done $0x0  }
0x13: {  	[sflag:s12] =	ssyncadd.s32 $0xFFFFFF80  }
0x14: {  	[tilespmem:s14], [sflag:$0x1] =	stream.indirect.gather [hbm4b:s3+s13], $0x80, s1, s13, $0xb8;
	[tilespmem:$0x8100] =	vst v63  }
0x15: {  	s19 =	sadd.s32 $0x0, s11  }
0x16: {  	[tilespmem:s13], [sflag:$0x3] =	stream.linear.gather [hbm4b:s19+s1], $0x80, $0x38;
	[tilespmem:$0x8100] =	vst v63  }
0x17: {  	_ =	swait.ge [sflag:s12], $0x80  }
0x18: {  	[sflag:s12] =	ssyncset.done $0x0  }
0x19: {  	[sflag:s12] =	ssyncadd.s32 $0xFFFFFF80  }
0x1a: {  	[tilespmem:s15], [sflag:$0x2] =	stream.indirect.gather [hbm4b:s3+s13], $0x80, s13, s13, $0xb8;
	[tilespmem:$0x8100] =	vst v63  }
0x1b: {  	_ =	swait.ge [sflag:s16], $0x4000  }
0x1c: {  	[sflag:s16] =	ssyncset.done $0x0  }
0x1d: {  	[sflag:s16] =	ssyncadd.s32 $0xFFFFC000  }
0x1e: {  	[hbm4b:s10+s1] =	stream.linear.scatter [tilespmem:s14], [sflag:$0x3], $0x4000, $0x38;
	[tilespmem:$0x8100] =	vst v63  }
0x1f: {  	_ =	swait.ge [sflag:s12], $0x4000  }
0x20: {  	[sflag:s12] =	ssyncset.done $0x0  }
0x21: {  	s30 =	sadd.s32 $0x0, s9;
	[sflag:s12] =	ssyncadd.s32 $0xFFFFC000  }
0x22: {  	[tilespmem:s1], [sflag:$0x3] =	stream.linear.gather [hbm4b:s30+s1], $0x80, $0x38;
	[tilespmem:$0x8100] =	vst v63  }
0x23: {  	_ =	swait.ge [sflag:s12], $0x80  }
0x24: {  	[sflag:s12] =	ssyncset.done $0x0  }
0x25: {  	[sflag:s12] =	ssyncadd.s32 $0xFFFFFF80  }
0x26: {  	[tilespmem:s14], [sflag:$0x1] =	stream.indirect.gather [hbm4b:s3+s13], $0x80, s1, s13, $0xb8;
	[tilespmem:$0x8100] =	vst v63  }
0x27: {  	_ =	swait.ge [sflag:s17], $0x4000  }
0x28: {  	[sflag:s17] =	ssyncset.done $0x0  }
0x29: {  	s31 =	sadd.s32 $0x800, s10;
	[sflag:s17] =	ssyncadd.s32 $0xFFFFC000  }
0x2a: {  	[hbm4b:s31+s1] =	stream.linear.scatter [tilespmem:s15], [sflag:$0x3], $0x4000, $0x38;
	[tilespmem:$0x8100] =	vst v63  }
0x2b: {  	s20 =	simm.s32 $0x20;
	_ =	swait.ge [sflag:s12], $0x4000  }
0x2c: {  	s21 =	simm.s32 $0x40;
	s19 =	sadd.s32 $0x1000, s10;
	[sflag:s12] =	ssyncset.done $0x0  }
.LBB2_2:
0x2d: {  	s22 =	sadd.s32 s20, s11  }
0x2e: {  	[sflag:s12] =	ssyncadd.s32 $0xFFFFC000;
	s23 =	smov.u32 s21;
	s24 =	sadd.s32 $0x20, s21  }
0x2f: {  	[tilespmem:s13], [sflag:$0x3] =	stream.linear.gather [hbm4b:s22+s1], $0x80, $0x38;
	[tilespmem:$0x8100] =	vst v63  }
0x30: {  	p0 =	sne.s32 s21, $0xC0;
	_ =	swait.ge [sflag:s12], $0x80  }
0x31: {  	[sflag:s12] =	ssyncset.done $0x0  }
0x32: {  	[sflag:s12] =	ssyncadd.s32 $0xFFFFFF80  }
0x33: {  	[tilespmem:s15], [sflag:$0x2] =	stream.indirect.gather [hbm4b:s3+s13], $0x80, s13, s13, $0xb8;
	[tilespmem:$0x8100] =	vst v63  }
0x34: {  	_ =	swait.ge [sflag:s16], $0x4000  }
0x35: {  	[sflag:s16] =	ssyncset.done $0x0  }
0x36: {  	[sflag:s16] =	ssyncadd.s32 $0xFFFFC000  }
0x37: {  	[hbm4b:s19+s1] =	stream.linear.scatter [tilespmem:s14], [sflag:$0x3], $0x4000, $0x38;
	[tilespmem:$0x8100] =	vst v63  }
0x38: {  	_ =	swait.ge [sflag:s12], $0x4000  }
0x39: {  	[sflag:s12] =	ssyncset.done $0x0  }
0x3a: {  	s21 =	sadd.s32 s20, s9;
	s20 =	smov.u32 s23;
	[sflag:s12] =	ssyncadd.s32 $0xFFFFC000  }
0x3b: {  	[tilespmem:s1], [sflag:$0x3] =	stream.linear.gather [hbm4b:s21+s1], $0x80, $0x38;
	[tilespmem:$0x8100] =	vst v63  }
0x3c: {  	_ =	swait.ge [sflag:s12], $0x80  }
0x3d: {  	[sflag:s12] =	ssyncset.done $0x0  }
0x3e: {  	[sflag:s12] =	ssyncadd.s32 $0xFFFFFF80  }
0x3f: {  	[tilespmem:s14], [sflag:$0x1] =	stream.indirect.gather [hbm4b:s3+s13], $0x80, s1, s13, $0xb8;
	[tilespmem:$0x8100] =	vst v63  }
0x40: {  	_ =	swait.ge [sflag:s17], $0x4000  }
.Ltmp0:
0x41: {  	[sflag:s17] =	ssyncset.done $0x0;
	(pc) =	sbr.rel @p0 .LBB2_2-.Ltmp0, $4  }
0x42: {  	s21 =	sadd.s32 $0x800, s19;
	[sflag:s17] =	ssyncadd.s32 $0xFFFFC000  }
0x43: {  	[hbm4b:s21+s1] =	stream.linear.scatter [tilespmem:s15], [sflag:$0x3], $0x4000, $0x38;
	[tilespmem:$0x8100] =	vst v63  }
0x44: {  	_ =	swait.ge [sflag:s12], $0x4000  }
0x45: {  	s19 =	sadd.s32 $0x1000, s19;
	s21 =	smov.u32 s24;
	[sflag:s12] =	ssyncset.done $0x0  }
0x46: {  	s21 =	sadd.s32 s20, s11;
	[sflag:s12] =	ssyncadd.s32 $0xFFFFC000  }
0x47: {  	[tilespmem:s13], [sflag:$0x3] =	stream.linear.gather [hbm4b:s21+s1], $0x80, $0x38;
	[tilespmem:$0x8100] =	vst v63  }
0x48: {  	_ =	swait.ge [sflag:s12], $0x80  }
0x49: {  	[sflag:s12] =	ssyncset.done $0x0  }
0x4a: {  	[sflag:s12] =	ssyncadd.s32 $0xFFFFFF80  }
0x4b: {  	[tilespmem:s15], [sflag:$0x2] =	stream.indirect.gather [hbm4b:s3+s13], $0x80, s13, s13, $0xb8;
	[tilespmem:$0x8100] =	vst v63  }
0x4c: {  	_ =	swait.ge [sflag:s16], $0x4000  }
0x4d: {  	[sflag:s16] =	ssyncset.done $0x0  }
0x4e: {  	[sflag:s16] =	ssyncadd.s32 $0xFFFFC000  }
0x4f: {  	[hbm4b:s19+s1] =	stream.linear.scatter [tilespmem:s14], [sflag:$0x3], $0x4000, $0x38;
	[tilespmem:$0x8100] =	vst v63  }
0x50: {  	_ =	swait.ge [sflag:s12], $0x4000  }
0x51: {  	[sflag:s12] =	ssyncset.done $0x0  }
0x52: {  	s30 =	sadd.s32 s20, s9;
	[sflag:s12] =	ssyncadd.s32 $0xFFFFC000  }
0x53: {  	[tilespmem:s1], [sflag:$0x3] =	stream.linear.gather [hbm4b:s30+s1], $0x80, $0x38;
	[tilespmem:$0x8100] =	vst v63  }
0x54: {  	_ =	swait.ge [sflag:s12], $0x80  }
0x55: {  	[sflag:s12] =	ssyncset.done $0x0  }
0x56: {  	[sflag:s12] =	ssyncadd.s32 $0xFFFFFF80  }
0x57: {  	[tilespmem:s14], [sflag:$0x1] =	stream.indirect.gather [hbm4b:s3+s13], $0x80, s1, s13, $0xb8;
	[tilespmem:$0x8100] =	vst v63  }
0x58: {  	_ =	swait.ge [sflag:s17], $0x4000  }
0x59: {  	[sflag:s17] =	ssyncset.done $0x0  }
0x5a: {  	s31 =	sadd.s32 $0x800, s19;
	[sflag:s17] =	ssyncadd.s32 $0xFFFFC000  }
0x5b: {  	[hbm4b:s31+s1] =	stream.linear.scatter [tilespmem:s15], [sflag:$0x3], $0x4000, $0x38;
	[tilespmem:$0x8100] =	vst v63  }
0x5c: {  	_ =	swait.ge [sflag:s12], $0x4000  }
0x5d: {  	[sflag:s12] =	ssyncset.done $0x0  }
0x5e: {  	[sflag:s12] =	ssyncadd.s32 $0xFFFFC000  }
0x5f: {  	[tilespmem:s13], [sflag:$0x3] =	stream.linear.gather [hbm4b:s6+s1], $0x80, $0x38;
	[tilespmem:$0x8100] =	vst v63  }
0x60: {  	_ =	swait.ge [sflag:s12], $0x80  }
0x61: {  	[sflag:s12] =	ssyncset.done $0x0  }
0x62: {  	[sflag:s12] =	ssyncadd.s32 $0xFFFFFF80  }
0x63: {  	[tilespmem:s15], [sflag:$0x2] =	stream.indirect.gather [hbm4b:s3+s13], $0x80, s13, s13, $0xb8;
	[tilespmem:$0x8100] =	vst v63  }
0x64: {  	_ =	swait.ge [sflag:s16], $0x4000  }
0x65: {  	[sflag:s16] =	ssyncset.done $0x0  }
0x66: {  	[sflag:s16] =	ssyncadd.s32 $0xFFFFC000  }
0x67: {  	[hbm4b:s7+s1] =	stream.linear.scatter [tilespmem:s14], [sflag:$0x3], $0x4000, $0x38;
	[tilespmem:$0x8100] =	vst v63  }
0x68: {  	_ =	swait.ge [sflag:s12], $0x4000  }
0x69: {  	[sflag:s12] =	ssyncset.done $0x0  }
0x6a: {  	[sflag:s12] =	ssyncadd.s32 $0xFFFFC000  }
0x6b: {  	s18 =	sadd.s32 $0x1, s18;
	_ =	swait.ge [sflag:s17], $0x4000  }
0x6c: {  	p0 =	sne.s32 s18, s5;
	[sflag:s17] =	ssyncset.done $0x0  }
.Ltmp1:
0x6d: {  	[sflag:s17] =	ssyncadd.s32 $0xFFFFC000;
	(pc) =	sbr.rel @p0 .LBB2_1-.Ltmp1, $4  }
0x6e: {  	[hbm4b:s8+s1] =	stream.linear.scatter [tilespmem:s15], [sflag:$0x3], $0x4000, $0x38;
	[tilespmem:$0x8100] =	vst v63  }
0x6f: {  	_ =	swait.ge [sflag:s12], $0x4000  }
0x70: {  	[sflag:s12] =	ssyncset.done $0x0  }
0x71: {  	[sflag:s12] =	ssyncadd.s32 $0xFFFFC000  }
0x72: {  	_ =	sfence.sel $0x180000  }
0x73: {  	[bflag:$0x0] =	sbarrier.arrive $0xFFFF  }
0x74: {  	p0 =	sne.s32 s2, $0x0;
	_ =	strace $0x90000047  }
0x75: {  	s0 =	sadd.s32 @!p0 $0x100000, s0;
	[bflag:$0x2] =	sbarrier.arrive $0xFFFF  }
0x76: {  	[sflag:s0] =	ssyncadd.tile.s32 @!p0 $0x1;
	_ =	shalt  }
.Lfunc_end2:
_tile_overlayer_lowered:
.L_overlay_start_2:
0x77: {  	(tag) =	ssettag $0x2  }
0x78: {  	s0 =	rddreg [dreg:$0x0];
	s2 =	stileid.u32  }
0x79: {  	s1 =	rddreg [dreg:$0x1];
	p0 =	sne.s32 s2, $0x0  }
0x7a: {  	s3 =	rddreg [dreg:$0x2];
	[bflag:$0x3] =	sbarrier.arrive $0xFFFF;
	s2 =	simm.s32 @!p0 $0x1C03  }
0x7b: {  	[timem:s3], [sflag:s2] =	dma.local @!p0 [hbm:s0], s1  }
0x7c: {  	s0 =	simm.s32 @!p0 $0x3  }
0x7d: {  	_ =	swait.ge @!p0 [sflag:s0], s1  }
0x7e: {  	s1 =	ssub.s32 @!p0 $0x0, s1;
	[sflag:s0] =	ssyncset.done @!p0 $0x0  }
0x7f: {  	[sflag:s0] =	ssyncadd.s32 @!p0 s1  }
0x80: {  	[bflag:$0x3] =	sbarrier.arrive $0xFFFF  }
0x81: {  	_ =	shalt  }

// kernel: kernel.17.cloned.1.call-start
scs
__scs_entry_jumppad:
0x0: {  	(pc) =	sbr.rel $0x88, $3  }
0x1: {  	(tag) =	ssettag $0x0;
	lr =	simm.s32 $0x1  }
0x2: {  	[smem:$0x3F84] =	sst lr;
	_ =	strace $0xD0000000  }
0x3: {  	_ = 	snop  }
0x4: {  	_ = 	snop  }
0x5: {  	_ = 	snop  }
0x6: {  	_ = 	snop  }
0x7: {  	_ = 	snop  }
__scs_overlays_trampoline_lowered:
0x8: {  	[smem:$0x3F93] =	sst s0  }
0x9: {  	[smem:$0x3F94] =	sst s1  }
0xa: {  	[smem:$0x3F95] =	sst s2  }
0xb: {  	[smem:$0x3F96] =	sst s3  }
0xc: {  	[smem:$0x3F97] =	sst s4  }
0xd: {  	[smem:$0x3F98] =	sst s5  }
0xe: {  	[smem:$0x3F99] =	sst s6  }
0xf: {  	[smem:$0x3F9A] =	sst s7  }
0x10: {  	[smem:$0x3F9B] =	sst s8  }
0x11: {  	[smem:$0x3F9C] =	sst s9;
	s0 =	simm.s32 @!p0 $0x0  }
0x12: {  	s1 =	sld [smem:$0x3F82];
	s0 =	simm.s32 @p0 $0x1  }
0x13: {  	[smem:$0x3F9D] =	sst s0;
	s0 =	simm.s32 @!p1 $0x0  }
0x14: {  	s2 =	sld [smem:$0x3F81];
	s0 =	simm.s32 @p1 $0x1  }
0x15: {  	[smem:$0x3F9E] =	sst s0;
	s0 =	simm.s32 @!p2 $0x0  }
0x16: {  	s3 =	sld [smem:$0x3FDB];
	s0 =	simm.s32 @p2 $0x1  }
0x17: {  	s4 =	simm.s32 $0x1BF5;
	[smem:$0x3FA0] =	sst s0  }
0x18: {  	s0 =	sld [smem:$0x3F83];
	_ =	swait.ge [sflag:s4], $0x0  }
0x19: {  	s7 =	sld [smem:$0x3F84]  }
0x1a: {  	s8 =	sadd.s32 $0xFFFFE003, lr  }
0x1b: {  	s9 =	sadd.s32 $0xFFFFFEF7, lr;
	s5 =	simm.s32 $0xFFFFFFFF;
	p2 =	slt.u32 s8, $0xFFFFF086  }
0x1c: {  	p1 =	slt.u32 s9, $0xF7A;
	s5 =	simm.s32 @!p2 $0x0  }
0x1d: {  	s5 =	simm.s32 @p1 $0x1;
	p0 =	seq.s32 s7, s2  }
0x1e: {  	s7 =	smul.u32 @!p0 $0xF7A, s2;
	p2 =	seq.s32 @!p0 s5, $0x0  }
0x1f: {  	s9 =	smul.u32 $0xF7A, s1;
	s8 =	simm.s32 @!p0 $0x1BF5;
	p2 =	por !p2, p0  }
0x20: {  	[sflag:s8] =	ssyncset.s32 @!p0 $0xFFFFF086;
	s6 =	sadd.s32 @!p0 s3, s7;
	s7 =	simm.s32 @!p0 $0x108  }
0x21: {  	s3 =	sadd.s32 s3, s9;
	s6 =	sadd.s32 @!p0 $0x88, s6;
	s7 =	simm.s32 @p2 $0x1082  }
0x22: {  	[simem:s7], [sflag:s8] =	dma.local @!p0 [hbm:s6], $0xF7A  }
0x23: {  	s9 =	sor.u32 $0xD0000000, s2;
	s6 =	simm.s32 $0x108;
	_ =	swait.ge @!p0 [sflag:s8], $0x0  }
0x24: {  	s3 =	sadd.s32 $0x88, s3;
	s6 =	simm.s32 @!p1 $0x1082;
	[sflag:s4] =	ssyncset.s32 $0xFFFFF086  }
0x25: {  	[simem:s6], [sflag:s4] =	dma.local [hbm:s3], $0xF7A  }
0x26: {  	[smem:$0x3F84] =	sst s1;
	(tag) =	ssettag s2;
	_ =	strace s9  }
0x27: {  	s1 =	sld [smem:$0x3F94]  }
0x28: {  	s2 =	sld [smem:$0x3F95]  }
0x29: {  	s4 =	sld [smem:$0x3F97]  }
0x2a: {  	p0 =	seq.s32 s5, $0x0;
	s5 =	sld [smem:$0x3F98]  }
0x2b: {  	s6 =	sld [smem:$0x3F99]  }
0x2c: {  	s7 =	sld [smem:$0x3F9A]  }
0x2d: {  	s3 =	simm.s32 $0x108;
	s8 =	sld [smem:$0x3F9B]  }
0x2e: {  	s3 =	simm.s32 @!p0 $0x1082;
	s9 =	sld [smem:$0x3F9C]  }
0x2f: {  	lr =	sadd.s32 s0, s3;
	s0 =	sld [smem:$0x3F93]  }
0x30: {  	s3 =	sld [smem:$0x3F96]  }
0x31: {  	[smem:$0x3F9F] =	sst s10  }
0x32: {  	s10 =	sld [smem:$0x3F9D];
	_ =	sdelay $0x3  }
0x33: {  	p0 =	seq.s32 s10, $0x1;
	s10 =	sld [smem:$0x3F9F];
	_ =	sdelay $0x3  }
0x34: {  	[smem:$0x3F9F] =	sst s10  }
0x35: {  	s10 =	sld [smem:$0x3F9E];
	_ =	sdelay $0x3  }
0x36: {  	p1 =	seq.s32 s10, $0x1;
	s10 =	sld [smem:$0x3F9F];
	_ =	sdelay $0x3  }
0x37: {  	[smem:$0x3F9F] =	sst s10  }
0x38: {  	s10 =	sld [smem:$0x3FA0]  }
0x39: {  	_ = 	snop;
	(pc) =	sbr.ind lr, $3  }
0x3a: {  	_ = 	snop  }
0x3b: {  	_ = 	snop  }
0x3c: {  	p2 =	seq.s32 s10, $0x1;
	s10 =	sld [smem:$0x3F9F]  }
0x3d: {  	_ =	shalt  }
0x3e: {  	_ =	shalt  }
0x3f: {  	_ =	shalt  }
0x40: {  	_ =	shalt  }
0x41: {  	_ =	shalt  }
0x42: {  	_ =	shalt  }
0x43: {  	_ =	shalt  }
0x44: {  	_ =	shalt  }
0x45: {  	_ =	shalt  }
0x46: {  	_ =	shalt  }
0x47: {  	_ =	shalt  }
0x48: {  	_ =	shalt  }
0x49: {  	_ =	shalt  }
0x4a: {  	_ =	shalt  }
0x4b: {  	_ =	shalt  }
0x4c: {  	_ =	shalt  }
0x4d: {  	_ =	shalt  }
0x4e: {  	_ =	shalt  }
0x4f: {  	_ =	shalt  }
0x50: {  	_ =	shalt  }
0x51: {  	_ =	shalt  }
0x52: {  	_ =	shalt  }
0x53: {  	_ =	shalt  }
0x54: {  	_ =	shalt  }
0x55: {  	_ =	shalt  }
0x56: {  	_ =	shalt  }
0x57: {  	_ =	shalt  }
0x58: {  	_ =	shalt  }
0x59: {  	_ =	shalt  }
0x5a: {  	_ =	shalt  }
0x5b: {  	_ =	shalt  }
0x5c: {  	_ =	shalt  }
0x5d: {  	_ =	shalt  }
0x5e: {  	_ =	shalt  }
0x5f: {  	_ =	shalt  }
0x60: {  	_ =	shalt  }
0x61: {  	_ =	shalt  }
0x62: {  	_ =	shalt  }
0x63: {  	_ =	shalt  }
0x64: {  	_ =	shalt  }
0x65: {  	_ =	shalt  }
0x66: {  	_ =	shalt  }
0x67: {  	_ =	shalt  }
0x68: {  	_ =	shalt  }
0x69: {  	_ =	shalt  }
0x6a: {  	_ =	shalt  }
0x6b: {  	_ =	shalt  }
0x6c: {  	_ =	shalt  }
0x6d: {  	_ =	shalt  }
0x6e: {  	_ =	shalt  }
0x6f: {  	_ =	shalt  }
0x70: {  	_ =	shalt  }
0x71: {  	_ =	shalt  }
0x72: {  	_ =	shalt  }
0x73: {  	_ =	shalt  }
0x74: {  	_ =	shalt  }
0x75: {  	_ =	shalt  }
0x76: {  	_ =	shalt  }
0x77: {  	_ =	shalt  }
0x78: {  	_ =	shalt  }
0x79: {  	_ =	shalt  }
0x7a: {  	_ =	shalt  }
0x7b: {  	_ =	shalt  }
0x7c: {  	_ =	shalt  }
0x7d: {  	_ =	shalt  }
0x7e: {  	_ =	shalt  }
0x7f: {  	_ =	shalt  }
0x80: {  	_ =	shalt  }
0x81: {  	_ =	shalt  }
0x82: {  	_ =	shalt  }
0x83: {  	_ =	shalt  }
0x84: {  	_ =	shalt  }
0x85: {  	_ =	shalt  }
0x86: {  	_ =	shalt  }
0x87: {  	_ =	shalt  }
.Lfunc_end0:
.L_simem_size_0:
called_computation.2_lowered:
.L_overlay_start_0:
0x88: {  	s2 =	sld [smem:$0x3FD9]  }
0x89: {  	s3 =	sld [smem:$0x3FFE];
	_ =	sdelay $0x1  }
0x8a: {  	s1 =	srdreg.scid  }
0x8b: {  	s0 =	sand.u32 $0x1, s1  }
0x8c: {  	s17 =	sshll.u32 s0, $0xA;
	s2 =	sadd.s32 s3, s2  }
0x8d: {  	s2 =	sadd.s32 s2, s17  }
0x8e: {  	[smem:$0x3FAB] =	sst s2  }
0x8f: {  	_ = 	snop  }
0x90: {  	(tm) =	ssettm $0x1  }
0x91: {  	s18 =	sld [smem:$0x3FFB];
	_ =	sdelay $0x3  }
0x92: {  	_ =	strace s18  }
0x93: {  	s2 =	sld [smem:$0x3FFC];
	_ =	sdelay $0x3  }
0x94: {  	_ =	strace s2  }
0x95: {  	s2 =	sld [smem:$0x3FFD];
	_ =	sdelay $0x3  }
0x96: {  	_ =	strace s2  }
0x97: {  	_ =	strace $0x8FFFFFFF  }
0x98: {  	s19 =	sld [smem:$0x3FDB];
	_ =	sdelay $0x1  }
0x99: {  	s20 =	simm.s32 $_scs_section_size  }
0x9a: {  	s4 =	simm.s32 $_size__tile_overlayer_lowered;
	s5 =	simm.s32 $_tile_overlayer_lowered  }
0x9b: {  	s6 =	simm.s32 $0x1BFF;
	s21 =	sshll.u32 s5, $0x1;
	s3 =	sadd.s32 s20, s19  }
0x9c: {  	s22 =	simm.s32 $0x0;
	s4 =	sshll.u32 s4, $0x1;
	s5 =	sadd.s32 s21, s3  }
0x9d: {  	[timem:s22], [sflag:s6] =	dma.local [hbm:s5], s4  }
0x9e: {  	_ =	swait.ge [sflag:s6], s4  }
0x9f: {  	s4 =	ssub.s32 $0x0, s4;
	[sflag:s6] =	ssyncset.done $0x0  }
0xa0: {  	[sflag:s6] =	ssyncadd.s32 s4;
	_ =	sdelay $0x1  }
0xa1: {  	s23 =	simm.s32 $0x1B8B  }
0xa2: {  	_ =	swait.ge [sflag:s23], $0x1  }
0xa3: {  	[sflag:s23] =	ssyncset.done $0x0  }
0xa4: {  	[sflag:s23] =	ssyncadd.s32 $0xFFFFFFFF  }
0xa5: {  	s4 =	sld [smem:$0x0]  }
0xa6: {  	s5 =	sand.u32 $0xFFFFFFFE, s1  }
0xa7: {  	p0 =	sne.s32 s1, s5  }
0xa8: {  	s5 =	sshll.u32 @p0 s5, $0xE  }
0xa9: {  	s5 =	sadd.s32 @p0 $0x11B8D, s5;
	s6 =	sshll.u32 @p0 s4, $0x11  }
0xaa: {  	s5 =	sor.u32 @p0 s6, s5  }
0xab: {  	[sflag:s5] =	ssyncadd.remote.s32 @p0 $0x1;
	_ =	sdelay $0x1  }
0xac: {  	s5 =	simm.s32 @p0 $0x1B8D  }
0xad: {  	_ =	swait.eq @p0 [sflag:s5], $0x1  }
0xae: {  	[sflag:s5] =	ssyncadd.s32 @p0 $0xFFFFFFFF  }
0xaf: {  	s6 =	sshll.u32 @!p0 s1, $0xE  }
0xb0: {  	s6 =	sor.u32 @!p0 $0x4000, s6;
	s5 =	simm.s32 @!p0 $0x1B8D  }
0xb1: {  	s4 =	sshll.u32 @!p0 s4, $0x11;
	s6 =	sadd.s32 @!p0 $0x11B8D, s6;
	_ =	swait.eq @!p0 [sflag:s5], $0x1  }
0xb2: {  	s4 =	sor.u32 @!p0 s4, s6;
	[sflag:s5] =	ssyncadd.s32 @!p0 $0xFFFFFFFF  }
0xb3: {  	s25 =	simm.s32 $0x1B8E;
	s24 =	sld [smem:$0x3FFE];
	[sflag:s4] =	ssyncadd.remote.s32 @!p0 $0x1  }
0xb4: {  	s26 =	simm.s32 $execute0_lowered;
	[smem:$0x3FD2] =	sst s25  }
0xb5: {  	s5 =	sshll.u32 s26, $0x1;
	_ =	strace $0x80000049;
	[dreg:$0x1] =	wrdreg $0xFFFFFFFF  }
0xb6: {  	s28 =	simm.s32 $_size_execute0_lowered;
	s3 =	sadd.s32 s3, s5;
	[dreg:$0x0] =	wrdreg $0x0  }
0xb7: {  	s5 =	sshll.u32 s28, $0x1;
	[dreg:$0x2] =	wrdreg s3  }
0xb8: {  	[dreg:$0x3] =	wrdreg s5  }
0xb9: {  	[dreg:$0x4] =	wrdreg $0xC0  }
0xba: {  	_ =	task [dreg:s22], $0x5FFFF  }
0xbb: {  	[dreg:$0x1] =	wrdreg $0xFFFFFFFF  }
0xbc: {  	[dreg:$0x0] =	wrdreg $0x60  }
0xbd: {  	[dreg:$0x2] =	wrdreg s24  }
0xbe: {  	[dreg:$0x3] =	wrdreg $0xB  }
0xbf: {  	_ =	task.clear_ibuf [dreg:s22], $0x4FFFF;
	_ =	strace $0x90000049  }
0xc0: {  	s29 =	simm.s32 $0xB;
	_ =	strace $0x8000004B  }
0xc1: {  	_ =	swait.ge [sflag:s29], $0x1  }
0xc2: {  	[sflag:s29] =	ssyncadd.s32 $0xFFFFFFFF  }
0xc3: {  	_ =	strace $0x9000004B  }
0xc4: {  	_ =	sfence  }
0xc5: {  	s30 =	sld [smem:$0x0];
	_ =	sdelay $0x2  }
0xc6: {  	s31 =	sshll.u32 s1, $0xD;
	s1 =	sshrl.u32 s1, $0x2  }
0xc7: {  	s4 =	sand.u32 $0x4000, s31;
	s1 =	sadd.s32 s1, s30  }
0xc8: {  	s0 =	sor.u32 s4, s0;
	s1 =	sshll.u32 s1, $0x11  }
0xc9: {  	s0 =	sor.u32 s1, s0  }
0xca: {  	s0 =	sadd.s32 $0x8F2B, s0  }
0xcb: {  	[sflag:s0] =	ssyncadd.remote.s32 $0x1  }
0xcc: {  	_ =	sfence.sel $0xFFFF  }
0xcd: {  	[dreg:$0x0] =	wrdreg $0xFFFFFFFF;
	(pc) =	sbr.abs _section_cstart, $3  }
0xce: {  	[dreg:$0x1] =	wrdreg $0xFFFFFFFF  }
0xcf: {  	_ =	task.clear_ibuf [dreg:s22], $0x2FFFF;
	_ =	strace $0x9FFFFFFF  }
0xd0: {  	(tm) =	ssettm $0x7FFFFFFF  }
0xd1: {  	_ =	shalt  }
tec
execute0_lowered:
.L_overlay_start_1:
0x0: {  	(tag) =	ssettag $0x1  }
0x1: {  	s4 =	rddreg [dreg:$0x0]  }
0x2: {  	s0 =	rddreg [dreg:$0x1];
	s1 =	simm.s32 $0x0  }
0x3: {  	s5 =	srdreg.scid;
	s2 =	stileid.u32;
	s15 =	simm.s32 $0x4100  }
0x4: {  	s16 =	simm.s32 $0x1;
	s17 =	simm.s32 $0x2;
	s18 =	simm.s32 $0x0  }
0x5: {  	[smem:$0x7FF] =	sst s1;
	s3 =	sadd.s32 $0x6DE00, s4;
	s11 =	sadd.s32 $0x187E00, s4  }
0x6: {  	s10 =	sand.u32 $0x1, s5;
	s29 =	sshll.u32 s2, $0xC;
	s12 =	sadd.s32 $0x189E00, s4  }
0x7: {  	s14 =	sshll.u32 s2, $0x10;
	_ =	strace $0x8000004A;
	s6 =	sshll.u32 s10, $0xB  }
0x8: {  	s30 =	ssub.s32 $0x2, s10;
	s10 =	sshll.u32 s10, $0xF;
	s13 =	sor.u32 s6, s29  }
0x9: {  	s31 =	sshrl.u32 s30, $0x1;
	s6 =	sshrl.u32 s13, $0x3;
	s7 =	sshll.u32 s13, $0x4  }
0xa: {  	s5 =	ssub.s32 s30, s31;
	s9 =	sor.u32 $0x100, s13;
	s13 =	sor.u32 $0x80, s13  }
0xb: {  	s4 =	sadd.s32 s11, s6;
	s8 =	sadd.s32 s12, s7;
	s5 =	smax.u32 s5, $0x1  }
0xc: {  	s9 =	sshrl.u32 s9, $0x3;
	s12 =	sadd.s32 s14, s12;
	s13 =	sshrl.u32 s13, $0x3  }
0xd: {  	s14 =	simm.s32 $0x100;
	s6 =	sadd.s32 $0xF0, s4;
	s7 =	sadd.s32 $0x7000, s8  }
0xe: {  	s8 =	sadd.s32 $0x7800, s8;
	s9 =	sadd.s32 s9, s11;
	s10 =	sadd.s32 s10, s12  }
0xf: {  	s11 =	sadd.s32 s13, s11;
	s12 =	simm.s32 $0x3;
	s13 =	simm.s32 $0x80  }
.LBB2_1:
0x10: {  	[tilespmem:s1], [sflag:$0x3] =	stream.linear.gather [hbm4b:s4+s1], $0x80, $0x38;
	[tilespmem:$0x8100] =	vst v63  }
0x11: {  	_ =	swait.ge [sflag:s12], $0x80  }
0x12: {  	[sflag:s12] =	ssyncset.done $0x0  }
0x13: {  	[sflag:s12] =	ssyncadd.s32 $0xFFFFFF80  }
0x14: {  	[tilespmem:s14], [sflag:$0x1] =	stream.indirect.gather [hbm4b:s3+s13], $0x80, s1, s13, $0xb8;
	[tilespmem:$0x8100] =	vst v63  }
0x15: {  	s19 =	sadd.s32 $0x0, s11  }
0x16: {  	[tilespmem:s13], [sflag:$0x3] =	stream.linear.gather [hbm4b:s19+s1], $0x80, $0x38;
	[tilespmem:$0x8100] =	vst v63  }
0x17: {  	_ =	swait.ge [sflag:s12], $0x80  }
0x18: {  	[sflag:s12] =	ssyncset.done $0x0  }
0x19: {  	[sflag:s12] =	ssyncadd.s32 $0xFFFFFF80  }
0x1a: {  	[tilespmem:s15], [sflag:$0x2] =	stream.indirect.gather [hbm4b:s3+s13], $0x80, s13, s13, $0xb8;
	[tilespmem:$0x8100] =	vst v63  }
0x1b: {  	_ =	swait.ge [sflag:s16], $0x4000  }
0x1c: {  	[sflag:s16] =	ssyncset.done $0x0  }
0x1d: {  	[sflag:s16] =	ssyncadd.s32 $0xFFFFC000  }
0x1e: {  	[hbm4b:s10+s1] =	stream.linear.scatter [tilespmem:s14], [sflag:$0x3], $0x4000, $0x38;
	[tilespmem:$0x8100] =	vst v63  }
0x1f: {  	_ =	swait.ge [sflag:s12], $0x4000  }
0x20: {  	[sflag:s12] =	ssyncset.done $0x0  }
0x21: {  	s30 =	sadd.s32 $0x0, s9;
	[sflag:s12] =	ssyncadd.s32 $0xFFFFC000  }
0x22: {  	[tilespmem:s1], [sflag:$0x3] =	stream.linear.gather [hbm4b:s30+s1], $0x80, $0x38;
	[tilespmem:$0x8100] =	vst v63  }
0x23: {  	_ =	swait.ge [sflag:s12], $0x80  }
0x24: {  	[sflag:s12] =	ssyncset.done $0x0  }
0x25: {  	[sflag:s12] =	ssyncadd.s32 $0xFFFFFF80  }
0x26: {  	[tilespmem:s14], [sflag:$0x1] =	stream.indirect.gather [hbm4b:s3+s13], $0x80, s1, s13, $0xb8;
	[tilespmem:$0x8100] =	vst v63  }
0x27: {  	_ =	swait.ge [sflag:s17], $0x4000  }
0x28: {  	[sflag:s17] =	ssyncset.done $0x0  }
0x29: {  	s31 =	sadd.s32 $0x800, s10;
	[sflag:s17] =	ssyncadd.s32 $0xFFFFC000  }
0x2a: {  	[hbm4b:s31+s1] =	stream.linear.scatter [tilespmem:s15], [sflag:$0x3], $0x4000, $0x38;
	[tilespmem:$0x8100] =	vst v63  }
0x2b: {  	s20 =	simm.s32 $0x20;
	_ =	swait.ge [sflag:s12], $0x4000  }
0x2c: {  	s21 =	simm.s32 $0x40;
	s19 =	sadd.s32 $0x1000, s10;
	[sflag:s12] =	ssyncset.done $0x0  }
.LBB2_2:
0x2d: {  	s22 =	sadd.s32 s20, s11  }
0x2e: {  	[sflag:s12] =	ssyncadd.s32 $0xFFFFC000;
	s23 =	smov.u32 s21;
	s24 =	sadd.s32 $0x20, s21  }
0x2f: {  	[tilespmem:s13], [sflag:$0x3] =	stream.linear.gather [hbm4b:s22+s1], $0x80, $0x38;
	[tilespmem:$0x8100] =	vst v63  }
0x30: {  	p0 =	sne.s32 s21, $0xC0;
	_ =	swait.ge [sflag:s12], $0x80  }
0x31: {  	[sflag:s12] =	ssyncset.done $0x0  }
0x32: {  	[sflag:s12] =	ssyncadd.s32 $0xFFFFFF80  }
0x33: {  	[tilespmem:s15], [sflag:$0x2] =	stream.indirect.gather [hbm4b:s3+s13], $0x80, s13, s13, $0xb8;
	[tilespmem:$0x8100] =	vst v63  }
0x34: {  	_ =	swait.ge [sflag:s16], $0x4000  }
0x35: {  	[sflag:s16] =	ssyncset.done $0x0  }
0x36: {  	[sflag:s16] =	ssyncadd.s32 $0xFFFFC000  }
0x37: {  	[hbm4b:s19+s1] =	stream.linear.scatter [tilespmem:s14], [sflag:$0x3], $0x4000, $0x38;
	[tilespmem:$0x8100] =	vst v63  }
0x38: {  	_ =	swait.ge [sflag:s12], $0x4000  }
0x39: {  	[sflag:s12] =	ssyncset.done $0x0  }
0x3a: {  	s21 =	sadd.s32 s20, s9;
	s20 =	smov.u32 s23;
	[sflag:s12] =	ssyncadd.s32 $0xFFFFC000  }
0x3b: {  	[tilespmem:s1], [sflag:$0x3] =	stream.linear.gather [hbm4b:s21+s1], $0x80, $0x38;
	[tilespmem:$0x8100] =	vst v63  }
0x3c: {  	_ =	swait.ge [sflag:s12], $0x80  }
0x3d: {  	[sflag:s12] =	ssyncset.done $0x0  }
0x3e: {  	[sflag:s12] =	ssyncadd.s32 $0xFFFFFF80  }
0x3f: {  	[tilespmem:s14], [sflag:$0x1] =	stream.indirect.gather [hbm4b:s3+s13], $0x80, s1, s13, $0xb8;
	[tilespmem:$0x8100] =	vst v63  }
0x40: {  	_ =	swait.ge [sflag:s17], $0x4000  }
.Ltmp0:
0x41: {  	[sflag:s17] =	ssyncset.done $0x0;
	(pc) =	sbr.rel @p0 .LBB2_2-.Ltmp0, $4  }
0x42: {  	s21 =	sadd.s32 $0x800, s19;
	[sflag:s17] =	ssyncadd.s32 $0xFFFFC000  }
0x43: {  	[hbm4b:s21+s1] =	stream.linear.scatter [tilespmem:s15], [sflag:$0x3], $0x4000, $0x38;
	[tilespmem:$0x8100] =	vst v63  }
0x44: {  	_ =	swait.ge [sflag:s12], $0x4000  }
0x45: {  	s19 =	sadd.s32 $0x1000, s19;
	s21 =	smov.u32 s24;
	[sflag:s12] =	ssyncset.done $0x0  }
0x46: {  	s21 =	sadd.s32 s20, s11;
	[sflag:s12] =	ssyncadd.s32 $0xFFFFC000  }
0x47: {  	[tilespmem:s13], [sflag:$0x3] =	stream.linear.gather [hbm4b:s21+s1], $0x80, $0x38;
	[tilespmem:$0x8100] =	vst v63  }
0x48: {  	_ =	swait.ge [sflag:s12], $0x80  }
0x49: {  	[sflag:s12] =	ssyncset.done $0x0  }
0x4a: {  	[sflag:s12] =	ssyncadd.s32 $0xFFFFFF80  }
0x4b: {  	[tilespmem:s15], [sflag:$0x2] =	stream.indirect.gather [hbm4b:s3+s13], $0x80, s13, s13, $0xb8;
	[tilespmem:$0x8100] =	vst v63  }
0x4c: {  	_ =	swait.ge [sflag:s16], $0x4000  }
0x4d: {  	[sflag:s16] =	ssyncset.done $0x0  }
0x4e: {  	[sflag:s16] =	ssyncadd.s32 $0xFFFFC000  }
0x4f: {  	[hbm4b:s19+s1] =	stream.linear.scatter [tilespmem:s14], [sflag:$0x3], $0x4000, $0x38;
	[tilespmem:$0x8100] =	vst v63  }
0x50: {  	_ =	swait.ge [sflag:s12], $0x4000  }
0x51: {  	[sflag:s12] =	ssyncset.done $0x0  }
0x52: {  	s30 =	sadd.s32 s20, s9;
	[sflag:s12] =	ssyncadd.s32 $0xFFFFC000  }
0x53: {  	[tilespmem:s1], [sflag:$0x3] =	stream.linear.gather [hbm4b:s30+s1], $0x80, $0x38;
	[tilespmem:$0x8100] =	vst v63  }
0x54: {  	_ =	swait.ge [sflag:s12], $0x80  }
0x55: {  	[sflag:s12] =	ssyncset.done $0x0  }
0x56: {  	[sflag:s12] =	ssyncadd.s32 $0xFFFFFF80  }
0x57: {  	[tilespmem:s14], [sflag:$0x1] =	stream.indirect.gather [hbm4b:s3+s13], $0x80, s1, s13, $0xb8;
	[tilespmem:$0x8100] =	vst v63  }
0x58: {  	_ =	swait.ge [sflag:s17], $0x4000  }
0x59: {  	[sflag:s17] =	ssyncset.done $0x0  }
0x5a: {  	s31 =	sadd.s32 $0x800, s19;
	[sflag:s17] =	ssyncadd.s32 $0xFFFFC000  }
0x5b: {  	[hbm4b:s31+s1] =	stream.linear.scatter [tilespmem:s15], [sflag:$0x3], $0x4000, $0x38;
	[tilespmem:$0x8100] =	vst v63  }
0x5c: {  	_ =	swait.ge [sflag:s12], $0x4000  }
0x5d: {  	[sflag:s12] =	ssyncset.done $0x0  }
0x5e: {  	[sflag:s12] =	ssyncadd.s32 $0xFFFFC000  }
0x5f: {  	[tilespmem:s13], [sflag:$0x3] =	stream.linear.gather [hbm4b:s6+s1], $0x80, $0x38;
	[tilespmem:$0x8100] =	vst v63  }
0x60: {  	_ =	swait.ge [sflag:s12], $0x80  }
0x61: {  	[sflag:s12] =	ssyncset.done $0x0  }
0x62: {  	[sflag:s12] =	ssyncadd.s32 $0xFFFFFF80  }
0x63: {  	[tilespmem:s15], [sflag:$0x2] =	stream.indirect.gather [hbm4b:s3+s13], $0x80, s13, s13, $0xb8;
	[tilespmem:$0x8100] =	vst v63  }
0x64: {  	_ =	swait.ge [sflag:s16], $0x4000  }
0x65: {  	[sflag:s16] =	ssyncset.done $0x0  }
0x66: {  	[sflag:s16] =	ssyncadd.s32 $0xFFFFC000  }
0x67: {  	[hbm4b:s7+s1] =	stream.linear.scatter [tilespmem:s14], [sflag:$0x3], $0x4000, $0x38;
	[tilespmem:$0x8100] =	vst v63  }
0x68: {  	_ =	swait.ge [sflag:s12], $0x4000  }
0x69: {  	[sflag:s12] =	ssyncset.done $0x0  }
0x6a: {  	[sflag:s12] =	ssyncadd.s32 $0xFFFFC000  }
0x6b: {  	s18 =	sadd.s32 $0x1, s18;
	_ =	swait.ge [sflag:s17], $0x4000  }
0x6c: {  	p0 =	sne.s32 s18, s5;
	[sflag:s17] =	ssyncset.done $0x0  }
.Ltmp1:
0x6d: {  	[sflag:s17] =	ssyncadd.s32 $0xFFFFC000;
	(pc) =	sbr.rel @p0 .LBB2_1-.Ltmp1, $4  }
0x6e: {  	[hbm4b:s8+s1] =	stream.linear.scatter [tilespmem:s15], [sflag:$0x3], $0x4000, $0x38;
	[tilespmem:$0x8100] =	vst v63  }
0x6f: {  	_ =	swait.ge [sflag:s12], $0x4000  }
0x70: {  	[sflag:s12] =	ssyncset.done $0x0  }
0x71: {  	[sflag:s12] =	ssyncadd.s32 $0xFFFFC000  }
0x72: {  	_ =	sfence.sel $0x180000  }
0x73: {  	[bflag:$0x0] =	sbarrier.arrive $0xFFFF  }
0x74: {  	p0 =	sne.s32 s2, $0x0;
	_ =	strace $0x9000004A  }
0x75: {  	s0 =	sadd.s32 @!p0 $0x100000, s0;
	[bflag:$0x2] =	sbarrier.arrive $0xFFFF  }
0x76: {  	[sflag:s0] =	ssyncadd.tile.s32 @!p0 $0x1;
	_ =	shalt  }
.Lfunc_end2:
_tile_overlayer_lowered:
.L_overlay_start_2:
0x77: {  	(tag) =	ssettag $0x2  }
0x78: {  	s0 =	rddreg [dreg:$0x0];
	s2 =	stileid.u32  }
0x79: {  	s1 =	rddreg [dreg:$0x1];
	p0 =	sne.s32 s2, $0x0  }
0x7a: {  	s3 =	rddreg [dreg:$0x2];
	[bflag:$0x3] =	sbarrier.arrive $0xFFFF;
	s2 =	simm.s32 @!p0 $0x1C03  }
0x7b: {  	[timem:s3], [sflag:s2] =	dma.local @!p0 [hbm:s0], s1  }
0x7c: {  	s0 =	simm.s32 @!p0 $0x3  }
0x7d: {  	_ =	swait.ge @!p0 [sflag:s0], s1  }
0x7e: {  	s1 =	ssub.s32 @!p0 $0x0, s1;
	[sflag:s0] =	ssyncset.done @!p0 $0x0  }
0x7f: {  	[sflag:s0] =	ssyncadd.s32 @!p0 s1  }
0x80: {  	[bflag:$0x3] =	sbarrier.arrive $0xFFFF  }
0x81: {  	_ =	shalt  }

// kernel: kernel.20.cloned.1.call-start
scs
__scs_entry_jumppad:
0x0: {  	(pc) =	sbr.rel $0x88, $3  }
0x1: {  	(tag) =	ssettag $0x0;
	lr =	simm.s32 $0x1  }
0x2: {  	[smem:$0x3F84] =	sst lr;
	_ =	strace $0xD0000000  }
0x3: {  	_ = 	snop  }
0x4: {  	_ = 	snop  }
0x5: {  	_ = 	snop  }
0x6: {  	_ = 	snop  }
0x7: {  	_ = 	snop  }
__scs_overlays_trampoline_lowered:
0x8: {  	[smem:$0x3F93] =	sst s0  }
0x9: {  	[smem:$0x3F94] =	sst s1  }
0xa: {  	[smem:$0x3F95] =	sst s2  }
0xb: {  	[smem:$0x3F96] =	sst s3  }
0xc: {  	[smem:$0x3F97] =	sst s4  }
0xd: {  	[smem:$0x3F98] =	sst s5  }
0xe: {  	[smem:$0x3F99] =	sst s6  }
0xf: {  	[smem:$0x3F9A] =	sst s7  }
0x10: {  	[smem:$0x3F9B] =	sst s8  }
0x11: {  	[smem:$0x3F9C] =	sst s9;
	s0 =	simm.s32 @!p0 $0x0  }
0x12: {  	s1 =	sld [smem:$0x3F82];
	s0 =	simm.s32 @p0 $0x1  }
0x13: {  	[smem:$0x3F9D] =	sst s0;
	s0 =	simm.s32 @!p1 $0x0  }
0x14: {  	s2 =	sld [smem:$0x3F81];
	s0 =	simm.s32 @p1 $0x1  }
0x15: {  	[smem:$0x3F9E] =	sst s0;
	s0 =	simm.s32 @!p2 $0x0  }
0x16: {  	s3 =	sld [smem:$0x3FDB];
	s0 =	simm.s32 @p2 $0x1  }
0x17: {  	s4 =	simm.s32 $0x1BF5;
	[smem:$0x3FA0] =	sst s0  }
0x18: {  	s0 =	sld [smem:$0x3F83];
	_ =	swait.ge [sflag:s4], $0x0  }
0x19: {  	s7 =	sld [smem:$0x3F84]  }
0x1a: {  	s8 =	sadd.s32 $0xFFFFE003, lr  }
0x1b: {  	s9 =	sadd.s32 $0xFFFFFEF7, lr;
	s5 =	simm.s32 $0xFFFFFFFF;
	p2 =	slt.u32 s8, $0xFFFFF086  }
0x1c: {  	p1 =	slt.u32 s9, $0xF7A;
	s5 =	simm.s32 @!p2 $0x0  }
0x1d: {  	s5 =	simm.s32 @p1 $0x1;
	p0 =	seq.s32 s7, s2  }
0x1e: {  	s7 =	smul.u32 @!p0 $0xF7A, s2;
	p2 =	seq.s32 @!p0 s5, $0x0  }
0x1f: {  	s9 =	smul.u32 $0xF7A, s1;
	s8 =	simm.s32 @!p0 $0x1BF5;
	p2 =	por !p2, p0  }
0x20: {  	[sflag:s8] =	ssyncset.s32 @!p0 $0xFFFFF086;
	s6 =	sadd.s32 @!p0 s3, s7;
	s7 =	simm.s32 @!p0 $0x108  }
0x21: {  	s3 =	sadd.s32 s3, s9;
	s6 =	sadd.s32 @!p0 $0x88, s6;
	s7 =	simm.s32 @p2 $0x1082  }
0x22: {  	[simem:s7], [sflag:s8] =	dma.local @!p0 [hbm:s6], $0xF7A  }
0x23: {  	s9 =	sor.u32 $0xD0000000, s2;
	s6 =	simm.s32 $0x108;
	_ =	swait.ge @!p0 [sflag:s8], $0x0  }
0x24: {  	s3 =	sadd.s32 $0x88, s3;
	s6 =	simm.s32 @!p1 $0x1082;
	[sflag:s4] =	ssyncset.s32 $0xFFFFF086  }
0x25: {  	[simem:s6], [sflag:s4] =	dma.local [hbm:s3], $0xF7A  }
0x26: {  	[smem:$0x3F84] =	sst s1;
	(tag) =	ssettag s2;
	_ =	strace s9  }
0x27: {  	s1 =	sld [smem:$0x3F94]  }
0x28: {  	s2 =	sld [smem:$0x3F95]  }
0x29: {  	s4 =	sld [smem:$0x3F97]  }
0x2a: {  	p0 =	seq.s32 s5, $0x0;
	s5 =	sld [smem:$0x3F98]  }
0x2b: {  	s6 =	sld [smem:$0x3F99]  }
0x2c: {  	s7 =	sld [smem:$0x3F9A]  }
0x2d: {  	s3 =	simm.s32 $0x108;
	s8 =	sld [smem:$0x3F9B]  }
0x2e: {  	s3 =	simm.s32 @!p0 $0x1082;
	s9 =	sld [smem:$0x3F9C]  }
0x2f: {  	lr =	sadd.s32 s0, s3;
	s0 =	sld [smem:$0x3F93]  }
0x30: {  	s3 =	sld [smem:$0x3F96]  }
0x31: {  	[smem:$0x3F9F] =	sst s10  }
0x32: {  	s10 =	sld [smem:$0x3F9D];
	_ =	sdelay $0x3  }
0x33: {  	p0 =	seq.s32 s10, $0x1;
	s10 =	sld [smem:$0x3F9F];
	_ =	sdelay $0x3  }
0x34: {  	[smem:$0x3F9F] =	sst s10  }
0x35: {  	s10 =	sld [smem:$0x3F9E];
	_ =	sdelay $0x3  }
0x36: {  	p1 =	seq.s32 s10, $0x1;
	s10 =	sld [smem:$0x3F9F];
	_ =	sdelay $0x3  }
0x37: {  	[smem:$0x3F9F] =	sst s10  }
0x38: {  	s10 =	sld [smem:$0x3FA0]  }
0x39: {  	_ = 	snop;
	(pc) =	sbr.ind lr, $3  }
0x3a: {  	_ = 	snop  }
0x3b: {  	_ = 	snop  }
0x3c: {  	p2 =	seq.s32 s10, $0x1;
	s10 =	sld [smem:$0x3F9F]  }
0x3d: {  	_ =	shalt  }
0x3e: {  	_ =	shalt  }
0x3f: {  	_ =	shalt  }
0x40: {  	_ =	shalt  }
0x41: {  	_ =	shalt  }
0x42: {  	_ =	shalt  }
0x43: {  	_ =	shalt  }
0x44: {  	_ =	shalt  }
0x45: {  	_ =	shalt  }
0x46: {  	_ =	shalt  }
0x47: {  	_ =	shalt  }
0x48: {  	_ =	shalt  }
0x49: {  	_ =	shalt  }
0x4a: {  	_ =	shalt  }
0x4b: {  	_ =	shalt  }
0x4c: {  	_ =	shalt  }
0x4d: {  	_ =	shalt  }
0x4e: {  	_ =	shalt  }
0x4f: {  	_ =	shalt  }
0x50: {  	_ =	shalt  }
0x51: {  	_ =	shalt  }
0x52: {  	_ =	shalt  }
0x53: {  	_ =	shalt  }
0x54: {  	_ =	shalt  }
0x55: {  	_ =	shalt  }
0x56: {  	_ =	shalt  }
0x57: {  	_ =	shalt  }
0x58: {  	_ =	shalt  }
0x59: {  	_ =	shalt  }
0x5a: {  	_ =	shalt  }
0x5b: {  	_ =	shalt  }
0x5c: {  	_ =	shalt  }
0x5d: {  	_ =	shalt  }
0x5e: {  	_ =	shalt  }
0x5f: {  	_ =	shalt  }
0x60: {  	_ =	shalt  }
0x61: {  	_ =	shalt  }
0x62: {  	_ =	shalt  }
0x63: {  	_ =	shalt  }
0x64: {  	_ =	shalt  }
0x65: {  	_ =	shalt  }
0x66: {  	_ =	shalt  }
0x67: {  	_ =	shalt  }
0x68: {  	_ =	shalt  }
0x69: {  	_ =	shalt  }
0x6a: {  	_ =	shalt  }
0x6b: {  	_ =	shalt  }
0x6c: {  	_ =	shalt  }
0x6d: {  	_ =	shalt  }
0x6e: {  	_ =	shalt  }
0x6f: {  	_ =	shalt  }
0x70: {  	_ =	shalt  }
0x71: {  	_ =	shalt  }
0x72: {  	_ =	shalt  }
0x73: {  	_ =	shalt  }
0x74: {  	_ =	shalt  }
0x75: {  	_ =	shalt  }
0x76: {  	_ =	shalt  }
0x77: {  	_ =	shalt  }
0x78: {  	_ =	shalt  }
0x79: {  	_ =	shalt  }
0x7a: {  	_ =	shalt  }
0x7b: {  	_ =	shalt  }
0x7c: {  	_ =	shalt  }
0x7d: {  	_ =	shalt  }
0x7e: {  	_ =	shalt  }
0x7f: {  	_ =	shalt  }
0x80: {  	_ =	shalt  }
0x81: {  	_ =	shalt  }
0x82: {  	_ =	shalt  }
0x83: {  	_ =	shalt  }
0x84: {  	_ =	shalt  }
0x85: {  	_ =	shalt  }
0x86: {  	_ =	shalt  }
0x87: {  	_ =	shalt  }
.Lfunc_end0:
.L_simem_size_0:
called_computation.3_lowered:
.L_overlay_start_0:
0x88: {  	s2 =	sld [smem:$0x3FD9]  }
0x89: {  	s3 =	sld [smem:$0x3FFE];
	_ =	sdelay $0x1  }
0x8a: {  	s1 =	srdreg.scid  }
0x8b: {  	s0 =	sand.u32 $0x1, s1  }
0x8c: {  	s17 =	sshll.u32 s0, $0xA;
	s2 =	sadd.s32 s3, s2  }
0x8d: {  	s2 =	sadd.s32 s2, s17  }
0x8e: {  	[smem:$0x3FAB] =	sst s2  }
0x8f: {  	_ = 	snop  }
0x90: {  	s18 =	sld [smem:$0x3FD0];
	(tm) =	ssettm $0x1  }
0x91: {  	s19 =	sld [smem:$0x3FFB];
	_ =	sdelay $0x3  }
0x92: {  	_ =	strace s19  }
0x93: {  	s2 =	sld [smem:$0x3FFC];
	_ =	sdelay $0x3  }
0x94: {  	_ =	strace s2  }
0x95: {  	s2 =	sld [smem:$0x3FFD];
	_ =	sdelay $0x3  }
0x96: {  	_ =	strace s2  }
0x97: {  	_ =	strace $0x8FFFFFFF  }
0x98: {  	s20 =	sld [smem:$0x3FDB];
	_ =	sdelay $0x1  }
0x99: {  	s4 =	simm.s32 $_scs_section_size  }
0x9a: {  	s5 =	simm.s32 $_size__tile_overlayer_lowered;
	s6 =	simm.s32 $_tile_overlayer_lowered  }
0x9b: {  	s7 =	simm.s32 $0x1BFF;
	s21 =	sshll.u32 s6, $0x1;
	s4 =	sadd.s32 s4, s20  }
0x9c: {  	s22 =	simm.s32 $0x0;
	s5 =	sshll.u32 s5, $0x1;
	s6 =	sadd.s32 s21, s4  }
0x9d: {  	[timem:s22], [sflag:s7] =	dma.local [hbm:s6], s5  }
0x9e: {  	_ =	swait.ge [sflag:s7], s5  }
0x9f: {  	s5 =	ssub.s32 $0x0, s5;
	[sflag:s7] =	ssyncset.done $0x0  }
0xa0: {  	[sflag:s7] =	ssyncadd.s32 s5;
	_ =	sdelay $0x1  }
0xa1: {  	s23 =	simm.s32 $0x1B8B  }
0xa2: {  	_ =	swait.ge [sflag:s23], $0x1  }
0xa3: {  	[sflag:s23] =	ssyncset.done $0x0  }
0xa4: {  	[sflag:s23] =	ssyncadd.s32 $0xFFFFFFFF  }
0xa5: {  	s5 =	sld [smem:$0x0]  }
0xa6: {  	s6 =	sand.u32 $0xFFFFFFFE, s1  }
0xa7: {  	p0 =	sne.s32 s1, s6  }
0xa8: {  	s6 =	sshll.u32 @p0 s6, $0xE  }
0xa9: {  	s6 =	sadd.s32 @p0 $0x11B8D, s6;
	s7 =	sshll.u32 @p0 s5, $0x11  }
0xaa: {  	s6 =	sor.u32 @p0 s7, s6  }
0xab: {  	[sflag:s6] =	ssyncadd.remote.s32 @p0 $0x1;
	_ =	sdelay $0x1  }
0xac: {  	s6 =	simm.s32 @p0 $0x1B8D  }
0xad: {  	_ =	swait.eq @p0 [sflag:s6], $0x1  }
0xae: {  	[sflag:s6] =	ssyncadd.s32 @p0 $0xFFFFFFFF  }
0xaf: {  	s7 =	sshll.u32 @!p0 s1, $0xE  }
0xb0: {  	s7 =	sor.u32 @!p0 $0x4000, s7;
	s6 =	simm.s32 @!p0 $0x1B8D  }
0xb1: {  	s5 =	sshll.u32 @!p0 s5, $0x11;
	s7 =	sadd.s32 @!p0 $0x11B8D, s7;
	_ =	swait.eq @!p0 [sflag:s6], $0x1  }
0xb2: {  	s5 =	sor.u32 @!p0 s5, s7;
	[sflag:s6] =	ssyncadd.s32 @!p0 $0xFFFFFFFF  }
0xb3: {  	s25 =	simm.s32 $0x1B8E;
	s24 =	sld [smem:$0x3FFE];
	[sflag:s5] =	ssyncadd.remote.s32 @!p0 $0x1  }
0xb4: {  	s26 =	simm.s32 $execute0_lowered;
	[smem:$0x3FD2] =	sst s25  }
0xb5: {  	s6 =	sshll.u32 s26, $0x1;
	_ =	strace $0x8000004C;
	[dreg:$0x1] =	wrdreg $0xFFFFFFFF  }
0xb6: {  	s28 =	simm.s32 $_size_execute0_lowered;
	s4 =	sadd.s32 s4, s6;
	[dreg:$0x0] =	wrdreg $0x0  }
0xb7: {  	s6 =	sshll.u32 s28, $0x1;
	[dreg:$0x2] =	wrdreg s4  }
0xb8: {  	[dreg:$0x3] =	wrdreg s6  }
0xb9: {  	[dreg:$0x4] =	wrdreg $0xC0  }
0xba: {  	_ =	task [dreg:s22], $0x5FFFF  }
0xbb: {  	[dreg:$0x1] =	wrdreg $0xFFFFFFFF  }
0xbc: {  	[dreg:$0x0] =	wrdreg $0x60  }
0xbd: {  	[dreg:$0x2] =	wrdreg s24  }
0xbe: {  	[dreg:$0x3] =	wrdreg s18  }
0xbf: {  	[dreg:$0x4] =	wrdreg $0xC  }
0xc0: {  	_ =	task.clear_ibuf [dreg:s22], $0x5FFFF;
	_ =	strace $0x9000004C  }
0xc1: {  	s29 =	simm.s32 $0xC;
	_ =	strace $0x8000004E  }
0xc2: {  	_ =	swait.ge [sflag:s29], $0x1  }
0xc3: {  	[sflag:s29] =	ssyncadd.s32 $0xFFFFFFFF  }
0xc4: {  	_ =	strace $0x9000004E  }
0xc5: {  	_ =	sfence  }
0xc6: {  	s30 =	sld [smem:$0x0];
	_ =	sdelay $0x2  }
0xc7: {  	s31 =	sshll.u32 s1, $0xD;
	s1 =	sshrl.u32 s1, $0x2  }
0xc8: {  	s4 =	sand.u32 $0x4000, s31;
	s1 =	sadd.s32 s1, s30  }
0xc9: {  	s0 =	sor.u32 s4, s0;
	s1 =	sshll.u32 s1, $0x11  }
0xca: {  	s0 =	sor.u32 s1, s0  }
0xcb: {  	s0 =	sadd.s32 $0x8F2B, s0  }
0xcc: {  	[sflag:s0] =	ssyncadd.remote.s32 $0x1  }
0xcd: {  	_ =	sfence.sel $0xFFFF  }
0xce: {  	[dreg:$0x0] =	wrdreg $0xFFFFFFFF;
	(pc) =	sbr.abs _section_cstart, $3  }
0xcf: {  	[dreg:$0x1] =	wrdreg $0xFFFFFFFF  }
0xd0: {  	_ =	task.clear_ibuf [dreg:s22], $0x2FFFF;
	_ =	strace $0x9FFFFFFF  }
0xd1: {  	(tm) =	ssettm $0x7FFFFFFF  }
tec
execute0_lowered:
.L_overlay_start_1:
0x0: {  	(tag) =	ssettag $0x1  }
0x1: {  	s4 =	rddreg [dreg:$0x0]  }
0x2: {  	s11 =	rddreg [dreg:$0x1]  }
0x3: {  	s0 =	rddreg [dreg:$0x2]  }
0x4: {  	s2 =	simm.s32 $0x0;
	s3 =	srdreg.scid;
	s1 =	stileid.u32  }
0x5: {  	s15 =	simm.s32 $0x4100;
	s16 =	simm.s32 $0x1;
	s17 =	simm.s32 $0x2  }
0x6: {  	s18 =	simm.s32 $0x0;
	[smem:$0x7FF] =	sst s2;
	s10 =	sand.u32 $0x1, s3  }
0x7: {  	s3 =	sadd.s32 $0x75E00, s4;
	s5 =	sshll.u32 s1, $0xC;
	s12 =	sadd.s32 $0x289E00, s4  }
0x8: {  	s14 =	sshll.u32 s1, $0x10;
	_ =	strace $0x8000004D;
	s6 =	sshll.u32 s10, $0xB  }
0x9: {  	s30 =	ssub.s32 $0x2, s10;
	s10 =	sshll.u32 s10, $0xF;
	s13 =	sor.u32 s6, s5  }
0xa: {  	s31 =	sshrl.u32 s30, $0x1;
	s6 =	sshrl.u32 s13, $0x3;
	s7 =	sshll.u32 s13, $0x4  }
0xb: {  	s5 =	ssub.s32 s30, s31;
	s9 =	sor.u32 $0x100, s13;
	s13 =	sor.u32 $0x80, s13  }
0xc: {  	s4 =	sadd.s32 s11, s6;
	s8 =	sadd.s32 s12, s7;
	s5 =	smax.u32 s5, $0x1  }
0xd: {  	s9 =	sshrl.u32 s9, $0x3;
	s12 =	sadd.s32 s14, s12;
	s13 =	sshrl.u32 s13, $0x3  }
0xe: {  	s14 =	simm.s32 $0x100;
	s6 =	sadd.s32 $0xF0, s4;
	s7 =	sadd.s32 $0x7000, s8  }
0xf: {  	s8 =	sadd.s32 $0x7800, s8;
	s9 =	sadd.s32 s9, s11;
	s10 =	sadd.s32 s10, s12  }
0x10: {  	s11 =	sadd.s32 s13, s11;
	s12 =	simm.s32 $0x3;
	s13 =	simm.s32 $0x80  }
.LBB2_1:
0x11: {  	[tilespmem:s2], [sflag:$0x3] =	stream.linear.gather [hbm4b:s4+s2], $0x80, $0x38;
	[tilespmem:$0x8100] =	vst v63  }
0x12: {  	_ =	swait.ge [sflag:s12], $0x80  }
0x13: {  	[sflag:s12] =	ssyncset.done $0x0  }
0x14: {  	[sflag:s12] =	ssyncadd.s32 $0xFFFFFF80  }
0x15: {  	[tilespmem:s14], [sflag:$0x1] =	stream.indirect.gather [hbm4b:s3+s13], $0x80, s2, s13, $0xb8;
	[tilespmem:$0x8100] =	vst v63  }
0x16: {  	s19 =	sadd.s32 $0x0, s11  }
0x17: {  	[tilespmem:s13], [sflag:$0x3] =	stream.linear.gather [hbm4b:s19+s2], $0x80, $0x38;
	[tilespmem:$0x8100] =	vst v63  }
0x18: {  	_ =	swait.ge [sflag:s12], $0x80  }
0x19: {  	[sflag:s12] =	ssyncset.done $0x0  }
0x1a: {  	[sflag:s12] =	ssyncadd.s32 $0xFFFFFF80  }
0x1b: {  	[tilespmem:s15], [sflag:$0x2] =	stream.indirect.gather [hbm4b:s3+s13], $0x80, s13, s13, $0xb8;
	[tilespmem:$0x8100] =	vst v63  }
0x1c: {  	_ =	swait.ge [sflag:s16], $0x4000  }
0x1d: {  	[sflag:s16] =	ssyncset.done $0x0  }
0x1e: {  	[sflag:s16] =	ssyncadd.s32 $0xFFFFC000  }
0x1f: {  	[hbm4b:s10+s2] =	stream.linear.scatter [tilespmem:s14], [sflag:$0x3], $0x4000, $0x38;
	[tilespmem:$0x8100] =	vst v63  }
0x20: {  	_ =	swait.ge [sflag:s12], $0x4000  }
0x21: {  	[sflag:s12] =	ssyncset.done $0x0  }
0x22: {  	s30 =	sadd.s32 $0x0, s9;
	[sflag:s12] =	ssyncadd.s32 $0xFFFFC000  }
0x23: {  	[tilespmem:s2], [sflag:$0x3] =	stream.linear.gather [hbm4b:s30+s2], $0x80, $0x38;
	[tilespmem:$0x8100] =	vst v63  }
0x24: {  	_ =	swait.ge [sflag:s12], $0x80  }
0x25: {  	[sflag:s12] =	ssyncset.done $0x0  }
0x26: {  	[sflag:s12] =	ssyncadd.s32 $0xFFFFFF80  }
0x27: {  	[tilespmem:s14], [sflag:$0x1] =	stream.indirect.gather [hbm4b:s3+s13], $0x80, s2, s13, $0xb8;
	[tilespmem:$0x8100] =	vst v63  }
0x28: {  	_ =	swait.ge [sflag:s17], $0x4000  }
0x29: {  	[sflag:s17] =	ssyncset.done $0x0  }
0x2a: {  	s31 =	sadd.s32 $0x800, s10;
	[sflag:s17] =	ssyncadd.s32 $0xFFFFC000  }
0x2b: {  	[hbm4b:s31+s2] =	stream.linear.scatter [tilespmem:s15], [sflag:$0x3], $0x4000, $0x38;
	[tilespmem:$0x8100] =	vst v63  }
0x2c: {  	s20 =	simm.s32 $0x20;
	_ =	swait.ge [sflag:s12], $0x4000  }
0x2d: {  	s21 =	simm.s32 $0x40;
	s19 =	sadd.s32 $0x1000, s10;
	[sflag:s12] =	ssyncset.done $0x0  }
.LBB2_2:
0x2e: {  	s22 =	sadd.s32 s20, s11  }
0x2f: {  	[sflag:s12] =	ssyncadd.s32 $0xFFFFC000;
	s23 =	smov.u32 s21;
	s24 =	sadd.s32 $0x20, s21  }
0x30: {  	[tilespmem:s13], [sflag:$0x3] =	stream.linear.gather [hbm4b:s22+s2], $0x80, $0x38;
	[tilespmem:$0x8100] =	vst v63  }
0x31: {  	p0 =	sne.s32 s21, $0xC0;
	_ =	swait.ge [sflag:s12], $0x80  }
0x32: {  	[sflag:s12] =	ssyncset.done $0x0  }
0x33: {  	[sflag:s12] =	ssyncadd.s32 $0xFFFFFF80  }
0x34: {  	[tilespmem:s15], [sflag:$0x2] =	stream.indirect.gather [hbm4b:s3+s13], $0x80, s13, s13, $0xb8;
	[tilespmem:$0x8100] =	vst v63  }
0x35: {  	_ =	swait.ge [sflag:s16], $0x4000  }
0x36: {  	[sflag:s16] =	ssyncset.done $0x0  }
0x37: {  	[sflag:s16] =	ssyncadd.s32 $0xFFFFC000  }
0x38: {  	[hbm4b:s19+s2] =	stream.linear.scatter [tilespmem:s14], [sflag:$0x3], $0x4000, $0x38;
	[tilespmem:$0x8100] =	vst v63  }
0x39: {  	_ =	swait.ge [sflag:s12], $0x4000  }
0x3a: {  	[sflag:s12] =	ssyncset.done $0x0  }
0x3b: {  	s21 =	sadd.s32 s20, s9;
	s20 =	smov.u32 s23;
	[sflag:s12] =	ssyncadd.s32 $0xFFFFC000  }
0x3c: {  	[tilespmem:s2], [sflag:$0x3] =	stream.linear.gather [hbm4b:s21+s2], $0x80, $0x38;
	[tilespmem:$0x8100] =	vst v63  }
0x3d: {  	_ =	swait.ge [sflag:s12], $0x80  }
0x3e: {  	[sflag:s12] =	ssyncset.done $0x0  }
0x3f: {  	[sflag:s12] =	ssyncadd.s32 $0xFFFFFF80  }
0x40: {  	[tilespmem:s14], [sflag:$0x1] =	stream.indirect.gather [hbm4b:s3+s13], $0x80, s2, s13, $0xb8;
	[tilespmem:$0x8100] =	vst v63  }
0x41: {  	_ =	swait.ge [sflag:s17], $0x4000  }
.Ltmp0:
0x42: {  	[sflag:s17] =	ssyncset.done $0x0;
	(pc) =	sbr.rel @p0 .LBB2_2-.Ltmp0, $4  }
0x43: {  	s21 =	sadd.s32 $0x800, s19;
	[sflag:s17] =	ssyncadd.s32 $0xFFFFC000  }
0x44: {  	[hbm4b:s21+s2] =	stream.linear.scatter [tilespmem:s15], [sflag:$0x3], $0x4000, $0x38;
	[tilespmem:$0x8100] =	vst v63  }
0x45: {  	_ =	swait.ge [sflag:s12], $0x4000  }
0x46: {  	s19 =	sadd.s32 $0x1000, s19;
	s21 =	smov.u32 s24;
	[sflag:s12] =	ssyncset.done $0x0  }
0x47: {  	s21 =	sadd.s32 s20, s11;
	[sflag:s12] =	ssyncadd.s32 $0xFFFFC000  }
0x48: {  	[tilespmem:s13], [sflag:$0x3] =	stream.linear.gather [hbm4b:s21+s2], $0x80, $0x38;
	[tilespmem:$0x8100] =	vst v63  }
0x49: {  	_ =	swait.ge [sflag:s12], $0x80  }
0x4a: {  	[sflag:s12] =	ssyncset.done $0x0  }
0x4b: {  	[sflag:s12] =	ssyncadd.s32 $0xFFFFFF80  }
0x4c: {  	[tilespmem:s15], [sflag:$0x2] =	stream.indirect.gather [hbm4b:s3+s13], $0x80, s13, s13, $0xb8;
	[tilespmem:$0x8100] =	vst v63  }
0x4d: {  	_ =	swait.ge [sflag:s16], $0x4000  }
0x4e: {  	[sflag:s16] =	ssyncset.done $0x0  }
0x4f: {  	[sflag:s16] =	ssyncadd.s32 $0xFFFFC000  }
0x50: {  	[hbm4b:s19+s2] =	stream.linear.scatter [tilespmem:s14], [sflag:$0x3], $0x4000, $0x38;
	[tilespmem:$0x8100] =	vst v63  }
0x51: {  	_ =	swait.ge [sflag:s12], $0x4000  }
0x52: {  	[sflag:s12] =	ssyncset.done $0x0  }
0x53: {  	s30 =	sadd.s32 s20, s9;
	[sflag:s12] =	ssyncadd.s32 $0xFFFFC000  }
0x54: {  	[tilespmem:s2], [sflag:$0x3] =	stream.linear.gather [hbm4b:s30+s2], $0x80, $0x38;
	[tilespmem:$0x8100] =	vst v63  }
0x55: {  	_ =	swait.ge [sflag:s12], $0x80  }
0x56: {  	[sflag:s12] =	ssyncset.done $0x0  }
0x57: {  	[sflag:s12] =	ssyncadd.s32 $0xFFFFFF80  }
0x58: {  	[tilespmem:s14], [sflag:$0x1] =	stream.indirect.gather [hbm4b:s3+s13], $0x80, s2, s13, $0xb8;
	[tilespmem:$0x8100] =	vst v63  }
0x59: {  	_ =	swait.ge [sflag:s17], $0x4000  }
0x5a: {  	[sflag:s17] =	ssyncset.done $0x0  }
0x5b: {  	s31 =	sadd.s32 $0x800, s19;
	[sflag:s17] =	ssyncadd.s32 $0xFFFFC000  }
0x5c: {  	[hbm4b:s31+s2] =	stream.linear.scatter [tilespmem:s15], [sflag:$0x3], $0x4000, $0x38;
	[tilespmem:$0x8100] =	vst v63  }
0x5d: {  	_ =	swait.ge [sflag:s12], $0x4000  }
0x5e: {  	[sflag:s12] =	ssyncset.done $0x0  }
0x5f: {  	[sflag:s12] =	ssyncadd.s32 $0xFFFFC000  }
0x60: {  	[tilespmem:s13], [sflag:$0x3] =	stream.linear.gather [hbm4b:s6+s2], $0x80, $0x38;
	[tilespmem:$0x8100] =	vst v63  }
0x61: {  	_ =	swait.ge [sflag:s12], $0x80  }
0x62: {  	[sflag:s12] =	ssyncset.done $0x0  }
0x63: {  	[sflag:s12] =	ssyncadd.s32 $0xFFFFFF80  }
0x64: {  	[tilespmem:s15], [sflag:$0x2] =	stream.indirect.gather [hbm4b:s3+s13], $0x80, s13, s13, $0xb8;
	[tilespmem:$0x8100] =	vst v63  }
0x65: {  	_ =	swait.ge [sflag:s16], $0x4000  }
0x66: {  	[sflag:s16] =	ssyncset.done $0x0  }
0x67: {  	[sflag:s16] =	ssyncadd.s32 $0xFFFFC000  }
0x68: {  	[hbm4b:s7+s2] =	stream.linear.scatter [tilespmem:s14], [sflag:$0x3], $0x4000, $0x38;
	[tilespmem:$0x8100] =	vst v63  }
0x69: {  	_ =	swait.ge [sflag:s12], $0x4000  }
0x6a: {  	[sflag:s12] =	ssyncset.done $0x0  }
0x6b: {  	[sflag:s12] =	ssyncadd.s32 $0xFFFFC000  }
0x6c: {  	s18 =	sadd.s32 $0x1, s18;
	_ =	swait.ge [sflag:s17], $0x4000  }
0x6d: {  	p0 =	sne.s32 s18, s5;
	[sflag:s17] =	ssyncset.done $0x0  }
.Ltmp1:
0x6e: {  	[sflag:s17] =	ssyncadd.s32 $0xFFFFC000;
	(pc) =	sbr.rel @p0 .LBB2_1-.Ltmp1, $4  }
0x6f: {  	[hbm4b:s8+s2] =	stream.linear.scatter [tilespmem:s15], [sflag:$0x3], $0x4000, $0x38;
	[tilespmem:$0x8100] =	vst v63  }
0x70: {  	_ =	swait.ge [sflag:s12], $0x4000  }
0x71: {  	[sflag:s12] =	ssyncset.done $0x0  }
0x72: {  	[sflag:s12] =	ssyncadd.s32 $0xFFFFC000  }
0x73: {  	_ =	sfence.sel $0x180000  }
0x74: {  	[bflag:$0x0] =	sbarrier.arrive $0xFFFF  }
0x75: {  	p0 =	sne.s32 s1, $0x0;
	_ =	strace $0x9000004D  }
0x76: {  	s0 =	sadd.s32 @!p0 $0x100000, s0;
	[bflag:$0x2] =	sbarrier.arrive $0xFFFF  }
0x77: {  	[sflag:s0] =	ssyncadd.tile.s32 @!p0 $0x1;
	_ =	shalt  }
.Lfunc_end2:
_tile_overlayer_lowered:
.L_overlay_start_2:
0x78: {  	(tag) =	ssettag $0x2  }
0x79: {  	s0 =	rddreg [dreg:$0x0];
	s2 =	stileid.u32  }
0x7a: {  	s1 =	rddreg [dreg:$0x1];
	p0 =	sne.s32 s2, $0x0  }
0x7b: {  	s3 =	rddreg [dreg:$0x2];
	[bflag:$0x3] =	sbarrier.arrive $0xFFFF;
	s2 =	simm.s32 @!p0 $0x1C03  }
0x7c: {  	[timem:s3], [sflag:s2] =	dma.local @!p0 [hbm:s0], s1  }
0x7d: {  	s0 =	simm.s32 @!p0 $0x3  }
0x7e: {  	_ =	swait.ge @!p0 [sflag:s0], s1  }
0x7f: {  	s1 =	ssub.s32 @!p0 $0x0, s1;
	[sflag:s0] =	ssyncset.done @!p0 $0x0  }
0x80: {  	[sflag:s0] =	ssyncadd.s32 @!p0 s1  }
0x81: {  	[bflag:$0x3] =	sbarrier.arrive $0xFFFF  }
0x82: {  	_ =	shalt  }

</sc_bundles>
